<compile_context>
chip_gen: v7x
topology: tpu7x:2x2x1
jax: 0.10.2.dev20260603
libtpu: 0.0.44.dev20260713+nightly
codegen_flags: <defaults>
</compile_context>

<pallas_src>
import functools

import jax
import jax.numpy as jnp
from jax import lax
from jax.experimental import pallas as pl
from jax.experimental.pallas import tpu as pltpu
from jax.experimental.pallas import tpu_sc as plsc

_LANES = 16


def _make_sc_kernel(batch, maxlen, embed, vocab):
    nc, ns = 2, 16
    nw = nc * ns
    bt = 128
    et = 8
    assert batch % (bt * nw) == 0 and embed % (et * _LANES // 8) == 0
    n_tb = batch // bt
    n_te = embed // et
    k_sl = embed // _LANES
    tb_per_w = n_tb // nw
    assert tb_per_w == 1 and maxlen % et == 0

    mesh = plsc.VectorSubcoreMesh(core_axis_name="c", subcore_axis_name="s")

    @functools.partial(
        pl.kernel,
        mesh=mesh,
        compiler_params=pltpu.CompilerParams(use_tc_tiling_on_sc=False,
                                             needs_layout_passes=False),
        out_type=jax.ShapeDtypeStruct((maxlen, n_te, n_tb, et, bt),
                                      jnp.float32),
        scratch_types=[
            pltpu.VMEM((maxlen // et, et, bt), jnp.int32),
            pltpu.VMEM((maxlen, embed), jnp.float32),
            [pltpu.VMEM((bt, embed), jnp.float32) for _ in range(4)],
            [pltpu.VMEM((n_te, et, bt + 1), jnp.float32) for _ in range(4)],
            [pltpu.SemaphoreType.DMA for _ in range(4)],
            [pltpu.SemaphoreType.DMA for _ in range(4)],
        ],
    )
    def sc_kernel(xt_hbm, tab_hbm, pos_hbm, out_hbm, idx_v, pos_v, gbuf, sbuf,
                  gsem, ssem):
        cid = lax.axis_index("c")
        sid = lax.axis_index("s")
        w = sid * nc + cid
        pltpu.sync_copy(xt_hbm.at[:, w], idx_v)
        pltpu.sync_copy(pos_hbm, pos_v)

        lane = lax.broadcasted_iota(jnp.int32, (_LANES,), 0)
        ei_v = lane & 7
        te_vs = [(lane >> 3) + 2 * k for k in range(k_sl)]

        def fire_gather(l, b):
            pltpu.async_copy(tab_hbm.at[idx_v.at[l >> 3, l & 7]], gbuf[b],
                             gsem[b])

        def wait_gather(b):
            pltpu.make_async_copy(tab_hbm.at[pl.ds(0, bt)], gbuf[b],
                                  gsem[b]).wait()

        def fire_store(l, b):
            pltpu.async_copy(sbuf[b].at[:, :, pl.ds(0, bt)],
                             out_hbm.at[l, :, w], ssem[b])

        def wait_store(b):
            pltpu.make_async_copy(sbuf[b].at[:, :, pl.ds(0, bt)],
                                  out_hbm.at[0, :, 0], ssem[b]).wait()

        def transpose_add(l, b):
            pvs = [pos_v[l, pl.ds(k * _LANES, _LANES)] for k in range(k_sl)]

            @plsc.parallel_loop(0, bt, unroll=4)
            def bi_body(bi):
                bsp = jnp.full((_LANES,), 0, jnp.int32) + bi
                for k in range(k_sl):
                    v = gbuf[b][bi, pl.ds(k * _LANES, _LANES)] + pvs[k]
                    plsc.store_scatter(sbuf[b], [te_vs[k], ei_v, bsp], v)

        nbuf = 4
        for b in range(nbuf):
            fire_gather(b, b)
        for b in range(nbuf):
            wait_gather(b)
            transpose_add(b, b)
            fire_gather(b + nbuf, b)
            fire_store(b, b)

        def l_body(t, _):
            l0 = nbuf * t
            for b in range(nbuf):
                l = l0 + b
                wait_gather(b)
                wait_store(b)
                transpose_add(l, b)

                @pl.when(l + nbuf < maxlen)
                def _():
                    fire_gather(l + nbuf, b)

                fire_store(l, b)
            return 0

        lax.fori_loop(1, maxlen // nbuf, l_body, 0, unroll=1)

        for b in range(nbuf):
            wait_store(b)

    return sc_kernel


def kernel(x, token_table, pos_table):
    batch, maxlen = x.shape
    vocab, embed = token_table.shape
    lt, bt = maxlen // 8, batch // 128
    xp = x.reshape(bt, 128, lt, 8).transpose(2, 0, 3, 1)
    sc = _make_sc_kernel(batch, maxlen, embed, vocab)
    out5 = sc(xp, token_table, pos_table)
    t = out5.transpose(2, 4, 0, 1, 3)
    return t.reshape(batch, maxlen, embed)

# --- scband reference (transcript-rebuilt; emitter-appended) ---
"""Pipeline reference for scband-transformer-embedding-11605001634070 (READ-ONLY COPY).

The authoritative reference and input builder live on the scoring server;
editing this copy changes nothing except your own understanding.
"""

import jax, jax.numpy as jnp
import numpy as np

MAXLEN = 200
VOCAB = 100000
EMBED = 64
BATCH = 4096


def init_pos_emb(maxlen, embed_dim):
    # Faithful port of TransformerEmbedding.init_pos_emb
    pos = jnp.arange(0, maxlen, dtype=jnp.float32).reshape(maxlen, 1)
    dim = jnp.arange(0, embed_dim, dtype=jnp.float32).reshape(1, embed_dim)
    phase = pos / jnp.power(10000.0, jnp.floor_divide(dim, float(embed_dim)))
    return jnp.where(jnp.mod(dim, 2.0) == 0.0, jnp.sin(phase), jnp.cos(phase))


def setup_inputs(seed: int = 0) -> dict:
    key = jax.random.key(seed)
    k1, k2 = jax.random.split(key)
    x = jax.random.randint(k1, (BATCH, MAXLEN), 0, VOCAB, dtype=jnp.int32)
    # glorot_uniform init for the token embedding table
    limit = np.sqrt(6.0 / (VOCAB + EMBED))
    token_table = jax.random.uniform(k2, (VOCAB, EMBED), minval=-limit, maxval=limit, dtype=jnp.float32)
    pos_table = init_pos_emb(MAXLEN, EMBED).astype(jnp.float32)
    return {"x": x, "token_table": token_table, "pos_table": pos_table}


def reference(x, token_table, pos_table):
    maxlen = x.shape[-1]
    positions = jnp.arange(0, maxlen, dtype=jnp.int32)
    pos = jnp.take(pos_table, positions, axis=0)          # [maxlen, embed]
    tok = jnp.take(token_table, x, axis=0)                # [B, maxlen, embed]
    return tok + pos[None, :, :]

if __name__ == "__main__":
    import jax
    _d = setup_inputs()
    print(jax.jit(kernel)(*tuple(_d.values())))

</pallas_src>

<mosaic_0001>
#map = affine_map<(d0, d1) -> (0, 0, 0, 0)>
#map1 = affine_map<(d0, d1) -> (0, 0)>
#map2 = affine_map<(d0, d1) -> (0, 0, 0, 0, 0)>
module attributes {stable_mosaic.version = 14 : i64} {
  func.func @sc_kernel(%arg0: i32, %arg1: i32, %arg2: memref<25x32x8x128xi32, #tpu.memory_space<hbm>>, %arg3: memref<100000x64xf32, #tpu.memory_space<hbm>>, %arg4: memref<200x64xf32, #tpu.memory_space<hbm>>, %arg5: memref<200x8x32x8x128xf32, #tpu.memory_space<hbm>>, %arg6: memref<25x8x128xi32, #tpu.memory_space<vmem>>, %arg7: memref<200x64xf32, #tpu.memory_space<vmem>>, %arg8: memref<128x64xf32, #tpu.memory_space<vmem>>, %arg9: memref<128x64xf32, #tpu.memory_space<vmem>>, %arg10: memref<128x64xf32, #tpu.memory_space<vmem>>, %arg11: memref<128x64xf32, #tpu.memory_space<vmem>>, %arg12: memref<8x8x129xf32, #tpu.memory_space<vmem>>, %arg13: memref<8x8x129xf32, #tpu.memory_space<vmem>>, %arg14: memref<8x8x129xf32, #tpu.memory_space<vmem>>, %arg15: memref<8x8x129xf32, #tpu.memory_space<vmem>>, %arg16: memref<!tpu.dma_semaphore, #tpu.memory_space<semaphore_mem>>, %arg17: memref<!tpu.dma_semaphore, #tpu.memory_space<semaphore_mem>>, %arg18: memref<!tpu.dma_semaphore, #tpu.memory_space<semaphore_mem>>, %arg19: memref<!tpu.dma_semaphore, #tpu.memory_space<semaphore_mem>>, %arg20: memref<!tpu.dma_semaphore, #tpu.memory_space<semaphore_mem>>, %arg21: memref<!tpu.dma_semaphore, #tpu.memory_space<semaphore_mem>>, %arg22: memref<!tpu.dma_semaphore, #tpu.memory_space<semaphore_mem>>, %arg23: memref<!tpu.dma_semaphore, #tpu.memory_space<semaphore_mem>>) attributes {dimension_semantics = [#tpu.dimension_semantics<core_parallel>, #tpu.dimension_semantics<subcore_parallel>], iteration_bounds = array<i64: 2, 16>, scalar_prefetch = 0 : i64, scratch_operands = 18 : i64, tpu.core_type = #tpu.core_type<sc_vector_subcore>, window_params = [{transform_indices = #map}, {transform_indices = #map1}, {transform_indices = #map1}, {transform_indices = #map2}]} {
    %mul3A = arith.constant 2 : i32
    %mul3A_0 = arith.muli %arg1, %mul3A : i32
    %add3A = arith.addi %mul3A_0, %arg0 : i32
    "tpu.region"() ({
      %run_scoped3A = tpu.sem_alloc : memref<!tpu.dma_semaphore, #tpu.memory_space<semaphore_mem>>
      %dma_start3A_348 = arith.constant 0 : i32
      %dma_start3A_349 = arith.constant 0 : i32
      %dma_start3A_350 = arith.constant 0 : i32
      %dma_start3A_351 = tpu.memref_slice %arg2[%dma_start3A_348, %add3A, %dma_start3A_349, %dma_start3A_350] : memref<25x32x8x128xi32, #tpu.memory_space<hbm>> -> memref<25x1x8x128xi32, #tpu.memory_space<hbm>>
      %dma_start3A_352 = tpu.memref_squeeze %dma_start3A_351 : memref<25x1x8x128xi32, #tpu.memory_space<hbm>> -> memref<25x8x128xi32, #tpu.memory_space<hbm>>
      %dma_start3A_353 = arith.constant 0 : i32
      %dma_start3A_354 = arith.constant 0 : i32
      %dma_start3A_355 = arith.constant 0 : i32
      %dma_start3A_356 = tpu.memref_slice %arg2[%dma_start3A_353, %add3A, %dma_start3A_354, %dma_start3A_355] : memref<25x32x8x128xi32, #tpu.memory_space<hbm>> -> memref<25x1x8x128xi32, #tpu.memory_space<hbm>>
      %dma_start3A_357 = tpu.memref_squeeze %dma_start3A_356 : memref<25x1x8x128xi32, #tpu.memory_space<hbm>> -> memref<25x8x128xi32, #tpu.memory_space<hbm>>
      tpu.enqueue_dma source(%dma_start3A_357 : memref<25x8x128xi32, #tpu.memory_space<hbm>>) target(%arg6 : memref<25x8x128xi32, #tpu.memory_space<vmem>>) target_semaphore(%run_scoped3A : memref<!tpu.dma_semaphore, #tpu.memory_space<semaphore_mem>>)
      %dma_wait3A_358 = arith.constant 0 : i32
      %dma_wait3A_359 = arith.constant 0 : i32
      %dma_wait3A_360 = arith.constant 0 : i32
      %dma_wait3A_361 = tpu.memref_slice %arg2[%dma_wait3A_358, %add3A, %dma_wait3A_359, %dma_wait3A_360] : memref<25x32x8x128xi32, #tpu.memory_space<hbm>> -> memref<25x1x8x128xi32, #tpu.memory_space<hbm>>
      %dma_wait3A_362 = tpu.memref_squeeze %dma_wait3A_361 : memref<25x1x8x128xi32, #tpu.memory_space<hbm>> -> memref<25x8x128xi32, #tpu.memory_space<hbm>>
      %dma_wait3A_363 = arith.constant 0 : i32
      %dma_wait3A_364 = arith.constant 0 : i32
      %dma_wait3A_365 = arith.constant 0 : i32
      %dma_wait3A_366 = tpu.memref_slice %arg2[%dma_wait3A_363, %add3A, %dma_wait3A_364, %dma_wait3A_365] : memref<25x32x8x128xi32, #tpu.memory_space<hbm>> -> memref<25x1x8x128xi32, #tpu.memory_space<hbm>>
      %dma_wait3A_367 = tpu.memref_squeeze %dma_wait3A_366 : memref<25x1x8x128xi32, #tpu.memory_space<hbm>> -> memref<25x8x128xi32, #tpu.memory_space<hbm>>
      tpu.wait_dma2 semaphore(%run_scoped3A : memref<!tpu.dma_semaphore, #tpu.memory_space<semaphore_mem>>) src(%dma_wait3A_367 : memref<25x8x128xi32, #tpu.memory_space<hbm>>) dst(%arg6 : memref<25x8x128xi32, #tpu.memory_space<vmem>>)
      tpu.yield
    }) : () -> ()
    "tpu.region"() ({
      %run_scoped3A = tpu.sem_alloc : memref<!tpu.dma_semaphore, #tpu.memory_space<semaphore_mem>>
      tpu.enqueue_dma source(%arg4 : memref<200x64xf32, #tpu.memory_space<hbm>>) target(%arg7 : memref<200x64xf32, #tpu.memory_space<vmem>>) target_semaphore(%run_scoped3A : memref<!tpu.dma_semaphore, #tpu.memory_space<semaphore_mem>>)
      tpu.wait_dma2 semaphore(%run_scoped3A : memref<!tpu.dma_semaphore, #tpu.memory_space<semaphore_mem>>) src(%arg4 : memref<200x64xf32, #tpu.memory_space<hbm>>) dst(%arg7 : memref<200x64xf32, #tpu.memory_space<vmem>>)
      tpu.yield
    }) : () -> ()
    %iota3A = tpu.iota {dimensions = array<i32: 0>} : vector<16xi32>
    %and3A = arith.constant 7 : i32
    %and3A_1 = vector.broadcast %and3A : i32 to vector<16xi32>
    %and3A_2 = arith.andi %iota3A, %and3A_1 : vector<16xi32>
    %shift_right_arithmetic3A = arith.constant 3 : i32
    %shift_right_arithmetic3A_3 = vector.broadcast %shift_right_arithmetic3A : i32 to vector<16xi32>
    %shift_right_arithmetic3A_4 = arith.shrsi %iota3A, %shift_right_arithmetic3A_3 : vector<16xi32>
    %add3A_5 = arith.constant 0 : i32
    %add3A_6 = vector.broadcast %add3A_5 : i32 to vector<16xi32>
    %add3A_7 = arith.addi %shift_right_arithmetic3A_4, %add3A_6 : vector<16xi32>
    %shift_right_arithmetic3A_8 = arith.constant 3 : i32
    %shift_right_arithmetic3A_9 = vector.broadcast %shift_right_arithmetic3A_8 : i32 to vector<16xi32>
    %shift_right_arithmetic3A_10 = arith.shrsi %iota3A, %shift_right_arithmetic3A_9 : vector<16xi32>
    %add3A_11 = arith.constant 2 : i32
    %add3A_12 = vector.broadcast %add3A_11 : i32 to vector<16xi32>
    %add3A_13 = arith.addi %shift_right_arithmetic3A_10, %add3A_12 : vector<16xi32>
    %shift_right_arithmetic3A_14 = arith.constant 3 : i32
    %shift_right_arithmetic3A_15 = vector.broadcast %shift_right_arithmetic3A_14 : i32 to vector<16xi32>
    %shift_right_arithmetic3A_16 = arith.shrsi %iota3A, %shift_right_arithmetic3A_15 : vector<16xi32>
    %add3A_17 = arith.constant 4 : i32
    %add3A_18 = vector.broadcast %add3A_17 : i32 to vector<16xi32>
    %add3A_19 = arith.addi %shift_right_arithmetic3A_16, %add3A_18 : vector<16xi32>
    %shift_right_arithmetic3A_20 = arith.constant 3 : i32
    %shift_right_arithmetic3A_21 = vector.broadcast %shift_right_arithmetic3A_20 : i32 to vector<16xi32>
    %shift_right_arithmetic3A_22 = arith.shrsi %iota3A, %shift_right_arithmetic3A_21 : vector<16xi32>
    %add3A_23 = arith.constant 6 : i32
    %add3A_24 = vector.broadcast %add3A_23 : i32 to vector<16xi32>
    %add3A_25 = arith.addi %shift_right_arithmetic3A_22, %add3A_24 : vector<16xi32>
    %dma_start3A = arith.constant 0 : i32
    %dma_start3A_26 = arith.constant 0 : i32
    %dma_start3A_27 = arith.constant 0 : i32
    %dma_start3A_28 = tpu.memref_slice %arg6[%dma_start3A, %dma_start3A_26, %dma_start3A_27] : memref<25x8x128xi32, #tpu.memory_space<vmem>> -> memref<1x1x128xi32, #tpu.memory_space<vmem>>
    %dma_start3A_29 = tpu.memref_squeeze %dma_start3A_28 : memref<1x1x128xi32, #tpu.memory_space<vmem>> -> memref<128xi32, #tpu.memory_space<vmem>>
    %dma_start3A_30 = arith.constant 0 : i32
    %dma_start3A_31 = arith.constant 0 : i32
    %dma_start3A_32 = tpu.memref_slice %arg3[%dma_start3A_30, %dma_start3A_31] : memref<100000x64xf32, #tpu.memory_space<hbm>> -> memref<100000x64xf32, #tpu.memory_space<hbm>>
    tpu.enqueue_indirect_dma source(%dma_start3A_32 : memref<100000x64xf32, #tpu.memory_space<hbm>>) target(%arg8 : memref<128x64xf32, #tpu.memory_space<vmem>>) offsets(%dma_start3A_29 : memref<128xi32, #tpu.memory_space<vmem>>) semaphore(%arg16 : memref<!tpu.dma_semaphore, #tpu.memory_space<semaphore_mem>>)
    %dma_start3A_33 = arith.constant 0 : i32
    %dma_start3A_34 = arith.constant 1 : i32
    %dma_start3A_35 = arith.constant 0 : i32
    %dma_start3A_36 = tpu.memref_slice %arg6[%dma_start3A_33, %dma_start3A_34, %dma_start3A_35] : memref<25x8x128xi32, #tpu.memory_space<vmem>> -> memref<1x1x128xi32, #tpu.memory_space<vmem>>
    %dma_start3A_37 = tpu.memref_squeeze %dma_start3A_36 : memref<1x1x128xi32, #tpu.memory_space<vmem>> -> memref<128xi32, #tpu.memory_space<vmem>>
    %dma_start3A_38 = arith.constant 0 : i32
    %dma_start3A_39 = arith.constant 0 : i32
    %dma_start3A_40 = tpu.memref_slice %arg3[%dma_start3A_38, %dma_start3A_39] : memref<100000x64xf32, #tpu.memory_space<hbm>> -> memref<100000x64xf32, #tpu.memory_space<hbm>>
    tpu.enqueue_indirect_dma source(%dma_start3A_40 : memref<100000x64xf32, #tpu.memory_space<hbm>>) target(%arg9 : memref<128x64xf32, #tpu.memory_space<vmem>>) offsets(%dma_start3A_37 : memref<128xi32, #tpu.memory_space<vmem>>) semaphore(%arg17 : memref<!tpu.dma_semaphore, #tpu.memory_space<semaphore_mem>>)
    %dma_start3A_41 = arith.constant 0 : i32
    %dma_start3A_42 = arith.constant 2 : i32
    %dma_start3A_43 = arith.constant 0 : i32
    %dma_start3A_44 = tpu.memref_slice %arg6[%dma_start3A_41, %dma_start3A_42, %dma_start3A_43] : memref<25x8x128xi32, #tpu.memory_space<vmem>> -> memref<1x1x128xi32, #tpu.memory_space<vmem>>
    %dma_start3A_45 = tpu.memref_squeeze %dma_start3A_44 : memref<1x1x128xi32, #tpu.memory_space<vmem>> -> memref<128xi32, #tpu.memory_space<vmem>>
    %dma_start3A_46 = arith.constant 0 : i32
    %dma_start3A_47 = arith.constant 0 : i32
    %dma_start3A_48 = tpu.memref_slice %arg3[%dma_start3A_46, %dma_start3A_47] : memref<100000x64xf32, #tpu.memory_space<hbm>> -> memref<100000x64xf32, #tpu.memory_space<hbm>>
    tpu.enqueue_indirect_dma source(%dma_start3A_48 : memref<100000x64xf32, #tpu.memory_space<hbm>>) target(%arg10 : memref<128x64xf32, #tpu.memory_space<vmem>>) offsets(%dma_start3A_45 : memref<128xi32, #tpu.memory_space<vmem>>) semaphore(%arg18 : memref<!tpu.dma_semaphore, #tpu.memory_space<semaphore_mem>>)
    %dma_start3A_49 = arith.constant 0 : i32
    %dma_start3A_50 = arith.constant 3 : i32
    %dma_start3A_51 = arith.constant 0 : i32
    %dma_start3A_52 = tpu.memref_slice %arg6[%dma_start3A_49, %dma_start3A_50, %dma_start3A_51] : memref<25x8x128xi32, #tpu.memory_space<vmem>> -> memref<1x1x128xi32, #tpu.memory_space<vmem>>
    %dma_start3A_53 = tpu.memref_squeeze %dma_start3A_52 : memref<1x1x128xi32, #tpu.memory_space<vmem>> -> memref<128xi32, #tpu.memory_space<vmem>>
    %dma_start3A_54 = arith.constant 0 : i32
    %dma_start3A_55 = arith.constant 0 : i32
    %dma_start3A_56 = tpu.memref_slice %arg3[%dma_start3A_54, %dma_start3A_55] : memref<100000x64xf32, #tpu.memory_space<hbm>> -> memref<100000x64xf32, #tpu.memory_space<hbm>>
    tpu.enqueue_indirect_dma source(%dma_start3A_56 : memref<100000x64xf32, #tpu.memory_space<hbm>>) target(%arg11 : memref<128x64xf32, #tpu.memory_space<vmem>>) offsets(%dma_start3A_53 : memref<128xi32, #tpu.memory_space<vmem>>) semaphore(%arg19 : memref<!tpu.dma_semaphore, #tpu.memory_space<semaphore_mem>>)
    %dma_wait3A = arith.constant 0 : i32
    %dma_wait3A_57 = arith.constant 0 : i32
    %dma_wait3A_58 = tpu.memref_slice %arg3[%dma_wait3A, %dma_wait3A_57] : memref<100000x64xf32, #tpu.memory_space<hbm>> -> memref<128x64xf32, #tpu.memory_space<hbm>>
    %dma_wait3A_59 = arith.constant 0 : i32
    %dma_wait3A_60 = arith.constant 0 : i32
    %dma_wait3A_61 = tpu.memref_slice %arg3[%dma_wait3A_59, %dma_wait3A_60] : memref<100000x64xf32, #tpu.memory_space<hbm>> -> memref<128x64xf32, #tpu.memory_space<hbm>>
    tpu.wait_dma2 semaphore(%arg16 : memref<!tpu.dma_semaphore, #tpu.memory_space<semaphore_mem>>) src(%dma_wait3A_61 : memref<128x64xf32, #tpu.memory_space<hbm>>) dst(%arg8 : memref<128x64xf32, #tpu.memory_space<vmem>>)
    %get3A = arith.constant 0 : i32
    %get3A_62 = arith.index_cast %get3A : i32 to index
    %get3A_63 = arith.constant 0 : index
    %get3A_64 = tpu.vector_load %arg7[%get3A_62, %get3A_63] {strides = array<i32>} : memref<200x64xf32, #tpu.memory_space<vmem>>, vector<16xf32>,
    %get3A_65 = arith.constant 0 : i32
    %get3A_66 = arith.index_cast %get3A_65 : i32 to index
    %get3A_67 = arith.constant 16 : index
    %get3A_68 = tpu.vector_load %arg7[%get3A_66, %get3A_67] {strides = array<i32>} : memref<200x64xf32, #tpu.memory_space<vmem>>, vector<16xf32>,
    %get3A_69 = arith.constant 0 : i32
    %get3A_70 = arith.index_cast %get3A_69 : i32 to index
    %get3A_71 = arith.constant 32 : index
    %get3A_72 = tpu.vector_load %arg7[%get3A_70, %get3A_71] {strides = array<i32>} : memref<200x64xf32, #tpu.memory_space<vmem>>, vector<16xf32>,
    %get3A_73 = arith.constant 0 : i32
    %get3A_74 = arith.index_cast %get3A_73 : i32 to index
    %get3A_75 = arith.constant 48 : index
    %get3A_76 = tpu.vector_load %arg7[%get3A_74, %get3A_75] {strides = array<i32>} : memref<200x64xf32, #tpu.memory_space<vmem>>, vector<16xf32>,
    %parallel_loop3A = arith.constant 0 : i32
    %parallel_loop3A_77 = arith.constant 128 : i32
    %parallel_loop3A_78 = arith.constant 1 : i32
    scf.for %parallel_loop3A_348 = %parallel_loop3A to %parallel_loop3A_77 step %parallel_loop3A_78  : i32 {
      %parallel_loop3A_349 = arith.constant 0 : i32
      %parallel_loop3A_350 = vector.broadcast %parallel_loop3A_349 : i32 to vector<16xi32>
      %parallel_loop3A_351 = vector.broadcast %parallel_loop3A_348 : i32 to vector<16xi32>
      %parallel_loop3A_352 = arith.addi %parallel_loop3A_350, %parallel_loop3A_351 : vector<16xi32>
      %parallel_loop3A_353 = arith.index_cast %parallel_loop3A_348 : i32 to index
      %parallel_loop3A_354 = arith.constant 0 : index
      %parallel_loop3A_355 = tpu.vector_load %arg8[%parallel_loop3A_353, %parallel_loop3A_354] {strides = array<i32>} : memref<128x64xf32, #tpu.memory_space<vmem>>, vector<16xf32>,
      %parallel_loop3A_356 = arith.addf %parallel_loop3A_355, %get3A_64 : vector<16xf32>
      tpu.vector_store_idx %arg12[%add3A_7, %and3A_2, %parallel_loop3A_352], %parallel_loop3A_356 : memref<8x8x129xf32, #tpu.memory_space<vmem>>[vector<16xi32>, vector<16xi32>, vector<16xi32>], vector<16xf32>,
      %parallel_loop3A_357 = arith.index_cast %parallel_loop3A_348 : i32 to index
      %parallel_loop3A_358 = arith.constant 16 : index
      %parallel_loop3A_359 = tpu.vector_load %arg8[%parallel_loop3A_357, %parallel_loop3A_358] {strides = array<i32>} : memref<128x64xf32, #tpu.memory_space<vmem>>, vector<16xf32>,
      %parallel_loop3A_360 = arith.addf %parallel_loop3A_359, %get3A_68 : vector<16xf32>
      tpu.vector_store_idx %arg12[%add3A_13, %and3A_2, %parallel_loop3A_352], %parallel_loop3A_360 : memref<8x8x129xf32, #tpu.memory_space<vmem>>[vector<16xi32>, vector<16xi32>, vector<16xi32>], vector<16xf32>,
      %parallel_loop3A_361 = arith.index_cast %parallel_loop3A_348 : i32 to index
      %parallel_loop3A_362 = arith.constant 32 : index
      %parallel_loop3A_363 = tpu.vector_load %arg8[%parallel_loop3A_361, %parallel_loop3A_362] {strides = array<i32>} : memref<128x64xf32, #tpu.memory_space<vmem>>, vector<16xf32>,
      %parallel_loop3A_364 = arith.addf %parallel_loop3A_363, %get3A_72 : vector<16xf32>
      tpu.vector_store_idx %arg12[%add3A_19, %and3A_2, %parallel_loop3A_352], %parallel_loop3A_364 : memref<8x8x129xf32, #tpu.memory_space<vmem>>[vector<16xi32>, vector<16xi32>, vector<16xi32>], vector<16xf32>,
      %parallel_loop3A_365 = arith.index_cast %parallel_loop3A_348 : i32 to index
      %parallel_loop3A_366 = arith.constant 48 : index
      %parallel_loop3A_367 = tpu.vector_load %arg8[%parallel_loop3A_365, %parallel_loop3A_366] {strides = array<i32>} : memref<128x64xf32, #tpu.memory_space<vmem>>, vector<16xf32>,
      %parallel_loop3A_368 = arith.addf %parallel_loop3A_367, %get3A_76 : vector<16xf32>
      tpu.vector_store_idx %arg12[%add3A_25, %and3A_2, %parallel_loop3A_352], %parallel_loop3A_368 : memref<8x8x129xf32, #tpu.memory_space<vmem>>[vector<16xi32>, vector<16xi32>, vector<16xi32>], vector<16xf32>,
    } {sc.loop_unroll_factor = 4 : i64, sc.parallel_access}
    %dma_start3A_79 = arith.constant 0 : i32
    %dma_start3A_80 = arith.constant 4 : i32
    %dma_start3A_81 = arith.constant 0 : i32
    %dma_start3A_82 = tpu.memref_slice %arg6[%dma_start3A_79, %dma_start3A_80, %dma_start3A_81] : memref<25x8x128xi32, #tpu.memory_space<vmem>> -> memref<1x1x128xi32, #tpu.memory_space<vmem>>
    %dma_start3A_83 = tpu.memref_squeeze %dma_start3A_82 : memref<1x1x128xi32, #tpu.memory_space<vmem>> -> memref<128xi32, #tpu.memory_space<vmem>>
    %dma_start3A_84 = arith.constant 0 : i32
    %dma_start3A_85 = arith.constant 0 : i32
    %dma_start3A_86 = tpu.memref_slice %arg3[%dma_start3A_84, %dma_start3A_85] : memref<100000x64xf32, #tpu.memory_space<hbm>> -> memref<100000x64xf32, #tpu.memory_space<hbm>>
    tpu.enqueue_indirect_dma source(%dma_start3A_86 : memref<100000x64xf32, #tpu.memory_space<hbm>>) target(%arg8 : memref<128x64xf32, #tpu.memory_space<vmem>>) offsets(%dma_start3A_83 : memref<128xi32, #tpu.memory_space<vmem>>) semaphore(%arg16 : memref<!tpu.dma_semaphore, #tpu.memory_space<semaphore_mem>>)
    %dma_start3A_87 = arith.constant 0 : i32
    %dma_start3A_88 = arith.constant 0 : i32
    %dma_start3A_89 = arith.constant 0 : i32
    %dma_start3A_90 = arith.constant 0 : i32
    %dma_start3A_91 = tpu.memref_slice %arg12[%dma_start3A_88, %dma_start3A_89, %dma_start3A_90] : memref<8x8x129xf32, #tpu.memory_space<vmem>> -> memref<8x8x128xf32, #tpu.memory_space<vmem>>
    %dma_start3A_92 = arith.constant 0 : i32
    %dma_start3A_93 = arith.constant 0 : i32
    %dma_start3A_94 = arith.constant 0 : i32
    %dma_start3A_95 = tpu.memref_slice %arg5[%dma_start3A_87, %dma_start3A_92, %add3A, %dma_start3A_93, %dma_start3A_94] : memref<200x8x32x8x128xf32, #tpu.memory_space<hbm>> -> memref<1x8x1x8x128xf32, #tpu.memory_space<hbm>>
    %dma_start3A_96 = tpu.memref_squeeze %dma_start3A_95 : memref<1x8x1x8x128xf32, #tpu.memory_space<hbm>> -> memref<8x8x128xf32, #tpu.memory_space<hbm>>
    %dma_start3A_97 = arith.constant 0 : i32
    %dma_start3A_98 = arith.constant 0 : i32
    %dma_start3A_99 = arith.constant 0 : i32
    %dma_start3A_100 = tpu.memref_slice %arg5[%dma_start3A_87, %dma_start3A_97, %add3A, %dma_start3A_98, %dma_start3A_99] : memref<200x8x32x8x128xf32, #tpu.memory_space<hbm>> -> memref<1x8x1x8x128xf32, #tpu.memory_space<hbm>>
    %dma_start3A_101 = tpu.memref_squeeze %dma_start3A_100 : memref<1x8x1x8x128xf32, #tpu.memory_space<hbm>> -> memref<8x8x128xf32, #tpu.memory_space<hbm>>
    %dma_start3A_102 = arith.constant 0 : i32
    %dma_start3A_103 = arith.constant 0 : i32
    %dma_start3A_104 = arith.constant 0 : i32
    %dma_start3A_105 = tpu.memref_slice %arg12[%dma_start3A_102, %dma_start3A_103, %dma_start3A_104] : memref<8x8x129xf32, #tpu.memory_space<vmem>> -> memref<8x8x128xf32, #tpu.memory_space<vmem>>
    tpu.enqueue_dma source(%dma_start3A_105 : memref<8x8x128xf32, #tpu.memory_space<vmem>>) target(%dma_start3A_101 : memref<8x8x128xf32, #tpu.memory_space<hbm>>) target_semaphore(%arg20 : memref<!tpu.dma_semaphore, #tpu.memory_space<semaphore_mem>>)
    %dma_wait3A_106 = arith.constant 0 : i32
    %dma_wait3A_107 = arith.constant 0 : i32
    %dma_wait3A_108 = tpu.memref_slice %arg3[%dma_wait3A_106, %dma_wait3A_107] : memref<100000x64xf32, #tpu.memory_space<hbm>> -> memref<128x64xf32, #tpu.memory_space<hbm>>
    %dma_wait3A_109 = arith.constant 0 : i32
    %dma_wait3A_110 = arith.constant 0 : i32
    %dma_wait3A_111 = tpu.memref_slice %arg3[%dma_wait3A_109, %dma_wait3A_110] : memref<100000x64xf32, #tpu.memory_space<hbm>> -> memref<128x64xf32, #tpu.memory_space<hbm>>
    tpu.wait_dma2 semaphore(%arg17 : memref<!tpu.dma_semaphore, #tpu.memory_space<semaphore_mem>>) src(%dma_wait3A_111 : memref<128x64xf32, #tpu.memory_space<hbm>>) dst(%arg9 : memref<128x64xf32, #tpu.memory_space<vmem>>)
    %get3A_112 = arith.constant 1 : i32
    %get3A_113 = arith.index_cast %get3A_112 : i32 to index
    %get3A_114 = arith.constant 0 : index
    %get3A_115 = tpu.vector_load %arg7[%get3A_113, %get3A_114] {strides = array<i32>} : memref<200x64xf32, #tpu.memory_space<vmem>>, vector<16xf32>,
    %get3A_116 = arith.constant 1 : i32
    %get3A_117 = arith.index_cast %get3A_116 : i32 to index
    %get3A_118 = arith.constant 16 : index
    %get3A_119 = tpu.vector_load %arg7[%get3A_117, %get3A_118] {strides = array<i32>} : memref<200x64xf32, #tpu.memory_space<vmem>>, vector<16xf32>,
    %get3A_120 = arith.constant 1 : i32
    %get3A_121 = arith.index_cast %get3A_120 : i32 to index
    %get3A_122 = arith.constant 32 : index
    %get3A_123 = tpu.vector_load %arg7[%get3A_121, %get3A_122] {strides = array<i32>} : memref<200x64xf32, #tpu.memory_space<vmem>>, vector<16xf32>,
    %get3A_124 = arith.constant 1 : i32
    %get3A_125 = arith.index_cast %get3A_124 : i32 to index
    %get3A_126 = arith.constant 48 : index
    %get3A_127 = tpu.vector_load %arg7[%get3A_125, %get3A_126] {strides = array<i32>} : memref<200x64xf32, #tpu.memory_space<vmem>>, vector<16xf32>,
    %parallel_loop3A_128 = arith.constant 0 : i32
    %parallel_loop3A_129 = arith.constant 128 : i32
    %parallel_loop3A_130 = arith.constant 1 : i32
    scf.for %parallel_loop3A_348 = %parallel_loop3A_128 to %parallel_loop3A_129 step %parallel_loop3A_130  : i32 {
      %parallel_loop3A_349 = arith.constant 0 : i32
      %parallel_loop3A_350 = vector.broadcast %parallel_loop3A_349 : i32 to vector<16xi32>
      %parallel_loop3A_351 = vector.broadcast %parallel_loop3A_348 : i32 to vector<16xi32>
      %parallel_loop3A_352 = arith.addi %parallel_loop3A_350, %parallel_loop3A_351 : vector<16xi32>
      %parallel_loop3A_353 = arith.index_cast %parallel_loop3A_348 : i32 to index
      %parallel_loop3A_354 = arith.constant 0 : index
      %parallel_loop3A_355 = tpu.vector_load %arg9[%parallel_loop3A_353, %parallel_loop3A_354] {strides = array<i32>} : memref<128x64xf32, #tpu.memory_space<vmem>>, vector<16xf32>,
      %parallel_loop3A_356 = arith.addf %parallel_loop3A_355, %get3A_115 : vector<16xf32>
      tpu.vector_store_idx %arg13[%add3A_7, %and3A_2, %parallel_loop3A_352], %parallel_loop3A_356 : memref<8x8x129xf32, #tpu.memory_space<vmem>>[vector<16xi32>, vector<16xi32>, vector<16xi32>], vector<16xf32>,
      %parallel_loop3A_357 = arith.index_cast %parallel_loop3A_348 : i32 to index
      %parallel_loop3A_358 = arith.constant 16 : index
      %parallel_loop3A_359 = tpu.vector_load %arg9[%parallel_loop3A_357, %parallel_loop3A_358] {strides = array<i32>} : memref<128x64xf32, #tpu.memory_space<vmem>>, vector<16xf32>,
      %parallel_loop3A_360 = arith.addf %parallel_loop3A_359, %get3A_119 : vector<16xf32>
      tpu.vector_store_idx %arg13[%add3A_13, %and3A_2, %parallel_loop3A_352], %parallel_loop3A_360 : memref<8x8x129xf32, #tpu.memory_space<vmem>>[vector<16xi32>, vector<16xi32>, vector<16xi32>], vector<16xf32>,
      %parallel_loop3A_361 = arith.index_cast %parallel_loop3A_348 : i32 to index
      %parallel_loop3A_362 = arith.constant 32 : index
      %parallel_loop3A_363 = tpu.vector_load %arg9[%parallel_loop3A_361, %parallel_loop3A_362] {strides = array<i32>} : memref<128x64xf32, #tpu.memory_space<vmem>>, vector<16xf32>,
      %parallel_loop3A_364 = arith.addf %parallel_loop3A_363, %get3A_123 : vector<16xf32>
      tpu.vector_store_idx %arg13[%add3A_19, %and3A_2, %parallel_loop3A_352], %parallel_loop3A_364 : memref<8x8x129xf32, #tpu.memory_space<vmem>>[vector<16xi32>, vector<16xi32>, vector<16xi32>], vector<16xf32>,
      %parallel_loop3A_365 = arith.index_cast %parallel_loop3A_348 : i32 to index
      %parallel_loop3A_366 = arith.constant 48 : index
      %parallel_loop3A_367 = tpu.vector_load %arg9[%parallel_loop3A_365, %parallel_loop3A_366] {strides = array<i32>} : memref<128x64xf32, #tpu.memory_space<vmem>>, vector<16xf32>,
      %parallel_loop3A_368 = arith.addf %parallel_loop3A_367, %get3A_127 : vector<16xf32>
      tpu.vector_store_idx %arg13[%add3A_25, %and3A_2, %parallel_loop3A_352], %parallel_loop3A_368 : memref<8x8x129xf32, #tpu.memory_space<vmem>>[vector<16xi32>, vector<16xi32>, vector<16xi32>], vector<16xf32>,
    } {sc.loop_unroll_factor = 4 : i64, sc.parallel_access}
    %dma_start3A_131 = arith.constant 0 : i32
    %dma_start3A_132 = arith.constant 5 : i32
    %dma_start3A_133 = arith.constant 0 : i32
    %dma_start3A_134 = tpu.memref_slice %arg6[%dma_start3A_131, %dma_start3A_132, %dma_start3A_133] : memref<25x8x128xi32, #tpu.memory_space<vmem>> -> memref<1x1x128xi32, #tpu.memory_space<vmem>>
    %dma_start3A_135 = tpu.memref_squeeze %dma_start3A_134 : memref<1x1x128xi32, #tpu.memory_space<vmem>> -> memref<128xi32, #tpu.memory_space<vmem>>
    %dma_start3A_136 = arith.constant 0 : i32
    %dma_start3A_137 = arith.constant 0 : i32
    %dma_start3A_138 = tpu.memref_slice %arg3[%dma_start3A_136, %dma_start3A_137] : memref<100000x64xf32, #tpu.memory_space<hbm>> -> memref<100000x64xf32, #tpu.memory_space<hbm>>
    tpu.enqueue_indirect_dma source(%dma_start3A_138 : memref<100000x64xf32, #tpu.memory_space<hbm>>) target(%arg9 : memref<128x64xf32, #tpu.memory_space<vmem>>) offsets(%dma_start3A_135 : memref<128xi32, #tpu.memory_space<vmem>>) semaphore(%arg17 : memref<!tpu.dma_semaphore, #tpu.memory_space<semaphore_mem>>)
    %dma_start3A_139 = arith.constant 1 : i32
    %dma_start3A_140 = arith.constant 0 : i32
    %dma_start3A_141 = arith.constant 0 : i32
    %dma_start3A_142 = arith.constant 0 : i32
    %dma_start3A_143 = tpu.memref_slice %arg13[%dma_start3A_140, %dma_start3A_141, %dma_start3A_142] : memref<8x8x129xf32, #tpu.memory_space<vmem>> -> memref<8x8x128xf32, #tpu.memory_space<vmem>>
    %dma_start3A_144 = arith.constant 0 : i32
    %dma_start3A_145 = arith.constant 0 : i32
    %dma_start3A_146 = arith.constant 0 : i32
    %dma_start3A_147 = tpu.memref_slice %arg5[%dma_start3A_139, %dma_start3A_144, %add3A, %dma_start3A_145, %dma_start3A_146] : memref<200x8x32x8x128xf32, #tpu.memory_space<hbm>> -> memref<1x8x1x8x128xf32, #tpu.memory_space<hbm>>
    %dma_start3A_148 = tpu.memref_squeeze %dma_start3A_147 : memref<1x8x1x8x128xf32, #tpu.memory_space<hbm>> -> memref<8x8x128xf32, #tpu.memory_space<hbm>>
    %dma_start3A_149 = arith.constant 0 : i32
    %dma_start3A_150 = arith.constant 0 : i32
    %dma_start3A_151 = arith.constant 0 : i32
    %dma_start3A_152 = tpu.memref_slice %arg5[%dma_start3A_139, %dma_start3A_149, %add3A, %dma_start3A_150, %dma_start3A_151] : memref<200x8x32x8x128xf32, #tpu.memory_space<hbm>> -> memref<1x8x1x8x128xf32, #tpu.memory_space<hbm>>
    %dma_start3A_153 = tpu.memref_squeeze %dma_start3A_152 : memref<1x8x1x8x128xf32, #tpu.memory_space<hbm>> -> memref<8x8x128xf32, #tpu.memory_space<hbm>>
    %dma_start3A_154 = arith.constant 0 : i32
    %dma_start3A_155 = arith.constant 0 : i32
    %dma_start3A_156 = arith.constant 0 : i32
    %dma_start3A_157 = tpu.memref_slice %arg13[%dma_start3A_154, %dma_start3A_155, %dma_start3A_156] : memref<8x8x129xf32, #tpu.memory_space<vmem>> -> memref<8x8x128xf32, #tpu.memory_space<vmem>>
    tpu.enqueue_dma source(%dma_start3A_157 : memref<8x8x128xf32, #tpu.memory_space<vmem>>) target(%dma_start3A_153 : memref<8x8x128xf32, #tpu.memory_space<hbm>>) target_semaphore(%arg21 : memref<!tpu.dma_semaphore, #tpu.memory_space<semaphore_mem>>)
    %dma_wait3A_158 = arith.constant 0 : i32
    %dma_wait3A_159 = arith.constant 0 : i32
    %dma_wait3A_160 = tpu.memref_slice %arg3[%dma_wait3A_158, %dma_wait3A_159] : memref<100000x64xf32, #tpu.memory_space<hbm>> -> memref<128x64xf32, #tpu.memory_space<hbm>>
    %dma_wait3A_161 = arith.constant 0 : i32
    %dma_wait3A_162 = arith.constant 0 : i32
    %dma_wait3A_163 = tpu.memref_slice %arg3[%dma_wait3A_161, %dma_wait3A_162] : memref<100000x64xf32, #tpu.memory_space<hbm>> -> memref<128x64xf32, #tpu.memory_space<hbm>>
    tpu.wait_dma2 semaphore(%arg18 : memref<!tpu.dma_semaphore, #tpu.memory_space<semaphore_mem>>) src(%dma_wait3A_163 : memref<128x64xf32, #tpu.memory_space<hbm>>) dst(%arg10 : memref<128x64xf32, #tpu.memory_space<vmem>>)
    %get3A_164 = arith.constant 2 : i32
    %get3A_165 = arith.index_cast %get3A_164 : i32 to index
    %get3A_166 = arith.constant 0 : index
    %get3A_167 = tpu.vector_load %arg7[%get3A_165, %get3A_166] {strides = array<i32>} : memref<200x64xf32, #tpu.memory_space<vmem>>, vector<16xf32>,
    %get3A_168 = arith.constant 2 : i32
    %get3A_169 = arith.index_cast %get3A_168 : i32 to index
    %get3A_170 = arith.constant 16 : index
    %get3A_171 = tpu.vector_load %arg7[%get3A_169, %get3A_170] {strides = array<i32>} : memref<200x64xf32, #tpu.memory_space<vmem>>, vector<16xf32>,
    %get3A_172 = arith.constant 2 : i32
    %get3A_173 = arith.index_cast %get3A_172 : i32 to index
    %get3A_174 = arith.constant 32 : index
    %get3A_175 = tpu.vector_load %arg7[%get3A_173, %get3A_174] {strides = array<i32>} : memref<200x64xf32, #tpu.memory_space<vmem>>, vector<16xf32>,
    %get3A_176 = arith.constant 2 : i32
    %get3A_177 = arith.index_cast %get3A_176 : i32 to index
    %get3A_178 = arith.constant 48 : index
    %get3A_179 = tpu.vector_load %arg7[%get3A_177, %get3A_178] {strides = array<i32>} : memref<200x64xf32, #tpu.memory_space<vmem>>, vector<16xf32>,
    %parallel_loop3A_180 = arith.constant 0 : i32
    %parallel_loop3A_181 = arith.constant 128 : i32
    %parallel_loop3A_182 = arith.constant 1 : i32
    scf.for %parallel_loop3A_348 = %parallel_loop3A_180 to %parallel_loop3A_181 step %parallel_loop3A_182  : i32 {
      %parallel_loop3A_349 = arith.constant 0 : i32
      %parallel_loop3A_350 = vector.broadcast %parallel_loop3A_349 : i32 to vector<16xi32>
      %parallel_loop3A_351 = vector.broadcast %parallel_loop3A_348 : i32 to vector<16xi32>
      %parallel_loop3A_352 = arith.addi %parallel_loop3A_350, %parallel_loop3A_351 : vector<16xi32>
      %parallel_loop3A_353 = arith.index_cast %parallel_loop3A_348 : i32 to index
      %parallel_loop3A_354 = arith.constant 0 : index
      %parallel_loop3A_355 = tpu.vector_load %arg10[%parallel_loop3A_353, %parallel_loop3A_354] {strides = array<i32>} : memref<128x64xf32, #tpu.memory_space<vmem>>, vector<16xf32>,
      %parallel_loop3A_356 = arith.addf %parallel_loop3A_355, %get3A_167 : vector<16xf32>
      tpu.vector_store_idx %arg14[%add3A_7, %and3A_2, %parallel_loop3A_352], %parallel_loop3A_356 : memref<8x8x129xf32, #tpu.memory_space<vmem>>[vector<16xi32>, vector<16xi32>, vector<16xi32>], vector<16xf32>,
      %parallel_loop3A_357 = arith.index_cast %parallel_loop3A_348 : i32 to index
      %parallel_loop3A_358 = arith.constant 16 : index
      %parallel_loop3A_359 = tpu.vector_load %arg10[%parallel_loop3A_357, %parallel_loop3A_358] {strides = array<i32>} : memref<128x64xf32, #tpu.memory_space<vmem>>, vector<16xf32>,
      %parallel_loop3A_360 = arith.addf %parallel_loop3A_359, %get3A_171 : vector<16xf32>
      tpu.vector_store_idx %arg14[%add3A_13, %and3A_2, %parallel_loop3A_352], %parallel_loop3A_360 : memref<8x8x129xf32, #tpu.memory_space<vmem>>[vector<16xi32>, vector<16xi32>, vector<16xi32>], vector<16xf32>,
      %parallel_loop3A_361 = arith.index_cast %parallel_loop3A_348 : i32 to index
      %parallel_loop3A_362 = arith.constant 32 : index
      %parallel_loop3A_363 = tpu.vector_load %arg10[%parallel_loop3A_361, %parallel_loop3A_362] {strides = array<i32>} : memref<128x64xf32, #tpu.memory_space<vmem>>, vector<16xf32>,
      %parallel_loop3A_364 = arith.addf %parallel_loop3A_363, %get3A_175 : vector<16xf32>
      tpu.vector_store_idx %arg14[%add3A_19, %and3A_2, %parallel_loop3A_352], %parallel_loop3A_364 : memref<8x8x129xf32, #tpu.memory_space<vmem>>[vector<16xi32>, vector<16xi32>, vector<16xi32>], vector<16xf32>,
      %parallel_loop3A_365 = arith.index_cast %parallel_loop3A_348 : i32 to index
      %parallel_loop3A_366 = arith.constant 48 : index
      %parallel_loop3A_367 = tpu.vector_load %arg10[%parallel_loop3A_365, %parallel_loop3A_366] {strides = array<i32>} : memref<128x64xf32, #tpu.memory_space<vmem>>, vector<16xf32>,
      %parallel_loop3A_368 = arith.addf %parallel_loop3A_367, %get3A_179 : vector<16xf32>
      tpu.vector_store_idx %arg14[%add3A_25, %and3A_2, %parallel_loop3A_352], %parallel_loop3A_368 : memref<8x8x129xf32, #tpu.memory_space<vmem>>[vector<16xi32>, vector<16xi32>, vector<16xi32>], vector<16xf32>,
    } {sc.loop_unroll_factor = 4 : i64, sc.parallel_access}
    %dma_start3A_183 = arith.constant 0 : i32
    %dma_start3A_184 = arith.constant 6 : i32
    %dma_start3A_185 = arith.constant 0 : i32
    %dma_start3A_186 = tpu.memref_slice %arg6[%dma_start3A_183, %dma_start3A_184, %dma_start3A_185] : memref<25x8x128xi32, #tpu.memory_space<vmem>> -> memref<1x1x128xi32, #tpu.memory_space<vmem>>
    %dma_start3A_187 = tpu.memref_squeeze %dma_start3A_186 : memref<1x1x128xi32, #tpu.memory_space<vmem>> -> memref<128xi32, #tpu.memory_space<vmem>>
    %dma_start3A_188 = arith.constant 0 : i32
    %dma_start3A_189 = arith.constant 0 : i32
    %dma_start3A_190 = tpu.memref_slice %arg3[%dma_start3A_188, %dma_start3A_189] : memref<100000x64xf32, #tpu.memory_space<hbm>> -> memref<100000x64xf32, #tpu.memory_space<hbm>>
    tpu.enqueue_indirect_dma source(%dma_start3A_190 : memref<100000x64xf32, #tpu.memory_space<hbm>>) target(%arg10 : memref<128x64xf32, #tpu.memory_space<vmem>>) offsets(%dma_start3A_187 : memref<128xi32, #tpu.memory_space<vmem>>) semaphore(%arg18 : memref<!tpu.dma_semaphore, #tpu.memory_space<semaphore_mem>>)
    %dma_start3A_191 = arith.constant 2 : i32
    %dma_start3A_192 = arith.constant 0 : i32
    %dma_start3A_193 = arith.constant 0 : i32
    %dma_start3A_194 = arith.constant 0 : i32
    %dma_start3A_195 = tpu.memref_slice %arg14[%dma_start3A_192, %dma_start3A_193, %dma_start3A_194] : memref<8x8x129xf32, #tpu.memory_space<vmem>> -> memref<8x8x128xf32, #tpu.memory_space<vmem>>
    %dma_start3A_196 = arith.constant 0 : i32
    %dma_start3A_197 = arith.constant 0 : i32
    %dma_start3A_198 = arith.constant 0 : i32
    %dma_start3A_199 = tpu.memref_slice %arg5[%dma_start3A_191, %dma_start3A_196, %add3A, %dma_start3A_197, %dma_start3A_198] : memref<200x8x32x8x128xf32, #tpu.memory_space<hbm>> -> memref<1x8x1x8x128xf32, #tpu.memory_space<hbm>>
    %dma_start3A_200 = tpu.memref_squeeze %dma_start3A_199 : memref<1x8x1x8x128xf32, #tpu.memory_space<hbm>> -> memref<8x8x128xf32, #tpu.memory_space<hbm>>
    %dma_start3A_201 = arith.constant 0 : i32
    %dma_start3A_202 = arith.constant 0 : i32
    %dma_start3A_203 = arith.constant 0 : i32
    %dma_start3A_204 = tpu.memref_slice %arg5[%dma_start3A_191, %dma_start3A_201, %add3A, %dma_start3A_202, %dma_start3A_203] : memref<200x8x32x8x128xf32, #tpu.memory_space<hbm>> -> memref<1x8x1x8x128xf32, #tpu.memory_space<hbm>>
    %dma_start3A_205 = tpu.memref_squeeze %dma_start3A_204 : memref<1x8x1x8x128xf32, #tpu.memory_space<hbm>> -> memref<8x8x128xf32, #tpu.memory_space<hbm>>
    %dma_start3A_206 = arith.constant 0 : i32
    %dma_start3A_207 = arith.constant 0 : i32
    %dma_start3A_208 = arith.constant 0 : i32
    %dma_start3A_209 = tpu.memref_slice %arg14[%dma_start3A_206, %dma_start3A_207, %dma_start3A_208] : memref<8x8x129xf32, #tpu.memory_space<vmem>> -> memref<8x8x128xf32, #tpu.memory_space<vmem>>
    tpu.enqueue_dma source(%dma_start3A_209 : memref<8x8x128xf32, #tpu.memory_space<vmem>>) target(%dma_start3A_205 : memref<8x8x128xf32, #tpu.memory_space<hbm>>) target_semaphore(%arg22 : memref<!tpu.dma_semaphore, #tpu.memory_space<semaphore_mem>>)
    %dma_wait3A_210 = arith.constant 0 : i32
    %dma_wait3A_211 = arith.constant 0 : i32
    %dma_wait3A_212 = tpu.memref_slice %arg3[%dma_wait3A_210, %dma_wait3A_211] : memref<100000x64xf32, #tpu.memory_space<hbm>> -> memref<128x64xf32, #tpu.memory_space<hbm>>
    %dma_wait3A_213 = arith.constant 0 : i32
    %dma_wait3A_214 = arith.constant 0 : i32
    %dma_wait3A_215 = tpu.memref_slice %arg3[%dma_wait3A_213, %dma_wait3A_214] : memref<100000x64xf32, #tpu.memory_space<hbm>> -> memref<128x64xf32, #tpu.memory_space<hbm>>
    tpu.wait_dma2 semaphore(%arg19 : memref<!tpu.dma_semaphore, #tpu.memory_space<semaphore_mem>>) src(%dma_wait3A_215 : memref<128x64xf32, #tpu.memory_space<hbm>>) dst(%arg11 : memref<128x64xf32, #tpu.memory_space<vmem>>)
    %get3A_216 = arith.constant 3 : i32
    %get3A_217 = arith.index_cast %get3A_216 : i32 to index
    %get3A_218 = arith.constant 0 : index
    %get3A_219 = tpu.vector_load %arg7[%get3A_217, %get3A_218] {strides = array<i32>} : memref<200x64xf32, #tpu.memory_space<vmem>>, vector<16xf32>,
    %get3A_220 = arith.constant 3 : i32
    %get3A_221 = arith.index_cast %get3A_220 : i32 to index
    %get3A_222 = arith.constant 16 : index
    %get3A_223 = tpu.vector_load %arg7[%get3A_221, %get3A_222] {strides = array<i32>} : memref<200x64xf32, #tpu.memory_space<vmem>>, vector<16xf32>,
    %get3A_224 = arith.constant 3 : i32
    %get3A_225 = arith.index_cast %get3A_224 : i32 to index
    %get3A_226 = arith.constant 32 : index
    %get3A_227 = tpu.vector_load %arg7[%get3A_225, %get3A_226] {strides = array<i32>} : memref<200x64xf32, #tpu.memory_space<vmem>>, vector<16xf32>,
    %get3A_228 = arith.constant 3 : i32
    %get3A_229 = arith.index_cast %get3A_228 : i32 to index
    %get3A_230 = arith.constant 48 : index
    %get3A_231 = tpu.vector_load %arg7[%get3A_229, %get3A_230] {strides = array<i32>} : memref<200x64xf32, #tpu.memory_space<vmem>>, vector<16xf32>,
    %parallel_loop3A_232 = arith.constant 0 : i32
    %parallel_loop3A_233 = arith.constant 128 : i32
    %parallel_loop3A_234 = arith.constant 1 : i32
    scf.for %parallel_loop3A_348 = %parallel_loop3A_232 to %parallel_loop3A_233 step %parallel_loop3A_234  : i32 {
      %parallel_loop3A_349 = arith.constant 0 : i32
      %parallel_loop3A_350 = vector.broadcast %parallel_loop3A_349 : i32 to vector<16xi32>
      %parallel_loop3A_351 = vector.broadcast %parallel_loop3A_348 : i32 to vector<16xi32>
      %parallel_loop3A_352 = arith.addi %parallel_loop3A_350, %parallel_loop3A_351 : vector<16xi32>
      %parallel_loop3A_353 = arith.index_cast %parallel_loop3A_348 : i32 to index
      %parallel_loop3A_354 = arith.constant 0 : index
      %parallel_loop3A_355 = tpu.vector_load %arg11[%parallel_loop3A_353, %parallel_loop3A_354] {strides = array<i32>} : memref<128x64xf32, #tpu.memory_space<vmem>>, vector<16xf32>,
      %parallel_loop3A_356 = arith.addf %parallel_loop3A_355, %get3A_219 : vector<16xf32>
      tpu.vector_store_idx %arg15[%add3A_7, %and3A_2, %parallel_loop3A_352], %parallel_loop3A_356 : memref<8x8x129xf32, #tpu.memory_space<vmem>>[vector<16xi32>, vector<16xi32>, vector<16xi32>], vector<16xf32>,
      %parallel_loop3A_357 = arith.index_cast %parallel_loop3A_348 : i32 to index
      %parallel_loop3A_358 = arith.constant 16 : index
      %parallel_loop3A_359 = tpu.vector_load %arg11[%parallel_loop3A_357, %parallel_loop3A_358] {strides = array<i32>} : memref<128x64xf32, #tpu.memory_space<vmem>>, vector<16xf32>,
      %parallel_loop3A_360 = arith.addf %parallel_loop3A_359, %get3A_223 : vector<16xf32>
      tpu.vector_store_idx %arg15[%add3A_13, %and3A_2, %parallel_loop3A_352], %parallel_loop3A_360 : memref<8x8x129xf32, #tpu.memory_space<vmem>>[vector<16xi32>, vector<16xi32>, vector<16xi32>], vector<16xf32>,
      %parallel_loop3A_361 = arith.index_cast %parallel_loop3A_348 : i32 to index
      %parallel_loop3A_362 = arith.constant 32 : index
      %parallel_loop3A_363 = tpu.vector_load %arg11[%parallel_loop3A_361, %parallel_loop3A_362] {strides = array<i32>} : memref<128x64xf32, #tpu.memory_space<vmem>>, vector<16xf32>,
      %parallel_loop3A_364 = arith.addf %parallel_loop3A_363, %get3A_227 : vector<16xf32>
      tpu.vector_store_idx %arg15[%add3A_19, %and3A_2, %parallel_loop3A_352], %parallel_loop3A_364 : memref<8x8x129xf32, #tpu.memory_space<vmem>>[vector<16xi32>, vector<16xi32>, vector<16xi32>], vector<16xf32>,
      %parallel_loop3A_365 = arith.index_cast %parallel_loop3A_348 : i32 to index
      %parallel_loop3A_366 = arith.constant 48 : index
      %parallel_loop3A_367 = tpu.vector_load %arg11[%parallel_loop3A_365, %parallel_loop3A_366] {strides = array<i32>} : memref<128x64xf32, #tpu.memory_space<vmem>>, vector<16xf32>,
      %parallel_loop3A_368 = arith.addf %parallel_loop3A_367, %get3A_231 : vector<16xf32>
      tpu.vector_store_idx %arg15[%add3A_25, %and3A_2, %parallel_loop3A_352], %parallel_loop3A_368 : memref<8x8x129xf32, #tpu.memory_space<vmem>>[vector<16xi32>, vector<16xi32>, vector<16xi32>], vector<16xf32>,
    } {sc.loop_unroll_factor = 4 : i64, sc.parallel_access}
    %dma_start3A_235 = arith.constant 0 : i32
    %dma_start3A_236 = arith.constant 7 : i32
    %dma_start3A_237 = arith.constant 0 : i32
    %dma_start3A_238 = tpu.memref_slice %arg6[%dma_start3A_235, %dma_start3A_236, %dma_start3A_237] : memref<25x8x128xi32, #tpu.memory_space<vmem>> -> memref<1x1x128xi32, #tpu.memory_space<vmem>>
    %dma_start3A_239 = tpu.memref_squeeze %dma_start3A_238 : memref<1x1x128xi32, #tpu.memory_space<vmem>> -> memref<128xi32, #tpu.memory_space<vmem>>
    %dma_start3A_240 = arith.constant 0 : i32
    %dma_start3A_241 = arith.constant 0 : i32
    %dma_start3A_242 = tpu.memref_slice %arg3[%dma_start3A_240, %dma_start3A_241] : memref<100000x64xf32, #tpu.memory_space<hbm>> -> memref<100000x64xf32, #tpu.memory_space<hbm>>
    tpu.enqueue_indirect_dma source(%dma_start3A_242 : memref<100000x64xf32, #tpu.memory_space<hbm>>) target(%arg11 : memref<128x64xf32, #tpu.memory_space<vmem>>) offsets(%dma_start3A_239 : memref<128xi32, #tpu.memory_space<vmem>>) semaphore(%arg19 : memref<!tpu.dma_semaphore, #tpu.memory_space<semaphore_mem>>)
    %dma_start3A_243 = arith.constant 3 : i32
    %dma_start3A_244 = arith.constant 0 : i32
    %dma_start3A_245 = arith.constant 0 : i32
    %dma_start3A_246 = arith.constant 0 : i32
    %dma_start3A_247 = tpu.memref_slice %arg15[%dma_start3A_244, %dma_start3A_245, %dma_start3A_246] : memref<8x8x129xf32, #tpu.memory_space<vmem>> -> memref<8x8x128xf32, #tpu.memory_space<vmem>>
    %dma_start3A_248 = arith.constant 0 : i32
    %dma_start3A_249 = arith.constant 0 : i32
    %dma_start3A_250 = arith.constant 0 : i32
    %dma_start3A_251 = tpu.memref_slice %arg5[%dma_start3A_243, %dma_start3A_248, %add3A, %dma_start3A_249, %dma_start3A_250] : memref<200x8x32x8x128xf32, #tpu.memory_space<hbm>> -> memref<1x8x1x8x128xf32, #tpu.memory_space<hbm>>
    %dma_start3A_252 = tpu.memref_squeeze %dma_start3A_251 : memref<1x8x1x8x128xf32, #tpu.memory_space<hbm>> -> memref<8x8x128xf32, #tpu.memory_space<hbm>>
    %dma_start3A_253 = arith.constant 0 : i32
    %dma_start3A_254 = arith.constant 0 : i32
    %dma_start3A_255 = arith.constant 0 : i32
    %dma_start3A_256 = tpu.memref_slice %arg5[%dma_start3A_243, %dma_start3A_253, %add3A, %dma_start3A_254, %dma_start3A_255] : memref<200x8x32x8x128xf32, #tpu.memory_space<hbm>> -> memref<1x8x1x8x128xf32, #tpu.memory_space<hbm>>
    %dma_start3A_257 = tpu.memref_squeeze %dma_start3A_256 : memref<1x8x1x8x128xf32, #tpu.memory_space<hbm>> -> memref<8x8x128xf32, #tpu.memory_space<hbm>>
    %dma_start3A_258 = arith.constant 0 : i32
    %dma_start3A_259 = arith.constant 0 : i32
    %dma_start3A_260 = arith.constant 0 : i32
    %dma_start3A_261 = tpu.memref_slice %arg15[%dma_start3A_258, %dma_start3A_259, %dma_start3A_260] : memref<8x8x129xf32, #tpu.memory_space<vmem>> -> memref<8x8x128xf32, #tpu.memory_space<vmem>>
    tpu.enqueue_dma source(%dma_start3A_261 : memref<8x8x128xf32, #tpu.memory_space<vmem>>) target(%dma_start3A_257 : memref<8x8x128xf32, #tpu.memory_space<hbm>>) target_semaphore(%arg23 : memref<!tpu.dma_semaphore, #tpu.memory_space<semaphore_mem>>)
    %scan3A = arith.constant 0 : i32
    %scan3A_262 = arith.constant 1 : i32
    %scan3A_263 = arith.constant 49 : i32
    %scan3A_264 = arith.addi %scan3A_262, %scan3A_263 : i32
    %scan3A_265 = arith.constant 1 : i32
    %scan3A_266 = scf.for %scan3A_348 = %scan3A_262 to %scan3A_264 step %scan3A_265 iter_args(%scan3A_349 = %scan3A) -> (i32)  : i32 {
      %mul3A_350 = arith.constant 4 : i32
      %mul3A_351 = arith.muli %mul3A_350, %scan3A_348 : i32
      %add3A_352 = arith.constant 0 : i32
      %add3A_353 = arith.addi %mul3A_351, %add3A_352 : i32
      %dma_wait3A_354 = arith.constant 0 : i32
      %dma_wait3A_355 = arith.constant 0 : i32
      %dma_wait3A_356 = tpu.memref_slice %arg3[%dma_wait3A_354, %dma_wait3A_355] : memref<100000x64xf32, #tpu.memory_space<hbm>> -> memref<128x64xf32, #tpu.memory_space<hbm>>
      %dma_wait3A_357 = arith.constant 0 : i32
      %dma_wait3A_358 = arith.constant 0 : i32
      %dma_wait3A_359 = tpu.memref_slice %arg3[%dma_wait3A_357, %dma_wait3A_358] : memref<100000x64xf32, #tpu.memory_space<hbm>> -> memref<128x64xf32, #tpu.memory_space<hbm>>
      tpu.wait_dma2 semaphore(%arg16 : memref<!tpu.dma_semaphore, #tpu.memory_space<semaphore_mem>>) src(%dma_wait3A_359 : memref<128x64xf32, #tpu.memory_space<hbm>>) dst(%arg8 : memref<128x64xf32, #tpu.memory_space<vmem>>)
      %dma_wait3A_360 = arith.constant 0 : i32
      %dma_wait3A_361 = arith.constant 0 : i32
      %dma_wait3A_362 = arith.constant 0 : i32
      %dma_wait3A_363 = arith.constant 0 : i32
      %dma_wait3A_364 = arith.constant 0 : i32
      %dma_wait3A_365 = tpu.memref_slice %arg12[%dma_wait3A_362, %dma_wait3A_363, %dma_wait3A_364] : memref<8x8x129xf32, #tpu.memory_space<vmem>> -> memref<8x8x128xf32, #tpu.memory_space<vmem>>
      %dma_wait3A_366 = arith.constant 0 : i32
      %dma_wait3A_367 = arith.constant 0 : i32
      %dma_wait3A_368 = arith.constant 0 : i32
      %dma_wait3A_369 = tpu.memref_slice %arg5[%dma_wait3A_360, %dma_wait3A_366, %dma_wait3A_361, %dma_wait3A_367, %dma_wait3A_368] : memref<200x8x32x8x128xf32, #tpu.memory_space<hbm>> -> memref<1x8x1x8x128xf32, #tpu.memory_space<hbm>>
      %dma_wait3A_370 = tpu.memref_squeeze %dma_wait3A_369 : memref<1x8x1x8x128xf32, #tpu.memory_space<hbm>> -> memref<8x8x128xf32, #tpu.memory_space<hbm>>
      %dma_wait3A_371 = arith.constant 0 : i32
      %dma_wait3A_372 = arith.constant 0 : i32
      %dma_wait3A_373 = arith.constant 0 : i32
      %dma_wait3A_374 = tpu.memref_slice %arg5[%dma_wait3A_360, %dma_wait3A_371, %dma_wait3A_361, %dma_wait3A_372, %dma_wait3A_373] : memref<200x8x32x8x128xf32, #tpu.memory_space<hbm>> -> memref<1x8x1x8x128xf32, #tpu.memory_space<hbm>>
      %dma_wait3A_375 = tpu.memref_squeeze %dma_wait3A_374 : memref<1x8x1x8x128xf32, #tpu.memory_space<hbm>> -> memref<8x8x128xf32, #tpu.memory_space<hbm>>
      %dma_wait3A_376 = arith.constant 0 : i32
      %dma_wait3A_377 = arith.constant 0 : i32
      %dma_wait3A_378 = arith.constant 0 : i32
      %dma_wait3A_379 = tpu.memref_slice %arg12[%dma_wait3A_376, %dma_wait3A_377, %dma_wait3A_378] : memref<8x8x129xf32, #tpu.memory_space<vmem>> -> memref<8x8x128xf32, #tpu.memory_space<vmem>>
      tpu.wait_dma2 semaphore(%arg20 : memref<!tpu.dma_semaphore, #tpu.memory_space<semaphore_mem>>) src(%dma_wait3A_379 : memref<8x8x128xf32, #tpu.memory_space<vmem>>) dst(%dma_wait3A_375 : memref<8x8x128xf32, #tpu.memory_space<hbm>>)
      %get3A_380 = arith.index_cast %add3A_353 : i32 to index
      %get3A_381 = arith.constant 0 : index
      %get3A_382 = tpu.vector_load %arg7[%get3A_380, %get3A_381] {strides = array<i32>} : memref<200x64xf32, #tpu.memory_space<vmem>>, vector<16xf32>,
      %get3A_383 = arith.index_cast %add3A_353 : i32 to index
      %get3A_384 = arith.constant 16 : index
      %get3A_385 = tpu.vector_load %arg7[%get3A_383, %get3A_384] {strides = array<i32>} : memref<200x64xf32, #tpu.memory_space<vmem>>, vector<16xf32>,
      %get3A_386 = arith.index_cast %add3A_353 : i32 to index
      %get3A_387 = arith.constant 32 : index
      %get3A_388 = tpu.vector_load %arg7[%get3A_386, %get3A_387] {strides = array<i32>} : memref<200x64xf32, #tpu.memory_space<vmem>>, vector<16xf32>,
      %get3A_389 = arith.index_cast %add3A_353 : i32 to index
      %get3A_390 = arith.constant 48 : index
      %get3A_391 = tpu.vector_load %arg7[%get3A_389, %get3A_390] {strides = array<i32>} : memref<200x64xf32, #tpu.memory_space<vmem>>, vector<16xf32>,
      %parallel_loop3A_392 = arith.constant 0 : i32
      %parallel_loop3A_393 = arith.constant 128 : i32
      %parallel_loop3A_394 = arith.constant 1 : i32
      scf.for %parallel_loop3A_622 = %parallel_loop3A_392 to %parallel_loop3A_393 step %parallel_loop3A_394  : i32 {
        %parallel_loop3A_623 = arith.constant 0 : i32
        %parallel_loop3A_624 = vector.broadcast %parallel_loop3A_623 : i32 to vector<16xi32>
        %parallel_loop3A_625 = vector.broadcast %parallel_loop3A_622 : i32 to vector<16xi32>
        %parallel_loop3A_626 = arith.addi %parallel_loop3A_624, %parallel_loop3A_625 : vector<16xi32>
        %parallel_loop3A_627 = arith.index_cast %parallel_loop3A_622 : i32 to index
        %parallel_loop3A_628 = arith.constant 0 : index
        %parallel_loop3A_629 = tpu.vector_load %arg8[%parallel_loop3A_627, %parallel_loop3A_628] {strides = array<i32>} : memref<128x64xf32, #tpu.memory_space<vmem>>, vector<16xf32>,
        %parallel_loop3A_630 = arith.addf %parallel_loop3A_629, %get3A_382 : vector<16xf32>
        tpu.vector_store_idx %arg12[%add3A_7, %and3A_2, %parallel_loop3A_626], %parallel_loop3A_630 : memref<8x8x129xf32, #tpu.memory_space<vmem>>[vector<16xi32>, vector<16xi32>, vector<16xi32>], vector<16xf32>,
        %parallel_loop3A_631 = arith.index_cast %parallel_loop3A_622 : i32 to index
        %parallel_loop3A_632 = arith.constant 16 : index
        %parallel_loop3A_633 = tpu.vector_load %arg8[%parallel_loop3A_631, %parallel_loop3A_632] {strides = array<i32>} : memref<128x64xf32, #tpu.memory_space<vmem>>, vector<16xf32>,
        %parallel_loop3A_634 = arith.addf %parallel_loop3A_633, %get3A_385 : vector<16xf32>
        tpu.vector_store_idx %arg12[%add3A_13, %and3A_2, %parallel_loop3A_626], %parallel_loop3A_634 : memref<8x8x129xf32, #tpu.memory_space<vmem>>[vector<16xi32>, vector<16xi32>, vector<16xi32>], vector<16xf32>,
        %parallel_loop3A_635 = arith.index_cast %parallel_loop3A_622 : i32 to index
        %parallel_loop3A_636 = arith.constant 32 : index
        %parallel_loop3A_637 = tpu.vector_load %arg8[%parallel_loop3A_635, %parallel_loop3A_636] {strides = array<i32>} : memref<128x64xf32, #tpu.memory_space<vmem>>, vector<16xf32>,
        %parallel_loop3A_638 = arith.addf %parallel_loop3A_637, %get3A_388 : vector<16xf32>
        tpu.vector_store_idx %arg12[%add3A_19, %and3A_2, %parallel_loop3A_626], %parallel_loop3A_638 : memref<8x8x129xf32, #tpu.memory_space<vmem>>[vector<16xi32>, vector<16xi32>, vector<16xi32>], vector<16xf32>,
        %parallel_loop3A_639 = arith.index_cast %parallel_loop3A_622 : i32 to index
        %parallel_loop3A_640 = arith.constant 48 : index
        %parallel_loop3A_641 = tpu.vector_load %arg8[%parallel_loop3A_639, %parallel_loop3A_640] {strides = array<i32>} : memref<128x64xf32, #tpu.memory_space<vmem>>, vector<16xf32>,
        %parallel_loop3A_642 = arith.addf %parallel_loop3A_641, %get3A_391 : vector<16xf32>
        tpu.vector_store_idx %arg12[%add3A_25, %and3A_2, %parallel_loop3A_626], %parallel_loop3A_642 : memref<8x8x129xf32, #tpu.memory_space<vmem>>[vector<16xi32>, vector<16xi32>, vector<16xi32>], vector<16xf32>,
      } {sc.loop_unroll_factor = 4 : i64, sc.parallel_access}
      %add3A_395 = arith.constant 4 : i32
      %add3A_396 = arith.addi %add3A_353, %add3A_395 : i32
      %lt3A = arith.constant 200 : i32
      %lt3A_397 = arith.cmpi slt, %add3A_396, %lt3A : i32
      %convert_element_type3A = arith.extui %lt3A_397 : i1 to i32
      %cond3A = arith.constant 0 : i32
      %cond3A_398 = arith.cmpi ne, %convert_element_type3A, %cond3A : i32
      scf.if %cond3A_398 {
        %add3A_622 = arith.constant 4 : i32
        %add3A_623 = arith.addi %add3A_353, %add3A_622 : i32
        %shift_right_arithmetic3A_624 = arith.constant 3 : i32
        %shift_right_arithmetic3A_625 = arith.shrsi %add3A_623, %shift_right_arithmetic3A_624 : i32
        %and3A_626 = arith.constant 7 : i32
        %and3A_627 = arith.andi %add3A_623, %and3A_626 : i32
        %dma_start3A_628 = arith.constant 0 : i32
        %dma_start3A_629 = tpu.memref_slice %arg6[%shift_right_arithmetic3A_625, %and3A_627, %dma_start3A_628] : memref<25x8x128xi32, #tpu.memory_space<vmem>> -> memref<1x1x128xi32, #tpu.memory_space<vmem>>
        %dma_start3A_630 = tpu.memref_squeeze %dma_start3A_629 : memref<1x1x128xi32, #tpu.memory_space<vmem>> -> memref<128xi32, #tpu.memory_space<vmem>>
        %dma_start3A_631 = arith.constant 0 : i32
        %dma_start3A_632 = arith.constant 0 : i32
        %dma_start3A_633 = tpu.memref_slice %arg3[%dma_start3A_631, %dma_start3A_632] : memref<100000x64xf32, #tpu.memory_space<hbm>> -> memref<100000x64xf32, #tpu.memory_space<hbm>>
        tpu.enqueue_indirect_dma source(%dma_start3A_633 : memref<100000x64xf32, #tpu.memory_space<hbm>>) target(%arg8 : memref<128x64xf32, #tpu.memory_space<vmem>>) offsets(%dma_start3A_630 : memref<128xi32, #tpu.memory_space<vmem>>) semaphore(%arg16 : memref<!tpu.dma_semaphore, #tpu.memory_space<semaphore_mem>>)
      } else {
      }
      %dma_start3A_399 = arith.constant 0 : i32
      %dma_start3A_400 = arith.constant 0 : i32
      %dma_start3A_401 = arith.constant 0 : i32
      %dma_start3A_402 = tpu.memref_slice %arg12[%dma_start3A_399, %dma_start3A_400, %dma_start3A_401] : memref<8x8x129xf32, #tpu.memory_space<vmem>> -> memref<8x8x128xf32, #tpu.memory_space<vmem>>
      %dma_start3A_403 = arith.constant 0 : i32
      %dma_start3A_404 = arith.constant 0 : i32
      %dma_start3A_405 = arith.constant 0 : i32
      %dma_start3A_406 = tpu.memref_slice %arg5[%add3A_353, %dma_start3A_403, %add3A, %dma_start3A_404, %dma_start3A_405] : memref<200x8x32x8x128xf32, #tpu.memory_space<hbm>> -> memref<1x8x1x8x128xf32, #tpu.memory_space<hbm>>
      %dma_start3A_407 = tpu.memref_squeeze %dma_start3A_406 : memref<1x8x1x8x128xf32, #tpu.memory_space<hbm>> -> memref<8x8x128xf32, #tpu.memory_space<hbm>>
      %dma_start3A_408 = arith.constant 0 : i32
      %dma_start3A_409 = arith.constant 0 : i32
      %dma_start3A_410 = arith.constant 0 : i32
      %dma_start3A_411 = tpu.memref_slice %arg5[%add3A_353, %dma_start3A_408, %add3A, %dma_start3A_409, %dma_start3A_410] : memref<200x8x32x8x128xf32, #tpu.memory_space<hbm>> -> memref<1x8x1x8x128xf32, #tpu.memory_space<hbm>>
      %dma_start3A_412 = tpu.memref_squeeze %dma_start3A_411 : memref<1x8x1x8x128xf32, #tpu.memory_space<hbm>> -> memref<8x8x128xf32, #tpu.memory_space<hbm>>
      %dma_start3A_413 = arith.constant 0 : i32
      %dma_start3A_414 = arith.constant 0 : i32
      %dma_start3A_415 = arith.constant 0 : i32
      %dma_start3A_416 = tpu.memref_slice %arg12[%dma_start3A_413, %dma_start3A_414, %dma_start3A_415] : memref<8x8x129xf32, #tpu.memory_space<vmem>> -> memref<8x8x128xf32, #tpu.memory_space<vmem>>
      tpu.enqueue_dma source(%dma_start3A_416 : memref<8x8x128xf32, #tpu.memory_space<vmem>>) target(%dma_start3A_412 : memref<8x8x128xf32, #tpu.memory_space<hbm>>) target_semaphore(%arg20 : memref<!tpu.dma_semaphore, #tpu.memory_space<semaphore_mem>>)
      %add3A_417 = arith.constant 1 : i32
      %add3A_418 = arith.addi %mul3A_351, %add3A_417 : i32
      %dma_wait3A_419 = arith.constant 0 : i32
      %dma_wait3A_420 = arith.constant 0 : i32
      %dma_wait3A_421 = tpu.memref_slice %arg3[%dma_wait3A_419, %dma_wait3A_420] : memref<100000x64xf32, #tpu.memory_space<hbm>> -> memref<128x64xf32, #tpu.memory_space<hbm>>
      %dma_wait3A_422 = arith.constant 0 : i32
      %dma_wait3A_423 = arith.constant 0 : i32
      %dma_wait3A_424 = tpu.memref_slice %arg3[%dma_wait3A_422, %dma_wait3A_423] : memref<100000x64xf32, #tpu.memory_space<hbm>> -> memref<128x64xf32, #tpu.memory_space<hbm>>
      tpu.wait_dma2 semaphore(%arg17 : memref<!tpu.dma_semaphore, #tpu.memory_space<semaphore_mem>>) src(%dma_wait3A_424 : memref<128x64xf32, #tpu.memory_space<hbm>>) dst(%arg9 : memref<128x64xf32, #tpu.memory_space<vmem>>)
      %dma_wait3A_425 = arith.constant 0 : i32
      %dma_wait3A_426 = arith.constant 0 : i32
      %dma_wait3A_427 = arith.constant 0 : i32
      %dma_wait3A_428 = arith.constant 0 : i32
      %dma_wait3A_429 = arith.constant 0 : i32
      %dma_wait3A_430 = tpu.memref_slice %arg13[%dma_wait3A_427, %dma_wait3A_428, %dma_wait3A_429] : memref<8x8x129xf32, #tpu.memory_space<vmem>> -> memref<8x8x128xf32, #tpu.memory_space<vmem>>
      %dma_wait3A_431 = arith.constant 0 : i32
      %dma_wait3A_432 = arith.constant 0 : i32
      %dma_wait3A_433 = arith.constant 0 : i32
      %dma_wait3A_434 = tpu.memref_slice %arg5[%dma_wait3A_425, %dma_wait3A_431, %dma_wait3A_426, %dma_wait3A_432, %dma_wait3A_433] : memref<200x8x32x8x128xf32, #tpu.memory_space<hbm>> -> memref<1x8x1x8x128xf32, #tpu.memory_space<hbm>>
      %dma_wait3A_435 = tpu.memref_squeeze %dma_wait3A_434 : memref<1x8x1x8x128xf32, #tpu.memory_space<hbm>> -> memref<8x8x128xf32, #tpu.memory_space<hbm>>
      %dma_wait3A_436 = arith.constant 0 : i32
      %dma_wait3A_437 = arith.constant 0 : i32
      %dma_wait3A_438 = arith.constant 0 : i32
      %dma_wait3A_439 = tpu.memref_slice %arg5[%dma_wait3A_425, %dma_wait3A_436, %dma_wait3A_426, %dma_wait3A_437, %dma_wait3A_438] : memref<200x8x32x8x128xf32, #tpu.memory_space<hbm>> -> memref<1x8x1x8x128xf32, #tpu.memory_space<hbm>>
      %dma_wait3A_440 = tpu.memref_squeeze %dma_wait3A_439 : memref<1x8x1x8x128xf32, #tpu.memory_space<hbm>> -> memref<8x8x128xf32, #tpu.memory_space<hbm>>
      %dma_wait3A_441 = arith.constant 0 : i32
      %dma_wait3A_442 = arith.constant 0 : i32
      %dma_wait3A_443 = arith.constant 0 : i32
      %dma_wait3A_444 = tpu.memref_slice %arg13[%dma_wait3A_441, %dma_wait3A_442, %dma_wait3A_443] : memref<8x8x129xf32, #tpu.memory_space<vmem>> -> memref<8x8x128xf32, #tpu.memory_space<vmem>>
      tpu.wait_dma2 semaphore(%arg21 : memref<!tpu.dma_semaphore, #tpu.memory_space<semaphore_mem>>) src(%dma_wait3A_444 : memref<8x8x128xf32, #tpu.memory_space<vmem>>) dst(%dma_wait3A_440 : memref<8x8x128xf32, #tpu.memory_space<hbm>>)
      %get3A_445 = arith.index_cast %add3A_418 : i32 to index
      %get3A_446 = arith.constant 0 : index
      %get3A_447 = tpu.vector_load %arg7[%get3A_445, %get3A_446] {strides = array<i32>} : memref<200x64xf32, #tpu.memory_space<vmem>>, vector<16xf32>,
      %get3A_448 = arith.index_cast %add3A_418 : i32 to index
      %get3A_449 = arith.constant 16 : index
      %get3A_450 = tpu.vector_load %arg7[%get3A_448, %get3A_449] {strides = array<i32>} : memref<200x64xf32, #tpu.memory_space<vmem>>, vector<16xf32>,
      %get3A_451 = arith.index_cast %add3A_418 : i32 to index
      %get3A_452 = arith.constant 32 : index
      %get3A_453 = tpu.vector_load %arg7[%get3A_451, %get3A_452] {strides = array<i32>} : memref<200x64xf32, #tpu.memory_space<vmem>>, vector<16xf32>,
      %get3A_454 = arith.index_cast %add3A_418 : i32 to index
      %get3A_455 = arith.constant 48 : index
      %get3A_456 = tpu.vector_load %arg7[%get3A_454, %get3A_455] {strides = array<i32>} : memref<200x64xf32, #tpu.memory_space<vmem>>, vector<16xf32>,
      %parallel_loop3A_457 = arith.constant 0 : i32
      %parallel_loop3A_458 = arith.constant 128 : i32
      %parallel_loop3A_459 = arith.constant 1 : i32
      scf.for %parallel_loop3A_622 = %parallel_loop3A_457 to %parallel_loop3A_458 step %parallel_loop3A_459  : i32 {
        %parallel_loop3A_623 = arith.constant 0 : i32
        %parallel_loop3A_624 = vector.broadcast %parallel_loop3A_623 : i32 to vector<16xi32>
        %parallel_loop3A_625 = vector.broadcast %parallel_loop3A_622 : i32 to vector<16xi32>
        %parallel_loop3A_626 = arith.addi %parallel_loop3A_624, %parallel_loop3A_625 : vector<16xi32>
        %parallel_loop3A_627 = arith.index_cast %parallel_loop3A_622 : i32 to index
        %parallel_loop3A_628 = arith.constant 0 : index
        %parallel_loop3A_629 = tpu.vector_load %arg9[%parallel_loop3A_627, %parallel_loop3A_628] {strides = array<i32>} : memref<128x64xf32, #tpu.memory_space<vmem>>, vector<16xf32>,
        %parallel_loop3A_630 = arith.addf %parallel_loop3A_629, %get3A_447 : vector<16xf32>
        tpu.vector_store_idx %arg13[%add3A_7, %and3A_2, %parallel_loop3A_626], %parallel_loop3A_630 : memref<8x8x129xf32, #tpu.memory_space<vmem>>[vector<16xi32>, vector<16xi32>, vector<16xi32>], vector<16xf32>,
        %parallel_loop3A_631 = arith.index_cast %parallel_loop3A_622 : i32 to index
        %parallel_loop3A_632 = arith.constant 16 : index
        %parallel_loop3A_633 = tpu.vector_load %arg9[%parallel_loop3A_631, %parallel_loop3A_632] {strides = array<i32>} : memref<128x64xf32, #tpu.memory_space<vmem>>, vector<16xf32>,
        %parallel_loop3A_634 = arith.addf %parallel_loop3A_633, %get3A_450 : vector<16xf32>
        tpu.vector_store_idx %arg13[%add3A_13, %and3A_2, %parallel_loop3A_626], %parallel_loop3A_634 : memref<8x8x129xf32, #tpu.memory_space<vmem>>[vector<16xi32>, vector<16xi32>, vector<16xi32>], vector<16xf32>,
        %parallel_loop3A_635 = arith.index_cast %parallel_loop3A_622 : i32 to index
        %parallel_loop3A_636 = arith.constant 32 : index
        %parallel_loop3A_637 = tpu.vector_load %arg9[%parallel_loop3A_635, %parallel_loop3A_636] {strides = array<i32>} : memref<128x64xf32, #tpu.memory_space<vmem>>, vector<16xf32>,
        %parallel_loop3A_638 = arith.addf %parallel_loop3A_637, %get3A_453 : vector<16xf32>
        tpu.vector_store_idx %arg13[%add3A_19, %and3A_2, %parallel_loop3A_626], %parallel_loop3A_638 : memref<8x8x129xf32, #tpu.memory_space<vmem>>[vector<16xi32>, vector<16xi32>, vector<16xi32>], vector<16xf32>,
        %parallel_loop3A_639 = arith.index_cast %parallel_loop3A_622 : i32 to index
        %parallel_loop3A_640 = arith.constant 48 : index
        %parallel_loop3A_641 = tpu.vector_load %arg9[%parallel_loop3A_639, %parallel_loop3A_640] {strides = array<i32>} : memref<128x64xf32, #tpu.memory_space<vmem>>, vector<16xf32>,
        %parallel_loop3A_642 = arith.addf %parallel_loop3A_641, %get3A_456 : vector<16xf32>
        tpu.vector_store_idx %arg13[%add3A_25, %and3A_2, %parallel_loop3A_626], %parallel_loop3A_642 : memref<8x8x129xf32, #tpu.memory_space<vmem>>[vector<16xi32>, vector<16xi32>, vector<16xi32>], vector<16xf32>,
      } {sc.loop_unroll_factor = 4 : i64, sc.parallel_access}
      %add3A_460 = arith.constant 4 : i32
      %add3A_461 = arith.addi %add3A_418, %add3A_460 : i32
      %lt3A_462 = arith.constant 200 : i32
      %lt3A_463 = arith.cmpi slt, %add3A_461, %lt3A_462 : i32
      %convert_element_type3A_464 = arith.extui %lt3A_463 : i1 to i32
      %cond3A_465 = arith.constant 0 : i32
      %cond3A_466 = arith.cmpi ne, %convert_element_type3A_464, %cond3A_465 : i32
      scf.if %cond3A_466 {
        %add3A_622 = arith.constant 4 : i32
        %add3A_623 = arith.addi %add3A_418, %add3A_622 : i32
        %shift_right_arithmetic3A_624 = arith.constant 3 : i32
        %shift_right_arithmetic3A_625 = arith.shrsi %add3A_623, %shift_right_arithmetic3A_624 : i32
        %and3A_626 = arith.constant 7 : i32
        %and3A_627 = arith.andi %add3A_623, %and3A_626 : i32
        %dma_start3A_628 = arith.constant 0 : i32
        %dma_start3A_629 = tpu.memref_slice %arg6[%shift_right_arithmetic3A_625, %and3A_627, %dma_start3A_628] : memref<25x8x128xi32, #tpu.memory_space<vmem>> -> memref<1x1x128xi32, #tpu.memory_space<vmem>>
        %dma_start3A_630 = tpu.memref_squeeze %dma_start3A_629 : memref<1x1x128xi32, #tpu.memory_space<vmem>> -> memref<128xi32, #tpu.memory_space<vmem>>
        %dma_start3A_631 = arith.constant 0 : i32
        %dma_start3A_632 = arith.constant 0 : i32
        %dma_start3A_633 = tpu.memref_slice %arg3[%dma_start3A_631, %dma_start3A_632] : memref<100000x64xf32, #tpu.memory_space<hbm>> -> memref<100000x64xf32, #tpu.memory_space<hbm>>
        tpu.enqueue_indirect_dma source(%dma_start3A_633 : memref<100000x64xf32, #tpu.memory_space<hbm>>) target(%arg9 : memref<128x64xf32, #tpu.memory_space<vmem>>) offsets(%dma_start3A_630 : memref<128xi32, #tpu.memory_space<vmem>>) semaphore(%arg17 : memref<!tpu.dma_semaphore, #tpu.memory_space<semaphore_mem>>)
      } else {
      }
      %dma_start3A_467 = arith.constant 0 : i32
      %dma_start3A_468 = arith.constant 0 : i32
      %dma_start3A_469 = arith.constant 0 : i32
      %dma_start3A_470 = tpu.memref_slice %arg13[%dma_start3A_467, %dma_start3A_468, %dma_start3A_469] : memref<8x8x129xf32, #tpu.memory_space<vmem>> -> memref<8x8x128xf32, #tpu.memory_space<vmem>>
      %dma_start3A_471 = arith.constant 0 : i32
      %dma_start3A_472 = arith.constant 0 : i32
      %dma_start3A_473 = arith.constant 0 : i32
      %dma_start3A_474 = tpu.memref_slice %arg5[%add3A_418, %dma_start3A_471, %add3A, %dma_start3A_472, %dma_start3A_473] : memref<200x8x32x8x128xf32, #tpu.memory_space<hbm>> -> memref<1x8x1x8x128xf32, #tpu.memory_space<hbm>>
      %dma_start3A_475 = tpu.memref_squeeze %dma_start3A_474 : memref<1x8x1x8x128xf32, #tpu.memory_space<hbm>> -> memref<8x8x128xf32, #tpu.memory_space<hbm>>
      %dma_start3A_476 = arith.constant 0 : i32
      %dma_start3A_477 = arith.constant 0 : i32
      %dma_start3A_478 = arith.constant 0 : i32
      %dma_start3A_479 = tpu.memref_slice %arg5[%add3A_418, %dma_start3A_476, %add3A, %dma_start3A_477, %dma_start3A_478] : memref<200x8x32x8x128xf32, #tpu.memory_space<hbm>> -> memref<1x8x1x8x128xf32, #tpu.memory_space<hbm>>
      %dma_start3A_480 = tpu.memref_squeeze %dma_start3A_479 : memref<1x8x1x8x128xf32, #tpu.memory_space<hbm>> -> memref<8x8x128xf32, #tpu.memory_space<hbm>>
      %dma_start3A_481 = arith.constant 0 : i32
      %dma_start3A_482 = arith.constant 0 : i32
      %dma_start3A_483 = arith.constant 0 : i32
      %dma_start3A_484 = tpu.memref_slice %arg13[%dma_start3A_481, %dma_start3A_482, %dma_start3A_483] : memref<8x8x129xf32, #tpu.memory_space<vmem>> -> memref<8x8x128xf32, #tpu.memory_space<vmem>>
      tpu.enqueue_dma source(%dma_start3A_484 : memref<8x8x128xf32, #tpu.memory_space<vmem>>) target(%dma_start3A_480 : memref<8x8x128xf32, #tpu.memory_space<hbm>>) target_semaphore(%arg21 : memref<!tpu.dma_semaphore, #tpu.memory_space<semaphore_mem>>)
      %add3A_485 = arith.constant 2 : i32
      %add3A_486 = arith.addi %mul3A_351, %add3A_485 : i32
      %dma_wait3A_487 = arith.constant 0 : i32
      %dma_wait3A_488 = arith.constant 0 : i32
      %dma_wait3A_489 = tpu.memref_slice %arg3[%dma_wait3A_487, %dma_wait3A_488] : memref<100000x64xf32, #tpu.memory_space<hbm>> -> memref<128x64xf32, #tpu.memory_space<hbm>>
      %dma_wait3A_490 = arith.constant 0 : i32
      %dma_wait3A_491 = arith.constant 0 : i32
      %dma_wait3A_492 = tpu.memref_slice %arg3[%dma_wait3A_490, %dma_wait3A_491] : memref<100000x64xf32, #tpu.memory_space<hbm>> -> memref<128x64xf32, #tpu.memory_space<hbm>>
      tpu.wait_dma2 semaphore(%arg18 : memref<!tpu.dma_semaphore, #tpu.memory_space<semaphore_mem>>) src(%dma_wait3A_492 : memref<128x64xf32, #tpu.memory_space<hbm>>) dst(%arg10 : memref<128x64xf32, #tpu.memory_space<vmem>>)
      %dma_wait3A_493 = arith.constant 0 : i32
      %dma_wait3A_494 = arith.constant 0 : i32
      %dma_wait3A_495 = arith.constant 0 : i32
      %dma_wait3A_496 = arith.constant 0 : i32
      %dma_wait3A_497 = arith.constant 0 : i32
      %dma_wait3A_498 = tpu.memref_slice %arg14[%dma_wait3A_495, %dma_wait3A_496, %dma_wait3A_497] : memref<8x8x129xf32, #tpu.memory_space<vmem>> -> memref<8x8x128xf32, #tpu.memory_space<vmem>>
      %dma_wait3A_499 = arith.constant 0 : i32
      %dma_wait3A_500 = arith.constant 0 : i32
      %dma_wait3A_501 = arith.constant 0 : i32
      %dma_wait3A_502 = tpu.memref_slice %arg5[%dma_wait3A_493, %dma_wait3A_499, %dma_wait3A_494, %dma_wait3A_500, %dma_wait3A_501] : memref<200x8x32x8x128xf32, #tpu.memory_space<hbm>> -> memref<1x8x1x8x128xf32, #tpu.memory_space<hbm>>
      %dma_wait3A_503 = tpu.memref_squeeze %dma_wait3A_502 : memref<1x8x1x8x128xf32, #tpu.memory_space<hbm>> -> memref<8x8x128xf32, #tpu.memory_space<hbm>>
      %dma_wait3A_504 = arith.constant 0 : i32
      %dma_wait3A_505 = arith.constant 0 : i32
      %dma_wait3A_506 = arith.constant 0 : i32
      %dma_wait3A_507 = tpu.memref_slice %arg5[%dma_wait3A_493, %dma_wait3A_504, %dma_wait3A_494, %dma_wait3A_505, %dma_wait3A_506] : memref<200x8x32x8x128xf32, #tpu.memory_space<hbm>> -> memref<1x8x1x8x128xf32, #tpu.memory_space<hbm>>
      %dma_wait3A_508 = tpu.memref_squeeze %dma_wait3A_507 : memref<1x8x1x8x128xf32, #tpu.memory_space<hbm>> -> memref<8x8x128xf32, #tpu.memory_space<hbm>>
      %dma_wait3A_509 = arith.constant 0 : i32
      %dma_wait3A_510 = arith.constant 0 : i32
      %dma_wait3A_511 = arith.constant 0 : i32
      %dma_wait3A_512 = tpu.memref_slice %arg14[%dma_wait3A_509, %dma_wait3A_510, %dma_wait3A_511] : memref<8x8x129xf32, #tpu.memory_space<vmem>> -> memref<8x8x128xf32, #tpu.memory_space<vmem>>
      tpu.wait_dma2 semaphore(%arg22 : memref<!tpu.dma_semaphore, #tpu.memory_space<semaphore_mem>>) src(%dma_wait3A_512 : memref<8x8x128xf32, #tpu.memory_space<vmem>>) dst(%dma_wait3A_508 : memref<8x8x128xf32, #tpu.memory_space<hbm>>)
      %get3A_513 = arith.index_cast %add3A_486 : i32 to index
      %get3A_514 = arith.constant 0 : index
      %get3A_515 = tpu.vector_load %arg7[%get3A_513, %get3A_514] {strides = array<i32>} : memref<200x64xf32, #tpu.memory_space<vmem>>, vector<16xf32>,
      %get3A_516 = arith.index_cast %add3A_486 : i32 to index
      %get3A_517 = arith.constant 16 : index
      %get3A_518 = tpu.vector_load %arg7[%get3A_516, %get3A_517] {strides = array<i32>} : memref<200x64xf32, #tpu.memory_space<vmem>>, vector<16xf32>,
      %get3A_519 = arith.index_cast %add3A_486 : i32 to index
      %get3A_520 = arith.constant 32 : index
      %get3A_521 = tpu.vector_load %arg7[%get3A_519, %get3A_520] {strides = array<i32>} : memref<200x64xf32, #tpu.memory_space<vmem>>, vector<16xf32>,
      %get3A_522 = arith.index_cast %add3A_486 : i32 to index
      %get3A_523 = arith.constant 48 : index
      %get3A_524 = tpu.vector_load %arg7[%get3A_522, %get3A_523] {strides = array<i32>} : memref<200x64xf32, #tpu.memory_space<vmem>>, vector<16xf32>,
      %parallel_loop3A_525 = arith.constant 0 : i32
      %parallel_loop3A_526 = arith.constant 128 : i32
      %parallel_loop3A_527 = arith.constant 1 : i32
      scf.for %parallel_loop3A_622 = %parallel_loop3A_525 to %parallel_loop3A_526 step %parallel_loop3A_527  : i32 {
        %parallel_loop3A_623 = arith.constant 0 : i32
        %parallel_loop3A_624 = vector.broadcast %parallel_loop3A_623 : i32 to vector<16xi32>
        %parallel_loop3A_625 = vector.broadcast %parallel_loop3A_622 : i32 to vector<16xi32>
        %parallel_loop3A_626 = arith.addi %parallel_loop3A_624, %parallel_loop3A_625 : vector<16xi32>
        %parallel_loop3A_627 = arith.index_cast %parallel_loop3A_622 : i32 to index
        %parallel_loop3A_628 = arith.constant 0 : index
        %parallel_loop3A_629 = tpu.vector_load %arg10[%parallel_loop3A_627, %parallel_loop3A_628] {strides = array<i32>} : memref<128x64xf32, #tpu.memory_space<vmem>>, vector<16xf32>,
        %parallel_loop3A_630 = arith.addf %parallel_loop3A_629, %get3A_515 : vector<16xf32>
        tpu.vector_store_idx %arg14[%add3A_7, %and3A_2, %parallel_loop3A_626], %parallel_loop3A_630 : memref<8x8x129xf32, #tpu.memory_space<vmem>>[vector<16xi32>, vector<16xi32>, vector<16xi32>], vector<16xf32>,
        %parallel_loop3A_631 = arith.index_cast %parallel_loop3A_622 : i32 to index
        %parallel_loop3A_632 = arith.constant 16 : index
        %parallel_loop3A_633 = tpu.vector_load %arg10[%parallel_loop3A_631, %parallel_loop3A_632] {strides = array<i32>} : memref<128x64xf32, #tpu.memory_space<vmem>>, vector<16xf32>,
        %parallel_loop3A_634 = arith.addf %parallel_loop3A_633, %get3A_518 : vector<16xf32>
        tpu.vector_store_idx %arg14[%add3A_13, %and3A_2, %parallel_loop3A_626], %parallel_loop3A_634 : memref<8x8x129xf32, #tpu.memory_space<vmem>>[vector<16xi32>, vector<16xi32>, vector<16xi32>], vector<16xf32>,
        %parallel_loop3A_635 = arith.index_cast %parallel_loop3A_622 : i32 to index
        %parallel_loop3A_636 = arith.constant 32 : index
        %parallel_loop3A_637 = tpu.vector_load %arg10[%parallel_loop3A_635, %parallel_loop3A_636] {strides = array<i32>} : memref<128x64xf32, #tpu.memory_space<vmem>>, vector<16xf32>,
        %parallel_loop3A_638 = arith.addf %parallel_loop3A_637, %get3A_521 : vector<16xf32>
        tpu.vector_store_idx %arg14[%add3A_19, %and3A_2, %parallel_loop3A_626], %parallel_loop3A_638 : memref<8x8x129xf32, #tpu.memory_space<vmem>>[vector<16xi32>, vector<16xi32>, vector<16xi32>], vector<16xf32>,
        %parallel_loop3A_639 = arith.index_cast %parallel_loop3A_622 : i32 to index
        %parallel_loop3A_640 = arith.constant 48 : index
        %parallel_loop3A_641 = tpu.vector_load %arg10[%parallel_loop3A_639, %parallel_loop3A_640] {strides = array<i32>} : memref<128x64xf32, #tpu.memory_space<vmem>>, vector<16xf32>,
        %parallel_loop3A_642 = arith.addf %parallel_loop3A_641, %get3A_524 : vector<16xf32>
        tpu.vector_store_idx %arg14[%add3A_25, %and3A_2, %parallel_loop3A_626], %parallel_loop3A_642 : memref<8x8x129xf32, #tpu.memory_space<vmem>>[vector<16xi32>, vector<16xi32>, vector<16xi32>], vector<16xf32>,
      } {sc.loop_unroll_factor = 4 : i64, sc.parallel_access}
      %add3A_528 = arith.constant 4 : i32
      %add3A_529 = arith.addi %add3A_486, %add3A_528 : i32
      %lt3A_530 = arith.constant 200 : i32
      %lt3A_531 = arith.cmpi slt, %add3A_529, %lt3A_530 : i32
      %convert_element_type3A_532 = arith.extui %lt3A_531 : i1 to i32
      %cond3A_533 = arith.constant 0 : i32
      %cond3A_534 = arith.cmpi ne, %convert_element_type3A_532, %cond3A_533 : i32
      scf.if %cond3A_534 {
        %add3A_622 = arith.constant 4 : i32
        %add3A_623 = arith.addi %add3A_486, %add3A_622 : i32
        %shift_right_arithmetic3A_624 = arith.constant 3 : i32
        %shift_right_arithmetic3A_625 = arith.shrsi %add3A_623, %shift_right_arithmetic3A_624 : i32
        %and3A_626 = arith.constant 7 : i32
        %and3A_627 = arith.andi %add3A_623, %and3A_626 : i32
        %dma_start3A_628 = arith.constant 0 : i32
        %dma_start3A_629 = tpu.memref_slice %arg6[%shift_right_arithmetic3A_625, %and3A_627, %dma_start3A_628] : memref<25x8x128xi32, #tpu.memory_space<vmem>> -> memref<1x1x128xi32, #tpu.memory_space<vmem>>
        %dma_start3A_630 = tpu.memref_squeeze %dma_start3A_629 : memref<1x1x128xi32, #tpu.memory_space<vmem>> -> memref<128xi32, #tpu.memory_space<vmem>>
        %dma_start3A_631 = arith.constant 0 : i32
        %dma_start3A_632 = arith.constant 0 : i32
        %dma_start3A_633 = tpu.memref_slice %arg3[%dma_start3A_631, %dma_start3A_632] : memref<100000x64xf32, #tpu.memory_space<hbm>> -> memref<100000x64xf32, #tpu.memory_space<hbm>>
        tpu.enqueue_indirect_dma source(%dma_start3A_633 : memref<100000x64xf32, #tpu.memory_space<hbm>>) target(%arg10 : memref<128x64xf32, #tpu.memory_space<vmem>>) offsets(%dma_start3A_630 : memref<128xi32, #tpu.memory_space<vmem>>) semaphore(%arg18 : memref<!tpu.dma_semaphore, #tpu.memory_space<semaphore_mem>>)
      } else {
      }
      %dma_start3A_535 = arith.constant 0 : i32
      %dma_start3A_536 = arith.constant 0 : i32
      %dma_start3A_537 = arith.constant 0 : i32
      %dma_start3A_538 = tpu.memref_slice %arg14[%dma_start3A_535, %dma_start3A_536, %dma_start3A_537] : memref<8x8x129xf32, #tpu.memory_space<vmem>> -> memref<8x8x128xf32, #tpu.memory_space<vmem>>
      %dma_start3A_539 = arith.constant 0 : i32
      %dma_start3A_540 = arith.constant 0 : i32
      %dma_start3A_541 = arith.constant 0 : i32
      %dma_start3A_542 = tpu.memref_slice %arg5[%add3A_486, %dma_start3A_539, %add3A, %dma_start3A_540, %dma_start3A_541] : memref<200x8x32x8x128xf32, #tpu.memory_space<hbm>> -> memref<1x8x1x8x128xf32, #tpu.memory_space<hbm>>
      %dma_start3A_543 = tpu.memref_squeeze %dma_start3A_542 : memref<1x8x1x8x128xf32, #tpu.memory_space<hbm>> -> memref<8x8x128xf32, #tpu.memory_space<hbm>>
      %dma_start3A_544 = arith.constant 0 : i32
      %dma_start3A_545 = arith.constant 0 : i32
      %dma_start3A_546 = arith.constant 0 : i32
      %dma_start3A_547 = tpu.memref_slice %arg5[%add3A_486, %dma_start3A_544, %add3A, %dma_start3A_545, %dma_start3A_546] : memref<200x8x32x8x128xf32, #tpu.memory_space<hbm>> -> memref<1x8x1x8x128xf32, #tpu.memory_space<hbm>>
      %dma_start3A_548 = tpu.memref_squeeze %dma_start3A_547 : memref<1x8x1x8x128xf32, #tpu.memory_space<hbm>> -> memref<8x8x128xf32, #tpu.memory_space<hbm>>
      %dma_start3A_549 = arith.constant 0 : i32
      %dma_start3A_550 = arith.constant 0 : i32
      %dma_start3A_551 = arith.constant 0 : i32
      %dma_start3A_552 = tpu.memref_slice %arg14[%dma_start3A_549, %dma_start3A_550, %dma_start3A_551] : memref<8x8x129xf32, #tpu.memory_space<vmem>> -> memref<8x8x128xf32, #tpu.memory_space<vmem>>
      tpu.enqueue_dma source(%dma_start3A_552 : memref<8x8x128xf32, #tpu.memory_space<vmem>>) target(%dma_start3A_548 : memref<8x8x128xf32, #tpu.memory_space<hbm>>) target_semaphore(%arg22 : memref<!tpu.dma_semaphore, #tpu.memory_space<semaphore_mem>>)
      %add3A_553 = arith.constant 3 : i32
      %add3A_554 = arith.addi %mul3A_351, %add3A_553 : i32
      %dma_wait3A_555 = arith.constant 0 : i32
      %dma_wait3A_556 = arith.constant 0 : i32
      %dma_wait3A_557 = tpu.memref_slice %arg3[%dma_wait3A_555, %dma_wait3A_556] : memref<100000x64xf32, #tpu.memory_space<hbm>> -> memref<128x64xf32, #tpu.memory_space<hbm>>
      %dma_wait3A_558 = arith.constant 0 : i32
      %dma_wait3A_559 = arith.constant 0 : i32
      %dma_wait3A_560 = tpu.memref_slice %arg3[%dma_wait3A_558, %dma_wait3A_559] : memref<100000x64xf32, #tpu.memory_space<hbm>> -> memref<128x64xf32, #tpu.memory_space<hbm>>
      tpu.wait_dma2 semaphore(%arg19 : memref<!tpu.dma_semaphore, #tpu.memory_space<semaphore_mem>>) src(%dma_wait3A_560 : memref<128x64xf32, #tpu.memory_space<hbm>>) dst(%arg11 : memref<128x64xf32, #tpu.memory_space<vmem>>)
      %dma_wait3A_561 = arith.constant 0 : i32
      %dma_wait3A_562 = arith.constant 0 : i32
      %dma_wait3A_563 = arith.constant 0 : i32
      %dma_wait3A_564 = arith.constant 0 : i32
      %dma_wait3A_565 = arith.constant 0 : i32
      %dma_wait3A_566 = tpu.memref_slice %arg15[%dma_wait3A_563, %dma_wait3A_564, %dma_wait3A_565] : memref<8x8x129xf32, #tpu.memory_space<vmem>> -> memref<8x8x128xf32, #tpu.memory_space<vmem>>
      %dma_wait3A_567 = arith.constant 0 : i32
      %dma_wait3A_568 = arith.constant 0 : i32
      %dma_wait3A_569 = arith.constant 0 : i32
      %dma_wait3A_570 = tpu.memref_slice %arg5[%dma_wait3A_561, %dma_wait3A_567, %dma_wait3A_562, %dma_wait3A_568, %dma_wait3A_569] : memref<200x8x32x8x128xf32, #tpu.memory_space<hbm>> -> memref<1x8x1x8x128xf32, #tpu.memory_space<hbm>>
      %dma_wait3A_571 = tpu.memref_squeeze %dma_wait3A_570 : memref<1x8x1x8x128xf32, #tpu.memory_space<hbm>> -> memref<8x8x128xf32, #tpu.memory_space<hbm>>
      %dma_wait3A_572 = arith.constant 0 : i32
      %dma_wait3A_573 = arith.constant 0 : i32
      %dma_wait3A_574 = arith.constant 0 : i32
      %dma_wait3A_575 = tpu.memref_slice %arg5[%dma_wait3A_561, %dma_wait3A_572, %dma_wait3A_562, %dma_wait3A_573, %dma_wait3A_574] : memref<200x8x32x8x128xf32, #tpu.memory_space<hbm>> -> memref<1x8x1x8x128xf32, #tpu.memory_space<hbm>>
      %dma_wait3A_576 = tpu.memref_squeeze %dma_wait3A_575 : memref<1x8x1x8x128xf32, #tpu.memory_space<hbm>> -> memref<8x8x128xf32, #tpu.memory_space<hbm>>
      %dma_wait3A_577 = arith.constant 0 : i32
      %dma_wait3A_578 = arith.constant 0 : i32
      %dma_wait3A_579 = arith.constant 0 : i32
      %dma_wait3A_580 = tpu.memref_slice %arg15[%dma_wait3A_577, %dma_wait3A_578, %dma_wait3A_579] : memref<8x8x129xf32, #tpu.memory_space<vmem>> -> memref<8x8x128xf32, #tpu.memory_space<vmem>>
      tpu.wait_dma2 semaphore(%arg23 : memref<!tpu.dma_semaphore, #tpu.memory_space<semaphore_mem>>) src(%dma_wait3A_580 : memref<8x8x128xf32, #tpu.memory_space<vmem>>) dst(%dma_wait3A_576 : memref<8x8x128xf32, #tpu.memory_space<hbm>>)
      %get3A_581 = arith.index_cast %add3A_554 : i32 to index
      %get3A_582 = arith.constant 0 : index
      %get3A_583 = tpu.vector_load %arg7[%get3A_581, %get3A_582] {strides = array<i32>} : memref<200x64xf32, #tpu.memory_space<vmem>>, vector<16xf32>,
      %get3A_584 = arith.index_cast %add3A_554 : i32 to index
      %get3A_585 = arith.constant 16 : index
      %get3A_586 = tpu.vector_load %arg7[%get3A_584, %get3A_585] {strides = array<i32>} : memref<200x64xf32, #tpu.memory_space<vmem>>, vector<16xf32>,
      %get3A_587 = arith.index_cast %add3A_554 : i32 to index
      %get3A_588 = arith.constant 32 : index
      %get3A_589 = tpu.vector_load %arg7[%get3A_587, %get3A_588] {strides = array<i32>} : memref<200x64xf32, #tpu.memory_space<vmem>>, vector<16xf32>,
      %get3A_590 = arith.index_cast %add3A_554 : i32 to index
      %get3A_591 = arith.constant 48 : index
      %get3A_592 = tpu.vector_load %arg7[%get3A_590, %get3A_591] {strides = array<i32>} : memref<200x64xf32, #tpu.memory_space<vmem>>, vector<16xf32>,
      %parallel_loop3A_593 = arith.constant 0 : i32
      %parallel_loop3A_594 = arith.constant 128 : i32
      %parallel_loop3A_595 = arith.constant 1 : i32
      scf.for %parallel_loop3A_622 = %parallel_loop3A_593 to %parallel_loop3A_594 step %parallel_loop3A_595  : i32 {
        %parallel_loop3A_623 = arith.constant 0 : i32
        %parallel_loop3A_624 = vector.broadcast %parallel_loop3A_623 : i32 to vector<16xi32>
        %parallel_loop3A_625 = vector.broadcast %parallel_loop3A_622 : i32 to vector<16xi32>
        %parallel_loop3A_626 = arith.addi %parallel_loop3A_624, %parallel_loop3A_625 : vector<16xi32>
        %parallel_loop3A_627 = arith.index_cast %parallel_loop3A_622 : i32 to index
        %parallel_loop3A_628 = arith.constant 0 : index
        %parallel_loop3A_629 = tpu.vector_load %arg11[%parallel_loop3A_627, %parallel_loop3A_628] {strides = array<i32>} : memref<128x64xf32, #tpu.memory_space<vmem>>, vector<16xf32>,
        %parallel_loop3A_630 = arith.addf %parallel_loop3A_629, %get3A_583 : vector<16xf32>
        tpu.vector_store_idx %arg15[%add3A_7, %and3A_2, %parallel_loop3A_626], %parallel_loop3A_630 : memref<8x8x129xf32, #tpu.memory_space<vmem>>[vector<16xi32>, vector<16xi32>, vector<16xi32>], vector<16xf32>,
        %parallel_loop3A_631 = arith.index_cast %parallel_loop3A_622 : i32 to index
        %parallel_loop3A_632 = arith.constant 16 : index
        %parallel_loop3A_633 = tpu.vector_load %arg11[%parallel_loop3A_631, %parallel_loop3A_632] {strides = array<i32>} : memref<128x64xf32, #tpu.memory_space<vmem>>, vector<16xf32>,
        %parallel_loop3A_634 = arith.addf %parallel_loop3A_633, %get3A_586 : vector<16xf32>
        tpu.vector_store_idx %arg15[%add3A_13, %and3A_2, %parallel_loop3A_626], %parallel_loop3A_634 : memref<8x8x129xf32, #tpu.memory_space<vmem>>[vector<16xi32>, vector<16xi32>, vector<16xi32>], vector<16xf32>,
        %parallel_loop3A_635 = arith.index_cast %parallel_loop3A_622 : i32 to index
        %parallel_loop3A_636 = arith.constant 32 : index
        %parallel_loop3A_637 = tpu.vector_load %arg11[%parallel_loop3A_635, %parallel_loop3A_636] {strides = array<i32>} : memref<128x64xf32, #tpu.memory_space<vmem>>, vector<16xf32>,
        %parallel_loop3A_638 = arith.addf %parallel_loop3A_637, %get3A_589 : vector<16xf32>
        tpu.vector_store_idx %arg15[%add3A_19, %and3A_2, %parallel_loop3A_626], %parallel_loop3A_638 : memref<8x8x129xf32, #tpu.memory_space<vmem>>[vector<16xi32>, vector<16xi32>, vector<16xi32>], vector<16xf32>,
        %parallel_loop3A_639 = arith.index_cast %parallel_loop3A_622 : i32 to index
        %parallel_loop3A_640 = arith.constant 48 : index
        %parallel_loop3A_641 = tpu.vector_load %arg11[%parallel_loop3A_639, %parallel_loop3A_640] {strides = array<i32>} : memref<128x64xf32, #tpu.memory_space<vmem>>, vector<16xf32>,
        %parallel_loop3A_642 = arith.addf %parallel_loop3A_641, %get3A_592 : vector<16xf32>
        tpu.vector_store_idx %arg15[%add3A_25, %and3A_2, %parallel_loop3A_626], %parallel_loop3A_642 : memref<8x8x129xf32, #tpu.memory_space<vmem>>[vector<16xi32>, vector<16xi32>, vector<16xi32>], vector<16xf32>,
      } {sc.loop_unroll_factor = 4 : i64, sc.parallel_access}
      %add3A_596 = arith.constant 4 : i32
      %add3A_597 = arith.addi %add3A_554, %add3A_596 : i32
      %lt3A_598 = arith.constant 200 : i32
      %lt3A_599 = arith.cmpi slt, %add3A_597, %lt3A_598 : i32
      %convert_element_type3A_600 = arith.extui %lt3A_599 : i1 to i32
      %cond3A_601 = arith.constant 0 : i32
      %cond3A_602 = arith.cmpi ne, %convert_element_type3A_600, %cond3A_601 : i32
      scf.if %cond3A_602 {
        %add3A_622 = arith.constant 4 : i32
        %add3A_623 = arith.addi %add3A_554, %add3A_622 : i32
        %shift_right_arithmetic3A_624 = arith.constant 3 : i32
        %shift_right_arithmetic3A_625 = arith.shrsi %add3A_623, %shift_right_arithmetic3A_624 : i32
        %and3A_626 = arith.constant 7 : i32
        %and3A_627 = arith.andi %add3A_623, %and3A_626 : i32
        %dma_start3A_628 = arith.constant 0 : i32
        %dma_start3A_629 = tpu.memref_slice %arg6[%shift_right_arithmetic3A_625, %and3A_627, %dma_start3A_628] : memref<25x8x128xi32, #tpu.memory_space<vmem>> -> memref<1x1x128xi32, #tpu.memory_space<vmem>>
        %dma_start3A_630 = tpu.memref_squeeze %dma_start3A_629 : memref<1x1x128xi32, #tpu.memory_space<vmem>> -> memref<128xi32, #tpu.memory_space<vmem>>
        %dma_start3A_631 = arith.constant 0 : i32
        %dma_start3A_632 = arith.constant 0 : i32
        %dma_start3A_633 = tpu.memref_slice %arg3[%dma_start3A_631, %dma_start3A_632] : memref<100000x64xf32, #tpu.memory_space<hbm>> -> memref<100000x64xf32, #tpu.memory_space<hbm>>
        tpu.enqueue_indirect_dma source(%dma_start3A_633 : memref<100000x64xf32, #tpu.memory_space<hbm>>) target(%arg11 : memref<128x64xf32, #tpu.memory_space<vmem>>) offsets(%dma_start3A_630 : memref<128xi32, #tpu.memory_space<vmem>>) semaphore(%arg19 : memref<!tpu.dma_semaphore, #tpu.memory_space<semaphore_mem>>)
      } else {
      }
      %dma_start3A_603 = arith.constant 0 : i32
      %dma_start3A_604 = arith.constant 0 : i32
      %dma_start3A_605 = arith.constant 0 : i32
      %dma_start3A_606 = tpu.memref_slice %arg15[%dma_start3A_603, %dma_start3A_604, %dma_start3A_605] : memref<8x8x129xf32, #tpu.memory_space<vmem>> -> memref<8x8x128xf32, #tpu.memory_space<vmem>>
      %dma_start3A_607 = arith.constant 0 : i32
      %dma_start3A_608 = arith.constant 0 : i32
      %dma_start3A_609 = arith.constant 0 : i32
      %dma_start3A_610 = tpu.memref_slice %arg5[%add3A_554, %dma_start3A_607, %add3A, %dma_start3A_608, %dma_start3A_609] : memref<200x8x32x8x128xf32, #tpu.memory_space<hbm>> -> memref<1x8x1x8x128xf32, #tpu.memory_space<hbm>>
      %dma_start3A_611 = tpu.memref_squeeze %dma_start3A_610 : memref<1x8x1x8x128xf32, #tpu.memory_space<hbm>> -> memref<8x8x128xf32, #tpu.memory_space<hbm>>
      %dma_start3A_612 = arith.constant 0 : i32
      %dma_start3A_613 = arith.constant 0 : i32
      %dma_start3A_614 = arith.constant 0 : i32
      %dma_start3A_615 = tpu.memref_slice %arg5[%add3A_554, %dma_start3A_612, %add3A, %dma_start3A_613, %dma_start3A_614] : memref<200x8x32x8x128xf32, #tpu.memory_space<hbm>> -> memref<1x8x1x8x128xf32, #tpu.memory_space<hbm>>
      %dma_start3A_616 = tpu.memref_squeeze %dma_start3A_615 : memref<1x8x1x8x128xf32, #tpu.memory_space<hbm>> -> memref<8x8x128xf32, #tpu.memory_space<hbm>>
      %dma_start3A_617 = arith.constant 0 : i32
      %dma_start3A_618 = arith.constant 0 : i32
      %dma_start3A_619 = arith.constant 0 : i32
      %dma_start3A_620 = tpu.memref_slice %arg15[%dma_start3A_617, %dma_start3A_618, %dma_start3A_619] : memref<8x8x129xf32, #tpu.memory_space<vmem>> -> memref<8x8x128xf32, #tpu.memory_space<vmem>>
      tpu.enqueue_dma source(%dma_start3A_620 : memref<8x8x128xf32, #tpu.memory_space<vmem>>) target(%dma_start3A_616 : memref<8x8x128xf32, #tpu.memory_space<hbm>>) target_semaphore(%arg23 : memref<!tpu.dma_semaphore, #tpu.memory_space<semaphore_mem>>)
      %scan3A_621 = arith.constant 0 : i32
      scf.yield %scan3A_621 : i32
    }
    %scan3A_267 = arith.constant 49 : i32
    %dma_wait3A_268 = arith.constant 0 : i32
    %dma_wait3A_269 = arith.constant 0 : i32
    %dma_wait3A_270 = arith.constant 0 : i32
    %dma_wait3A_271 = arith.constant 0 : i32
    %dma_wait3A_272 = arith.constant 0 : i32
    %dma_wait3A_273 = tpu.memref_slice %arg12[%dma_wait3A_270, %dma_wait3A_271, %dma_wait3A_272] : memref<8x8x129xf32, #tpu.memory_space<vmem>> -> memref<8x8x128xf32, #tpu.memory_space<vmem>>
    %dma_wait3A_274 = arith.constant 0 : i32
    %dma_wait3A_275 = arith.constant 0 : i32
    %dma_wait3A_276 = arith.constant 0 : i32
    %dma_wait3A_277 = tpu.memref_slice %arg5[%dma_wait3A_268, %dma_wait3A_274, %dma_wait3A_269, %dma_wait3A_275, %dma_wait3A_276] : memref<200x8x32x8x128xf32, #tpu.memory_space<hbm>> -> memref<1x8x1x8x128xf32, #tpu.memory_space<hbm>>
    %dma_wait3A_278 = tpu.memref_squeeze %dma_wait3A_277 : memref<1x8x1x8x128xf32, #tpu.memory_space<hbm>> -> memref<8x8x128xf32, #tpu.memory_space<hbm>>
    %dma_wait3A_279 = arith.constant 0 : i32
    %dma_wait3A_280 = arith.constant 0 : i32
    %dma_wait3A_281 = arith.constant 0 : i32
    %dma_wait3A_282 = tpu.memref_slice %arg5[%dma_wait3A_268, %dma_wait3A_279, %dma_wait3A_269, %dma_wait3A_280, %dma_wait3A_281] : memref<200x8x32x8x128xf32, #tpu.memory_space<hbm>> -> memref<1x8x1x8x128xf32, #tpu.memory_space<hbm>>
    %dma_wait3A_283 = tpu.memref_squeeze %dma_wait3A_282 : memref<1x8x1x8x128xf32, #tpu.memory_space<hbm>> -> memref<8x8x128xf32, #tpu.memory_space<hbm>>
    %dma_wait3A_284 = arith.constant 0 : i32
    %dma_wait3A_285 = arith.constant 0 : i32
    %dma_wait3A_286 = arith.constant 0 : i32
    %dma_wait3A_287 = tpu.memref_slice %arg12[%dma_wait3A_284, %dma_wait3A_285, %dma_wait3A_286] : memref<8x8x129xf32, #tpu.memory_space<vmem>> -> memref<8x8x128xf32, #tpu.memory_space<vmem>>
    tpu.wait_dma2 semaphore(%arg20 : memref<!tpu.dma_semaphore, #tpu.memory_space<semaphore_mem>>) src(%dma_wait3A_287 : memref<8x8x128xf32, #tpu.memory_space<vmem>>) dst(%dma_wait3A_283 : memref<8x8x128xf32, #tpu.memory_space<hbm>>)
    %dma_wait3A_288 = arith.constant 0 : i32
    %dma_wait3A_289 = arith.constant 0 : i32
    %dma_wait3A_290 = arith.constant 0 : i32
    %dma_wait3A_291 = arith.constant 0 : i32
    %dma_wait3A_292 = arith.constant 0 : i32
    %dma_wait3A_293 = tpu.memref_slice %arg13[%dma_wait3A_290, %dma_wait3A_291, %dma_wait3A_292] : memref<8x8x129xf32, #tpu.memory_space<vmem>> -> memref<8x8x128xf32, #tpu.memory_space<vmem>>
    %dma_wait3A_294 = arith.constant 0 : i32
    %dma_wait3A_295 = arith.constant 0 : i32
    %dma_wait3A_296 = arith.constant 0 : i32
    %dma_wait3A_297 = tpu.memref_slice %arg5[%dma_wait3A_288, %dma_wait3A_294, %dma_wait3A_289, %dma_wait3A_295, %dma_wait3A_296] : memref<200x8x32x8x128xf32, #tpu.memory_space<hbm>> -> memref<1x8x1x8x128xf32, #tpu.memory_space<hbm>>
    %dma_wait3A_298 = tpu.memref_squeeze %dma_wait3A_297 : memref<1x8x1x8x128xf32, #tpu.memory_space<hbm>> -> memref<8x8x128xf32, #tpu.memory_space<hbm>>
    %dma_wait3A_299 = arith.constant 0 : i32
    %dma_wait3A_300 = arith.constant 0 : i32
    %dma_wait3A_301 = arith.constant 0 : i32
    %dma_wait3A_302 = tpu.memref_slice %arg5[%dma_wait3A_288, %dma_wait3A_299, %dma_wait3A_289, %dma_wait3A_300, %dma_wait3A_301] : memref<200x8x32x8x128xf32, #tpu.memory_space<hbm>> -> memref<1x8x1x8x128xf32, #tpu.memory_space<hbm>>
    %dma_wait3A_303 = tpu.memref_squeeze %dma_wait3A_302 : memref<1x8x1x8x128xf32, #tpu.memory_space<hbm>> -> memref<8x8x128xf32, #tpu.memory_space<hbm>>
    %dma_wait3A_304 = arith.constant 0 : i32
    %dma_wait3A_305 = arith.constant 0 : i32
    %dma_wait3A_306 = arith.constant 0 : i32
    %dma_wait3A_307 = tpu.memref_slice %arg13[%dma_wait3A_304, %dma_wait3A_305, %dma_wait3A_306] : memref<8x8x129xf32, #tpu.memory_space<vmem>> -> memref<8x8x128xf32, #tpu.memory_space<vmem>>
    tpu.wait_dma2 semaphore(%arg21 : memref<!tpu.dma_semaphore, #tpu.memory_space<semaphore_mem>>) src(%dma_wait3A_307 : memref<8x8x128xf32, #tpu.memory_space<vmem>>) dst(%dma_wait3A_303 : memref<8x8x128xf32, #tpu.memory_space<hbm>>)
    %dma_wait3A_308 = arith.constant 0 : i32
    %dma_wait3A_309 = arith.constant 0 : i32
    %dma_wait3A_310 = arith.constant 0 : i32
    %dma_wait3A_311 = arith.constant 0 : i32
    %dma_wait3A_312 = arith.constant 0 : i32
    %dma_wait3A_313 = tpu.memref_slice %arg14[%dma_wait3A_310, %dma_wait3A_311, %dma_wait3A_312] : memref<8x8x129xf32, #tpu.memory_space<vmem>> -> memref<8x8x128xf32, #tpu.memory_space<vmem>>
    %dma_wait3A_314 = arith.constant 0 : i32
    %dma_wait3A_315 = arith.constant 0 : i32
    %dma_wait3A_316 = arith.constant 0 : i32
    %dma_wait3A_317 = tpu.memref_slice %arg5[%dma_wait3A_308, %dma_wait3A_314, %dma_wait3A_309, %dma_wait3A_315, %dma_wait3A_316] : memref<200x8x32x8x128xf32, #tpu.memory_space<hbm>> -> memref<1x8x1x8x128xf32, #tpu.memory_space<hbm>>
    %dma_wait3A_318 = tpu.memref_squeeze %dma_wait3A_317 : memref<1x8x1x8x128xf32, #tpu.memory_space<hbm>> -> memref<8x8x128xf32, #tpu.memory_space<hbm>>
    %dma_wait3A_319 = arith.constant 0 : i32
    %dma_wait3A_320 = arith.constant 0 : i32
    %dma_wait3A_321 = arith.constant 0 : i32
    %dma_wait3A_322 = tpu.memref_slice %arg5[%dma_wait3A_308, %dma_wait3A_319, %dma_wait3A_309, %dma_wait3A_320, %dma_wait3A_321] : memref<200x8x32x8x128xf32, #tpu.memory_space<hbm>> -> memref<1x8x1x8x128xf32, #tpu.memory_space<hbm>>
    %dma_wait3A_323 = tpu.memref_squeeze %dma_wait3A_322 : memref<1x8x1x8x128xf32, #tpu.memory_space<hbm>> -> memref<8x8x128xf32, #tpu.memory_space<hbm>>
    %dma_wait3A_324 = arith.constant 0 : i32
    %dma_wait3A_325 = arith.constant 0 : i32
    %dma_wait3A_326 = arith.constant 0 : i32
    %dma_wait3A_327 = tpu.memref_slice %arg14[%dma_wait3A_324, %dma_wait3A_325, %dma_wait3A_326] : memref<8x8x129xf32, #tpu.memory_space<vmem>> -> memref<8x8x128xf32, #tpu.memory_space<vmem>>
    tpu.wait_dma2 semaphore(%arg22 : memref<!tpu.dma_semaphore, #tpu.memory_space<semaphore_mem>>) src(%dma_wait3A_327 : memref<8x8x128xf32, #tpu.memory_space<vmem>>) dst(%dma_wait3A_323 : memref<8x8x128xf32, #tpu.memory_space<hbm>>)
    %dma_wait3A_328 = arith.constant 0 : i32
    %dma_wait3A_329 = arith.constant 0 : i32
    %dma_wait3A_330 = arith.constant 0 : i32
    %dma_wait3A_331 = arith.constant 0 : i32
    %dma_wait3A_332 = arith.constant 0 : i32
    %dma_wait3A_333 = tpu.memref_slice %arg15[%dma_wait3A_330, %dma_wait3A_331, %dma_wait3A_332] : memref<8x8x129xf32, #tpu.memory_space<vmem>> -> memref<8x8x128xf32, #tpu.memory_space<vmem>>
    %dma_wait3A_334 = arith.constant 0 : i32
    %dma_wait3A_335 = arith.constant 0 : i32
    %dma_wait3A_336 = arith.constant 0 : i32
    %dma_wait3A_337 = tpu.memref_slice %arg5[%dma_wait3A_328, %dma_wait3A_334, %dma_wait3A_329, %dma_wait3A_335, %dma_wait3A_336] : memref<200x8x32x8x128xf32, #tpu.memory_space<hbm>> -> memref<1x8x1x8x128xf32, #tpu.memory_space<hbm>>
    %dma_wait3A_338 = tpu.memref_squeeze %dma_wait3A_337 : memref<1x8x1x8x128xf32, #tpu.memory_space<hbm>> -> memref<8x8x128xf32, #tpu.memory_space<hbm>>
    %dma_wait3A_339 = arith.constant 0 : i32
    %dma_wait3A_340 = arith.constant 0 : i32
    %dma_wait3A_341 = arith.constant 0 : i32
    %dma_wait3A_342 = tpu.memref_slice %arg5[%dma_wait3A_328, %dma_wait3A_339, %dma_wait3A_329, %dma_wait3A_340, %dma_wait3A_341] : memref<200x8x32x8x128xf32, #tpu.memory_space<hbm>> -> memref<1x8x1x8x128xf32, #tpu.memory_space<hbm>>
    %dma_wait3A_343 = tpu.memref_squeeze %dma_wait3A_342 : memref<1x8x1x8x128xf32, #tpu.memory_space<hbm>> -> memref<8x8x128xf32, #tpu.memory_space<hbm>>
    %dma_wait3A_344 = arith.constant 0 : i32
    %dma_wait3A_345 = arith.constant 0 : i32
    %dma_wait3A_346 = arith.constant 0 : i32
    %dma_wait3A_347 = tpu.memref_slice %arg15[%dma_wait3A_344, %dma_wait3A_345, %dma_wait3A_346] : memref<8x8x129xf32, #tpu.memory_space<vmem>> -> memref<8x8x128xf32, #tpu.memory_space<vmem>>
    tpu.wait_dma2 semaphore(%arg23 : memref<!tpu.dma_semaphore, #tpu.memory_space<semaphore_mem>>) src(%dma_wait3A_347 : memref<8x8x128xf32, #tpu.memory_space<vmem>>) dst(%dma_wait3A_343 : memref<8x8x128xf32, #tpu.memory_space<hbm>>)
    return
  }
}

</mosaic_0001>

<sc_bundles>
// kernel: kernel.3.cloned.1.call-start
scs
__scs_entry_jumppad:
0x0: {  	(pc) =	sbr.rel $0x88, $3  }
0x1: {  	(tag) =	ssettag $0x0;
	lr =	simm.s32 $0x1  }
0x2: {  	[smem:$0x3F9E] =	sst lr;
	_ =	strace $0xD0000000  }
0x3: {  	_ = 	snop  }
0x4: {  	_ = 	snop  }
0x5: {  	_ = 	snop  }
0x6: {  	_ = 	snop  }
0x7: {  	_ = 	snop  }
__scs_overlays_trampoline_lowered:
0x8: {  	[smem:$0x3FAD] =	sst s0  }
0x9: {  	[smem:$0x3FAE] =	sst s1  }
0xa: {  	[smem:$0x3FAF] =	sst s2  }
0xb: {  	[smem:$0x3FB0] =	sst s3  }
0xc: {  	[smem:$0x3FB1] =	sst s4  }
0xd: {  	[smem:$0x3FB2] =	sst s5  }
0xe: {  	[smem:$0x3FB3] =	sst s6  }
0xf: {  	[smem:$0x3FB4] =	sst s7  }
0x10: {  	[smem:$0x3FB5] =	sst s8  }
0x11: {  	[smem:$0x3FB6] =	sst s9;
	s0 =	simm.s32 @!p0 $0x0  }
0x12: {  	s1 =	sld [smem:$0x3F9C];
	s0 =	simm.s32 @p0 $0x1  }
0x13: {  	[smem:$0x3FB7] =	sst s0;
	s0 =	simm.s32 @!p1 $0x0  }
0x14: {  	s2 =	sld [smem:$0x3F9B];
	s0 =	simm.s32 @p1 $0x1  }
0x15: {  	[smem:$0x3FB8] =	sst s0;
	s0 =	simm.s32 @!p2 $0x0  }
0x16: {  	s3 =	sld [smem:$0x3FDB];
	s0 =	simm.s32 @p2 $0x1  }
0x17: {  	s4 =	simm.s32 $0x1BF5;
	[smem:$0x3FBA] =	sst s0  }
0x18: {  	s0 =	sld [smem:$0x3F9D];
	_ =	swait.ge [sflag:s4], $0x0  }
0x19: {  	s7 =	sld [smem:$0x3F9E]  }
0x1a: {  	s8 =	sadd.s32 $0xFFFFE003, lr  }
0x1b: {  	s9 =	sadd.s32 $0xFFFFFEF7, lr;
	s5 =	simm.s32 $0xFFFFFFFF;
	p2 =	slt.u32 s8, $0xFFFFF086  }
0x1c: {  	p1 =	slt.u32 s9, $0xF7A;
	s5 =	simm.s32 @!p2 $0x0  }
0x1d: {  	s5 =	simm.s32 @p1 $0x1;
	p0 =	seq.s32 s7, s2  }
0x1e: {  	s7 =	smul.u32 @!p0 $0xF7A, s2;
	p2 =	seq.s32 @!p0 s5, $0x0  }
0x1f: {  	s9 =	smul.u32 $0xF7A, s1;
	s8 =	simm.s32 @!p0 $0x1BF5;
	p2 =	por !p2, p0  }
0x20: {  	[sflag:s8] =	ssyncset.s32 @!p0 $0xFFFFF086;
	s6 =	sadd.s32 @!p0 s3, s7;
	s7 =	simm.s32 @!p0 $0x108  }
0x21: {  	s3 =	sadd.s32 s3, s9;
	s6 =	sadd.s32 @!p0 $0x88, s6;
	s7 =	simm.s32 @p2 $0x1082  }
0x22: {  	[simem:s7], [sflag:s8] =	dma.local @!p0 [hbm:s6], $0xF7A  }
0x23: {  	s9 =	sor.u32 $0xD0000000, s2;
	s6 =	simm.s32 $0x108;
	_ =	swait.ge @!p0 [sflag:s8], $0x0  }
0x24: {  	s3 =	sadd.s32 $0x88, s3;
	s6 =	simm.s32 @!p1 $0x1082;
	[sflag:s4] =	ssyncset.s32 $0xFFFFF086  }
0x25: {  	[simem:s6], [sflag:s4] =	dma.local [hbm:s3], $0xF7A  }
0x26: {  	[smem:$0x3F9E] =	sst s1;
	(tag) =	ssettag s2;
	_ =	strace s9  }
0x27: {  	s1 =	sld [smem:$0x3FAE]  }
0x28: {  	s2 =	sld [smem:$0x3FAF]  }
0x29: {  	s4 =	sld [smem:$0x3FB1]  }
0x2a: {  	p0 =	seq.s32 s5, $0x0;
	s5 =	sld [smem:$0x3FB2]  }
0x2b: {  	s6 =	sld [smem:$0x3FB3]  }
0x2c: {  	s7 =	sld [smem:$0x3FB4]  }
0x2d: {  	s3 =	simm.s32 $0x108;
	s8 =	sld [smem:$0x3FB5]  }
0x2e: {  	s3 =	simm.s32 @!p0 $0x1082;
	s9 =	sld [smem:$0x3FB6]  }
0x2f: {  	lr =	sadd.s32 s0, s3;
	s0 =	sld [smem:$0x3FAD]  }
0x30: {  	s3 =	sld [smem:$0x3FB0]  }
0x31: {  	[smem:$0x3FB9] =	sst s10  }
0x32: {  	s10 =	sld [smem:$0x3FB7];
	_ =	sdelay $0x3  }
0x33: {  	p0 =	seq.s32 s10, $0x1;
	s10 =	sld [smem:$0x3FB9];
	_ =	sdelay $0x3  }
0x34: {  	[smem:$0x3FB9] =	sst s10  }
0x35: {  	s10 =	sld [smem:$0x3FB8];
	_ =	sdelay $0x3  }
0x36: {  	p1 =	seq.s32 s10, $0x1;
	s10 =	sld [smem:$0x3FB9];
	_ =	sdelay $0x3  }
0x37: {  	[smem:$0x3FB9] =	sst s10  }
0x38: {  	s10 =	sld [smem:$0x3FBA]  }
0x39: {  	_ = 	snop;
	(pc) =	sbr.ind lr, $3  }
0x3a: {  	_ = 	snop  }
0x3b: {  	_ = 	snop  }
0x3c: {  	p2 =	seq.s32 s10, $0x1;
	s10 =	sld [smem:$0x3FB9]  }
0x3d: {  	_ =	shalt  }
0x3e: {  	_ =	shalt  }
0x3f: {  	_ =	shalt  }
0x40: {  	_ =	shalt  }
0x41: {  	_ =	shalt  }
0x42: {  	_ =	shalt  }
0x43: {  	_ =	shalt  }
0x44: {  	_ =	shalt  }
0x45: {  	_ =	shalt  }
0x46: {  	_ =	shalt  }
0x47: {  	_ =	shalt  }
0x48: {  	_ =	shalt  }
0x49: {  	_ =	shalt  }
0x4a: {  	_ =	shalt  }
0x4b: {  	_ =	shalt  }
0x4c: {  	_ =	shalt  }
0x4d: {  	_ =	shalt  }
0x4e: {  	_ =	shalt  }
0x4f: {  	_ =	shalt  }
0x50: {  	_ =	shalt  }
0x51: {  	_ =	shalt  }
0x52: {  	_ =	shalt  }
0x53: {  	_ =	shalt  }
0x54: {  	_ =	shalt  }
0x55: {  	_ =	shalt  }
0x56: {  	_ =	shalt  }
0x57: {  	_ =	shalt  }
0x58: {  	_ =	shalt  }
0x59: {  	_ =	shalt  }
0x5a: {  	_ =	shalt  }
0x5b: {  	_ =	shalt  }
0x5c: {  	_ =	shalt  }
0x5d: {  	_ =	shalt  }
0x5e: {  	_ =	shalt  }
0x5f: {  	_ =	shalt  }
0x60: {  	_ =	shalt  }
0x61: {  	_ =	shalt  }
0x62: {  	_ =	shalt  }
0x63: {  	_ =	shalt  }
0x64: {  	_ =	shalt  }
0x65: {  	_ =	shalt  }
0x66: {  	_ =	shalt  }
0x67: {  	_ =	shalt  }
0x68: {  	_ =	shalt  }
0x69: {  	_ =	shalt  }
0x6a: {  	_ =	shalt  }
0x6b: {  	_ =	shalt  }
0x6c: {  	_ =	shalt  }
0x6d: {  	_ =	shalt  }
0x6e: {  	_ =	shalt  }
0x6f: {  	_ =	shalt  }
0x70: {  	_ =	shalt  }
0x71: {  	_ =	shalt  }
0x72: {  	_ =	shalt  }
0x73: {  	_ =	shalt  }
0x74: {  	_ =	shalt  }
0x75: {  	_ =	shalt  }
0x76: {  	_ =	shalt  }
0x77: {  	_ =	shalt  }
0x78: {  	_ =	shalt  }
0x79: {  	_ =	shalt  }
0x7a: {  	_ =	shalt  }
0x7b: {  	_ =	shalt  }
0x7c: {  	_ =	shalt  }
0x7d: {  	_ =	shalt  }
0x7e: {  	_ =	shalt  }
0x7f: {  	_ =	shalt  }
0x80: {  	_ =	shalt  }
0x81: {  	_ =	shalt  }
0x82: {  	_ =	shalt  }
0x83: {  	_ =	shalt  }
0x84: {  	_ =	shalt  }
0x85: {  	_ =	shalt  }
0x86: {  	_ =	shalt  }
0x87: {  	_ =	shalt  }
.Lfunc_end0:
.L_simem_size_0:
called_computation_lowered:
.L_overlay_start_0:
0x88: {  	s2 =	sld [smem:$0x3FD9]  }
0x89: {  	s3 =	sld [smem:$0x3FFE];
	_ =	sdelay $0x1  }
0x8a: {  	s1 =	srdreg.scid  }
0x8b: {  	s0 =	sand.u32 $0x1, s1  }
0x8c: {  	s17 =	sshll.u32 s0, $0xA;
	s2 =	sadd.s32 s3, s2  }
0x8d: {  	s2 =	sadd.s32 s2, s17  }
0x8e: {  	[smem:$0x3FC5] =	sst s2  }
0x8f: {  	_ = 	snop  }
0x90: {  	s2 =	sld [smem:$0x3FC9]  }
0x91: {  	s18 =	sld [smem:$0x3FD0];
	(tm) =	ssettm $0x1  }
0x92: {  	s4 =	sld [smem:$0x3FFB];
	_ =	sdelay $0x3  }
0x93: {  	_ =	strace s4  }
0x94: {  	s4 =	sld [smem:$0x3FFC];
	_ =	sdelay $0x3  }
0x95: {  	_ =	strace s4  }
0x96: {  	s4 =	sld [smem:$0x3FFD];
	_ =	sdelay $0x3  }
0x97: {  	_ =	strace s4  }
0x98: {  	_ =	strace $0x8FFFFFFF  }
0x99: {  	s19 =	sld [smem:$0x3FDB];
	_ =	sdelay $0x1  }
0x9a: {  	s5 =	simm.s32 $_scs_section_size  }
0x9b: {  	s6 =	simm.s32 $_size__tile_overlayer_lowered;
	s7 =	simm.s32 $_tile_overlayer_lowered  }
0x9c: {  	s22 =	simm.s32 $0x1BFF;
	s21 =	sshll.u32 s7, $0x1;
	s4 =	sadd.s32 s5, s19  }
0x9d: {  	s8 =	simm.s32 $0x0;
	s20 =	sshll.u32 s6, $0x1;
	s6 =	sadd.s32 s21, s4  }
0x9e: {  	[timem:s8], [sflag:s22] =	dma.local [hbm:s6], s20  }
0x9f: {  	_ =	swait.ge [sflag:s22], s20  }
0xa0: {  	s5 =	ssub.s32 $0x0, s20;
	[sflag:s22] =	ssyncset.done $0x0  }
0xa1: {  	[sflag:s22] =	ssyncadd.s32 s5;
	_ =	sdelay $0x1  }
0xa2: {  	s23 =	simm.s32 $0x1B8B  }
0xa3: {  	_ =	swait.ge [sflag:s23], $0x1  }
0xa4: {  	[sflag:s23] =	ssyncset.done $0x0  }
0xa5: {  	s25 =	simm.s32 $0x1B8E;
	s24 =	sld [smem:$0x3FFE];
	[sflag:s23] =	ssyncadd.s32 $0xFFFFFFFF  }
0xa6: {  	s26 =	simm.s32 $execute0_lowered;
	[smem:$0x3FD2] =	sst s25  }
0xa7: {  	s6 =	sshll.u32 s26, $0x1;
	_ =	strace $0x80000046;
	[dreg:$0x1] =	wrdreg $0xFFFFFFFF  }
0xa8: {  	s28 =	simm.s32 $_size_execute0_lowered;
	s4 =	sadd.s32 s4, s6;
	[dreg:$0x0] =	wrdreg $0x0  }
0xa9: {  	s6 =	sshll.u32 s28, $0x1;
	[dreg:$0x2] =	wrdreg s4  }
0xaa: {  	[dreg:$0x3] =	wrdreg s6  }
0xab: {  	[dreg:$0x4] =	wrdreg $0xC0  }
0xac: {  	_ =	task [dreg:s8], $0x5FFFF  }
0xad: {  	[dreg:$0x1] =	wrdreg $0xFFFFFFFF  }
0xae: {  	[dreg:$0x0] =	wrdreg $0x60  }
0xaf: {  	[dreg:$0x2] =	wrdreg s2  }
0xb0: {  	[dreg:$0x3] =	wrdreg s24  }
0xb1: {  	[dreg:$0x4] =	wrdreg s18  }
0xb2: {  	[dreg:$0x5] =	wrdreg $0x9  }
0xb3: {  	_ =	task.clear_ibuf [dreg:s8], $0x6FFFF;
	_ =	strace $0x90000046  }
0xb4: {  	s29 =	simm.s32 $0x9;
	_ =	strace $0x80000048  }
0xb5: {  	_ =	swait.ge [sflag:s29], $0x1  }
0xb6: {  	[sflag:s29] =	ssyncadd.s32 $0xFFFFFFFF  }
0xb7: {  	_ =	strace $0x90000048  }
0xb8: {  	_ =	sfence  }
0xb9: {  	s30 =	sld [smem:$0x0];
	_ =	sdelay $0x2  }
0xba: {  	s31 =	sshll.u32 s1, $0xD;
	s1 =	sshrl.u32 s1, $0x2  }
0xbb: {  	s3 =	sand.u32 $0x4000, s31;
	s1 =	sadd.s32 s1, s30  }
0xbc: {  	s0 =	sor.u32 s3, s0;
	s1 =	sshll.u32 s1, $0x11  }
0xbd: {  	s0 =	sor.u32 s1, s0  }
0xbe: {  	s0 =	sadd.s32 $0x8F2B, s0  }
0xbf: {  	[sflag:s0] =	ssyncadd.remote.s32 $0x1  }
0xc0: {  	_ =	sfence.sel $0xFFFF  }
0xc1: {  	[dreg:$0x0] =	wrdreg $0xFFFFFFFF;
	(pc) =	sbr.abs _section_cstart, $3  }
0xc2: {  	[dreg:$0x1] =	wrdreg $0xFFFFFFFF  }
0xc3: {  	_ =	task.clear_ibuf [dreg:s8], $0x2FFFF;
	_ =	strace $0x9FFFFFFF  }
0xc4: {  	(tm) =	ssettm $0x7FFFFFFF  }
0xc5: {  	_ =	shalt  }
tec
execute0_lowered:
.L_overlay_start_1:
0x0: {  	(tag) =	ssettag $0x1  }
0x1: {  	s0 =	rddreg [dreg:$0x0]  }
0x2: {  	s1 =	rddreg [dreg:$0x1]  }
0x3: {  	s2 =	rddreg [dreg:$0x2]  }
0x4: {  	s4 =	srdreg.scid;
	s3 =	simm.s32 $0x0;
	s5 =	stileid.u32  }
0x5: {  	s15 =	simm.s32 $0x80;
	s17 =	simm.s32 $0x9600;
	s28 =	simm.s32 $0x2  }
0x6: {  	s29 =	simm.s32 $0x13800;
	s31 =	simm.s32 $0x3;
	s13 =	simm.s32 $0x4  }
0x7: {  	s14 =	simm.s32 $0x17C00;
	s20 =	simm.s32 $0x5;
	s22 =	simm.s32 $0x6  }
0x8: {  	s30 =	simm.s32 $0x8;
	s4 =	sand.u32 $0x1, s4;
	[smem:$0x7FF] =	sst s3  }
0x9: {  	s5 =	sshll.u32 s5, $0xB;
	s6 =	sshll.u32 s4, $0xA;
	_ =	strace $0x80000047  }
0xa: {  	s7 =	ssub.s32 $0x2, s4;
	s4 =	sor.u32 s6, s5;
	s5 =	sadd.s32 $0xC00, s1  }
0xb: {  	s24 =	sshrl.u32 s7, $0x1;
	s1 =	sadd.s32 $0x400, s1;
	s8 =	sshrl.u32 s4, $0x3  }
0xc: {  	[dreg:$0x4] =	wrdreg s1;
	s25 =	ssub.s32 s7, s24;
	s24 =	simm.s32 $0x1  }
0xd: {  	v0 =	vlaneseq.u32;
	s1 =	simm.s32 $0x0;
	s7 =	sadd.s32 s2, s8;
	s0 =	sadd.s32 s0, s8  }
0xe: {  	v0 =	vmul.u32 $0x88, v0;
	s26 =	smax.u32 s25, $0x1;
	s25 =	simm.s32 $0x11600;
	[dreg:$0x5] =	wrdreg s0  }
0xf: {  	s9 =	sadd.s32 $0x8000, s7;
	s10 =	sadd.s32 $0x10000, s7;
	s11 =	sadd.s32 $0x18000, s7  }
0x10: {  	v1 =	vadd.s32 $0x880, v0;
	v2 =	vadd.s32 $0x1100, v0;
	v3 =	vadd.s32 $0x1980, v0;
	[dreg:$0x6] =	wrdreg s26;
	s0 =	simm.s32 $0x15A00;
	s26 =	simm.s32 $0x7  }
.LBB2_1:
0x11: {  	s6 =	rddreg [dreg:$0x5]  }
0x12: {  	s8 =	simm.s32 $0x400;
	s12 =	simm.s32 $0x8000;
	s18 =	simm.s32 $0x9  }
0x13: {  	[tilespmem:s3], [sflag:$0x9] =	stream.strided.gather [hbm4b:s6+s8], $0x6400, s12, s8, $0x38;
	[tilespmem:$0x19E00] =	vst v63  }
0x14: {  	_ =	swait.ge [sflag:s18], $0x6400  }
0x15: {  	[sflag:s18] =	ssyncset.done $0x0  }
0x16: {  	s21 =	simm.s32 $0x6400;
	s19 =	rddreg [dreg:$0x4];
	[sflag:s18] =	ssyncadd.s32 $0xFFFF9C00  }
0x17: {  	[tilespmem:s21], [sflag:$0x9] =	stream.linear.gather [hbm4b:s19+s3], $0x3200, $0x38;
	[tilespmem:$0x19E00] =	vst v63  }
0x18: {  	_ =	swait.ge [sflag:s18], $0x3200  }
0x19: {  	[sflag:s18] =	ssyncset.done $0x0  }
0x1a: {  	[sflag:s18] =	ssyncadd.s32 $0xFFFFCE00  }
0x1b: {  	[tilespmem:s17], [sflag:$0x1] =	stream.indirect.gather [hbm4b:s5+s15], $0x40, s3, s15, $0xb8;
	[tilespmem:$0x19E00] =	vst v63  }
0x1c: {  	s23 =	simm.s32 $0xB600  }
0x1d: {  	[tilespmem:s23], [sflag:$0x2] =	stream.indirect.gather [hbm4b:s5+s15], $0x40, s15, s15, $0xb8;
	[tilespmem:$0x19E00] =	vst v63  }
0x1e: {  	s8 =	simm.s32 $0x100;
	s12 =	simm.s32 $0xD600  }
0x1f: {  	[tilespmem:s12], [sflag:$0x3] =	stream.indirect.gather [hbm4b:s5+s15], $0x40, s8, s15, $0xb8;
	[tilespmem:$0x19E00] =	vst v63  }
0x20: {  	s16 =	simm.s32 $0x180;
	s18 =	simm.s32 $0xF600  }
0x21: {  	[tilespmem:s18], [sflag:$0x4] =	stream.indirect.gather [hbm4b:s5+s15], $0x40, s16, s15, $0xb8;
	[tilespmem:$0x19E00] =	vst v63  }
0x22: {  	_ =	swait.ge [sflag:s24], $0x2000  }
0x23: {  	[sflag:s24] =	ssyncset.done $0x0  }
0x24: {  	[sflag:s24] =	ssyncadd.s32 $0xFFFFE000  }
0x25: {  	s19 =	simm.s32 $0x3;
	s8 =	simm.s32 $0x9680;
	v9 =	vld [tilespmem:$0x6400]  }
0x26: {  	v4 =	vmov s19;
	v7 =	vld [tilespmem:s8+$0x40]  }
0x27: {  	v13 =	vand.u32 $0x7F, v4  }
0x28: {  	v4 =	vmov s3;
	v8 =	vadd.s32 v0, v13;
	v6 =	vld [tilespmem:$0x6410]  }
0x29: {  	s21 =	simm.s32 $0x1;
	v12 =	vand.u32 $0x7C, v4;
	v10 =	vld [tilespmem:s8+$0xFFFFFF80]  }
0x2a: {  	v4 =	vmov s21;
	v15 =	vadd.s32 v0, v12;
	s23 =	simm.s32 $0x2;
	v11 =	vld [tilespmem:s8+$0xFFFFFFC0]  }
0x2b: {  	v19 =	vand.u32 $0x7D, v4;
	v14 =	vmov s23;
	v16 =	vld [tilespmem:s8+$0x0];
	v7 =	vadd.f32 v7, v9  }
0x2c: {  	v17 =	vadd.s32 v0, v19;
	v20 =	vand.u32 $0x7E, v14;
	v5 =	vld [tilespmem:$0x6420]  }
0x2d: {  	v14 =	vadd.s32 v0, v20;
	v4 =	vld [tilespmem:$0x6430];
	[tilespmem:v8+s25+$0x0] =	vst.idx.msk $0xffff, v7  }
0x2e: {  	v7 =	vadd.f32 v10, v9;
	v8 =	vld [tilespmem:s8+$0x50]  }
0x2f: {  	v10 =	vadd.f32 v11, v9  }
0x30: {  	v11 =	vadd.s32 v1, v13;
	[tilespmem:v15+s25+$0x0] =	vst.idx.msk $0xffff, v7;
	v7 =	vadd.f32 v16, v9  }
0x31: {  	[tilespmem:v17+s25+$0x0] =	vst.idx.msk $0xffff, v10;
	v15 =	vld [tilespmem:s8+$0xFFFFFF90]  }
0x32: {  	v10 =	vld [tilespmem:s8+$0xFFFFFFD0];
	[tilespmem:v14+s25+$0x0] =	vst.idx.msk $0xffff, v7  }
0x33: {  	v14 =	vld [tilespmem:s8+$0x10];
	v7 =	vadd.f32 v8, v6  }
0x34: {  	s18 =	simm.s32 $0x7;
	s16 =	simm.s32 $0x9780;
	v16 =	vadd.s32 v1, v19  }
0x35: {  	v26 =	vadd.s32 v2, v13;
	s12 =	simm.s32 $0x4;
	v18 =	vld [tilespmem:s16+$0x40];
	v17 =	vadd.s32 v1, v20;
	[tilespmem:v11+s25+$0x0] =	vst.idx.msk $0xffff, v7;
	v7 =	vmov s18  }
0x36: {  	v21 =	vadd.s32 v1, v12;
	v8 =	vmov s12;
	v7 =	vand.u32 $0x7F, v7;
	v22 =	vld [tilespmem:s8+$0x60]  }
0x37: {  	s19 =	simm.s32 $0x5;
	v23 =	vld [tilespmem:s16+$0xFFFFFF80];
	v8 =	vand.u32 $0x7C, v8;
	v10 =	vadd.f32 v10, v6;
	v24 =	vadd.s32 v0, v7  }
0x38: {  	s21 =	simm.s32 $0x6;
	v25 =	vld [tilespmem:s16+$0xFFFFFFC0];
	v15 =	vadd.f32 v15, v6;
	v11 =	vadd.f32 v14, v6;
	v14 =	vmov s19  }
0x39: {  	v27 =	vadd.s32 v0, v8;
	[tilespmem:v16+s25+$0x0] =	vst.idx.msk $0xffff, v10;
	v16 =	vmov s21;
	v10 =	vand.u32 $0x7D, v14;
	v14 =	vld [tilespmem:s16+$0x0]  }
0x3a: {  	[tilespmem:v17+s25+$0x0] =	vst.idx.msk $0xffff, v11;
	v17 =	vadd.s32 v0, v10;
	v11 =	vand.u32 $0x7E, v16;
	v16 =	vadd.f32 v18, v9;
	v18 =	vld [tilespmem:s8+$0xFFFFFFE0]  }
0x3b: {  	[tilespmem:v21+s25+$0x0] =	vst.idx.msk $0xffff, v15;
	v15 =	vadd.s32 v0, v11;
	v21 =	vld [tilespmem:s8+$0x20];
	v22 =	vadd.f32 v22, v5  }
0x3c: {  	v23 =	vadd.f32 v23, v9;
	[tilespmem:v24+s25+$0x0] =	vst.idx.msk $0xffff, v16;
	v16 =	vld [tilespmem:s8+$0xFFFFFFA0];
	v24 =	vadd.s32 v2, v19  }
0x3d: {  	v29 =	vadd.s32 v2, v20;
	v25 =	vadd.f32 v25, v9;
	v28 =	vld [tilespmem:s16+$0x50];
	[tilespmem:v26+s25+$0x0] =	vst.idx.msk $0xffff, v22  }
0x3e: {  	[tilespmem:v27+s25+$0x0] =	vst.idx.msk $0xffff, v23;
	v23 =	vadd.s32 v2, v12;
	v14 =	vadd.f32 v14, v9;
	v26 =	vld [tilespmem:s8+$0x70]  }
0x3f: {  	v27 =	vld [tilespmem:s16+$0xFFFFFF90];
	[tilespmem:v17+s25+$0x0] =	vst.idx.msk $0xffff, v25;
	v25 =	vadd.s32 v1, v7;
	v18 =	vadd.f32 v18, v5  }
0x40: {  	v31 =	vadd.s32 v3, v13;
	v30 =	vld [tilespmem:s16+$0xFFFFFFD0];
	[tilespmem:v15+s25+$0x0] =	vst.idx.msk $0xffff, v14;
	v14 =	vadd.f32 v21, v5  }
0x41: {  	v22 =	vadd.s32 v1, v8;
	v17 =	vld [tilespmem:s16+$0x10];
	v13 =	vadd.f32 v16, v5;
	[tilespmem:v24+s25+$0x0] =	vst.idx.msk $0xffff, v18  }
0x42: {  	s6 =	simm.s32 $0x8;
	v21 =	vadd.s32 v1, v10;
	[tilespmem:v29+s25+$0x0] =	vst.idx.msk $0xffff, v14;
	v18 =	vadd.f32 v28, v6;
	v16 =	vld [tilespmem:s8+$0xFFFFFFF0]  }
0x43: {  	v24 =	vmov s6;
	v14 =	vadd.s32 v1, v11;
	v15 =	vld [tilespmem:s8+$0x30];
	[tilespmem:v23+s25+$0x0] =	vst.idx.msk $0xffff, v13;
	v63 =	vadd.f32 v26, v4  }
0x44: {  	s23 =	simm.s32 $0xB;
	s18 =	simm.s32 $0x9880;
	v19 =	vadd.s32 v3, v19;
	v13 =	vand.u32 $0x7C, v24;
	v24 =	vadd.f32 v27, v6;
	[tilespmem:v25+s25+$0x0] =	vst.idx.msk $0xffff, v18;
	v18 =	vld [tilespmem:s8+$0xFFFFFFB0]  }
0x45: {  	v20 =	vadd.s32 v3, v20;
	v26 =	vmov s23;
	v23 =	vld [tilespmem:s18+$0x40];
	s8 =	simm.s32 $0xC;
	v25 =	vadd.f32 v30, v6;
	[tilespmem:v31+s25+$0x0] =	vst.idx.msk $0xffff, v63  }
.LBB2_2:
0x46: {  	p0 =	slt.u32 s8, $0x7C;
	s12 =	sadd.s32 $0x1, s6;
	v26 =	vand.u32 $0x7F, v26;
	[tilespmem:v22+s25+$0x0] =	vst.idx.msk $0xffff, v24;
	v17 =	vadd.f32 v17, v6;
	v22 =	vld [tilespmem:s16+$0x60];
	v24 =	vadd.s32 v3, v12  }
0x47: {  	v30 =	vmovc v11;
	v27 =	vld [tilespmem:s18+$0xFFFFFF80];
	v28 =	vmov s12;
	s12 =	sadd.s32 $0x2, s6;
	v29 =	vadd.s32 v0, v26;
	[tilespmem:v21+s25+$0x0] =	vst.idx.msk $0xffff, v25;
	v16 =	vadd.f32 v16, v4;
	s6 =	smov.u32 s8  }
0x48: {  	v12 =	vmovc v8;
	v21 =	vld [tilespmem:s18+$0xFFFFFFC0];
	v11 =	vmov s12;
	[tilespmem:v14+s25+$0x0] =	vst.idx.msk $0xffff, v17;
	v14 =	vadd.s32 v2, v7;
	v15 =	vadd.f32 v15, v4  }
0x49: {  	v17 =	vadd.s32 v0, v13;
	v28 =	vand.u32 $0x7D, v28;
	v25 =	vld [tilespmem:s18+$0x0];
	v31 =	vadd.f32 v18, v4;
	[tilespmem:v19+s25+$0x0] =	vst.idx.msk $0xffff, v16  }
0x4a: {  	v16 =	vadd.s32 v0, v28;
	v11 =	vand.u32 $0x7E, v11;
	v18 =	vadd.f32 v23, v9;
	v19 =	vld [tilespmem:s16+$0xFFFFFFE0];
	[tilespmem:v20+s25+$0x0] =	vst.idx.msk $0xffff, v15  }
0x4b: {  	v8 =	vmov v13;
	v15 =	vadd.s32 v0, v11;
	v20 =	vld [tilespmem:s16+$0x20];
	v22 =	vadd.f32 v22, v5;
	[tilespmem:v24+s25+$0x0] =	vst.idx.msk $0xffff, v31  }
0x4c: {  	v23 =	vadd.s32 v2, v10;
	v13 =	vadd.f32 v27, v9;
	[tilespmem:v29+s25+$0x0] =	vst.idx.msk $0xffff, v18;
	v18 =	vld [tilespmem:s16+$0xFFFFFFA0]  }
0x4d: {  	v27 =	vadd.s32 v2, v30;
	v21 =	vadd.f32 v21, v9;
	v24 =	vld [tilespmem:s18+$0x50];
	[tilespmem:v14+s25+$0x0] =	vst.idx.msk $0xffff, v22  }
0x4e: {  	[tilespmem:v17+s25+$0x0] =	vst.idx.msk $0xffff, v13;
	v13 =	vadd.f32 v25, v9;
	v25 =	vadd.s32 v2, v12;
	v29 =	vld [tilespmem:s16+$0x70]  }
0x4f: {  	v32 =	vadd.s32 v1, v26;
	v31 =	vld [tilespmem:s18+$0xFFFFFF90];
	[tilespmem:v16+s25+$0x0] =	vst.idx.msk $0xffff, v21;
	v14 =	vadd.f32 v19, v5  }
0x50: {  	v34 =	vadd.s32 v3, v7;
	v7 =	vmov v26;
	v33 =	vld [tilespmem:s18+$0xFFFFFFD0];
	[tilespmem:v15+s25+$0x0] =	vst.idx.msk $0xffff, v13;
	v13 =	vadd.f32 v20, v5  }
.Ltmp0:
0x51: {  	v22 =	vadd.s32 v1, v8;
	v17 =	vld [tilespmem:s18+$0x10];
	v15 =	vadd.f32 v18, v5;
	[tilespmem:v23+s25+$0x0] =	vst.idx.msk $0xffff, v14;
	(pc) =	sbr.rel @p0 .LBB2_2-.Ltmp0, $4  }
0x52: {  	v21 =	vadd.s32 v1, v28;
	v18 =	vadd.f32 v24, v6;
	v16 =	vld [tilespmem:s16+$0xFFFFFFF0];
	[tilespmem:v27+s25+$0x0] =	vst.idx.msk $0xffff, v13  }
0x53: {  	v14 =	vadd.s32 v1, v11;
	v13 =	vmov s8;
	[tilespmem:v25+s25+$0x0] =	vst.idx.msk $0xffff, v15;
	v15 =	vld [tilespmem:s16+$0x30];
	v27 =	vadd.f32 v29, v4  }
0x54: {  	s12 =	sadd.s32 $0x3, s8;
	v19 =	vadd.s32 v3, v10;
	v13 =	vand.u32 $0x7C, v13;
	v24 =	vadd.f32 v31, v6;
	[tilespmem:v32+s25+$0x0] =	vst.idx.msk $0xffff, v18;
	v18 =	vld [tilespmem:s16+$0xFFFFFFB0];
	s16 =	smov.u32 s18;
	s18 =	sadd.s32 $0x100, s18  }
0x55: {  	v26 =	vmov s12;
	v10 =	vmovc v28;
	v20 =	vadd.s32 v3, v30;
	s8 =	sadd.s32 $0x4, s8;
	v23 =	vld [tilespmem:s18+$0x40];
	v25 =	vadd.f32 v33, v6;
	[tilespmem:v34+s25+$0x0] =	vst.idx.msk $0xffff, v27  }
0x56: {  	s8 =	sadd.s32 $0x1, s6  }
0x57: {  	v26 =	vand.u32 $0x7F, v26;
	s12 =	sadd.s32 $0x2, s6;
	v28 =	vld [tilespmem:s18+$0xFFFFFFC0];
	v27 =	vmov s8  }
0x58: {  	v31 =	vld [tilespmem:s18+$0x0];
	v29 =	vadd.s32 v0, v26;
	v30 =	vmov s12;
	v27 =	vand.u32 $0x7D, v27  }
0x59: {  	v32 =	vld [tilespmem:s18+$0xFFFFFF80];
	v30 =	vand.u32 $0x7E, v30;
	v33 =	vadd.s32 v0, v27  }
0x5a: {  	v34 =	vadd.s32 v0, v30  }
0x5b: {  	[tilespmem:v22+s25+$0x0] =	vst.idx.msk $0xffff, v24;
	v44 =	vadd.s32 v0, v13;
	v23 =	vadd.f32 v23, v9  }
0x5c: {  	[tilespmem:v21+s25+$0x0] =	vst.idx.msk $0xffff, v25;
	v45 =	vadd.f32 v28, v9  }
0x5d: {  	v46 =	vadd.f32 v31, v9;
	[tilespmem:v29+s25+$0x0] =	vst.idx.msk $0xffff, v23  }
0x5e: {  	v47 =	vadd.f32 v32, v9;
	v48 =	vld [tilespmem:s18+$0x50];
	[tilespmem:v33+s25+$0x0] =	vst.idx.msk $0xffff, v45  }
0x5f: {  	v17 =	vadd.f32 v17, v6;
	v12 =	vadd.s32 v3, v12;
	[tilespmem:v34+s25+$0x0] =	vst.idx.msk $0xffff, v46;
	v21 =	vld [tilespmem:s18+$0xFFFFFFD0]  }
0x60: {  	v16 =	vadd.f32 v16, v4;
	v49 =	vadd.s32 v1, v26;
	[tilespmem:v44+s25+$0x0] =	vst.idx.msk $0xffff, v47;
	v50 =	vld [tilespmem:s18+$0x10]  }
0x61: {  	[tilespmem:v14+s25+$0x0] =	vst.idx.msk $0xffff, v17;
	v51 =	vadd.f32 v15, v4;
	v53 =	vadd.s32 v1, v27;
	v52 =	vld [tilespmem:s18+$0xFFFFFF90]  }
0x62: {  	v54 =	vld [tilespmem:s16+$0x60];
	v18 =	vadd.f32 v18, v4;
	[tilespmem:v19+s25+$0x0] =	vst.idx.msk $0xffff, v16;
	v55 =	vadd.s32 v1, v30  }
0x63: {  	v57 =	vadd.s32 v1, v13;
	v60 =	vld [tilespmem:s16+$0x20];
	[tilespmem:v20+s25+$0x0] =	vst.idx.msk $0xffff, v51;
	v58 =	vadd.f32 v48, v6  }
0x64: {  	v59 =	vadd.s32 v2, v7;
	v56 =	vld [tilespmem:s16+$0xFFFFFFE0];
	[tilespmem:v12+s25+$0x0] =	vst.idx.msk $0xffff, v18;
	v61 =	vadd.f32 v21, v6  }
0x65: {  	v62 =	vld [tilespmem:s16+$0xFFFFFFA0];
	v29 =	vadd.s32 v2, v11;
	[tilespmem:v49+s25+$0x0] =	vst.idx.msk $0xffff, v58;
	v28 =	vadd.f32 v50, v6  }
0x66: {  	v63 =	vadd.s32 v2, v10;
	v31 =	vadd.f32 v52, v6;
	v32 =	vld [tilespmem:s18+$0x60];
	[tilespmem:v53+s25+$0x0] =	vst.idx.msk $0xffff, v61  }
0x67: {  	v33 =	vadd.f32 v54, v5;
	v34 =	vadd.s32 v2, v8;
	[tilespmem:v55+s25+$0x0] =	vst.idx.msk $0xffff, v28;
	v35 =	vld [tilespmem:s18+$0xFFFFFFE0]  }
0x68: {  	v37 =	vadd.s32 v2, v26;
	v39 =	vadd.f32 v60, v5;
	[tilespmem:v57+s25+$0x0] =	vst.idx.msk $0xffff, v31;
	v38 =	vld [tilespmem:s18+$0x20]  }
0x69: {  	v41 =	vadd.s32 v2, v27;
	v36 =	vadd.f32 v56, v5;
	[tilespmem:v59+s25+$0x0] =	vst.idx.msk $0xffff, v33;
	v40 =	vld [tilespmem:s18+$0xFFFFFFA0]  }
0x6a: {  	v43 =	vadd.s32 v2, v30;
	v18 =	vadd.f32 v62, v5;
	v42 =	vld [tilespmem:s16+$0x70];
	[tilespmem:v29+s25+$0x0] =	vst.idx.msk $0xffff, v39  }
0x6b: {  	v45 =	vadd.s32 v2, v13;
	[tilespmem:v63+s25+$0x0] =	vst.idx.msk $0xffff, v36;
	v47 =	vld [tilespmem:s16+$0x30];
	v44 =	vadd.f32 v32, v5  }
0x6c: {  	v46 =	vadd.s32 v3, v7;
	[tilespmem:v34+s25+$0x0] =	vst.idx.msk $0xffff, v18;
	v21 =	vld [tilespmem:s16+$0xFFFFFFF0];
	v9 =	vadd.f32 v35, v5  }
0x6d: {  	v18 =	vld [tilespmem:s16+$0xFFFFFFB0];
	v50 =	vadd.s32 v3, v11;
	[tilespmem:v37+s25+$0x0] =	vst.idx.msk $0xffff, v44;
	v49 =	vadd.f32 v38, v5  }
0x6e: {  	v48 =	vadd.s32 v3, v10;
	v5 =	vadd.f32 v40, v5;
	v12 =	vld [tilespmem:s18+$0x70];
	[tilespmem:v41+s25+$0x0] =	vst.idx.msk $0xffff, v9  }
0x6f: {  	v52 =	vadd.s32 v3, v8;
	v51 =	vadd.f32 v42, v4;
	[tilespmem:v43+s25+$0x0] =	vst.idx.msk $0xffff, v49;
	v53 =	vld [tilespmem:s18+$0xFFFFFFF0]  }
0x70: {  	v55 =	vadd.s32 v3, v26;
	v56 =	vadd.f32 v47, v4;
	[tilespmem:v45+s25+$0x0] =	vst.idx.msk $0xffff, v5;
	v5 =	vld [tilespmem:s18+$0x30]  }
0x71: {  	v58 =	vadd.s32 v3, v27;
	[tilespmem:v46+s25+$0x0] =	vst.idx.msk $0xffff, v51;
	v54 =	vadd.f32 v21, v4;
	v57 =	vld [tilespmem:s18+$0xFFFFFFB0]  }
0x72: {  	v60 =	vadd.s32 v3, v30;
	v59 =	vadd.f32 v18, v4;
	[tilespmem:v50+s25+$0x0] =	vst.idx.msk $0xffff, v56  }
0x73: {  	v62 =	vadd.s32 v3, v13;
	[tilespmem:v48+s25+$0x0] =	vst.idx.msk $0xffff, v54;
	v61 =	vadd.f32 v12, v4  }
0x74: {  	[tilespmem:v52+s25+$0x0] =	vst.idx.msk $0xffff, v59;
	v63 =	vadd.f32 v53, v4  }
0x75: {  	[tilespmem:v55+s25+$0x0] =	vst.idx.msk $0xffff, v61;
	v5 =	vadd.f32 v5, v4  }
0x76: {  	v4 =	vadd.f32 v57, v4;
	[tilespmem:v58+s25+$0x0] =	vst.idx.msk $0xffff, v63  }
0x77: {  	[tilespmem:v60+s25+$0x0] =	vst.idx.msk $0xffff, v5  }
0x78: {  	s16 =	simm.s32 $0x200;
	[tilespmem:v62+s25+$0x0] =	vst.idx.msk $0xffff, v4  }
0x79: {  	[tilespmem:s17], [sflag:$0x1] =	stream.indirect.gather [hbm4b:s5+s15], $0x40, s16, s15, $0xb8;
	[tilespmem:$0x19E00] =	vst v63  }
0x7a: {  	s17 =	simm.s32 $0x11600  }
0x7b: {  	[hbm4b:s7+s3] =	stream.linear.scatter [tilespmem:s17], [sflag:$0x5], $0x80, $0x38;
	[tilespmem:$0x19E00] =	vst v63  }
0x7c: {  	s19 =	sadd.s32 $0x10, s7;
	s18 =	simm.s32 $0x11688  }
0x7d: {  	[hbm4b:s19+s3] =	stream.linear.scatter [tilespmem:s18], [sflag:$0x5], $0x80, $0x38;
	[tilespmem:$0x19E00] =	vst v63  }
0x7e: {  	s21 =	simm.s32 $0x11710;
	s23 =	sadd.s32 $0x20, s7;
	s6 =	simm.s32 $0x440  }
0x7f: {  	[hbm4b:s23+s3] =	stream.linear.scatter [tilespmem:s21], [sflag:$0x5], $0x80, $0x38;
	[tilespmem:$0x19E00] =	vst v63  }
0x80: {  	s8 =	simm.s32 $0x11798;
	s12 =	sadd.s32 $0x30, s7;
	s16 =	simm.s32 $0x11820  }
0x81: {  	[hbm4b:s12+s3] =	stream.linear.scatter [tilespmem:s8], [sflag:$0x5], $0x80, $0x38;
	[tilespmem:$0x19E00] =	vst v63  }
0x82: {  	s17 =	sadd.s32 $0x40, s7;
	s18 =	simm.s32 $0x118A8;
	s19 =	sadd.s32 $0x50, s7  }
0x83: {  	[hbm4b:s17+s3] =	stream.linear.scatter [tilespmem:s16], [sflag:$0x5], $0x80, $0x38;
	[tilespmem:$0x19E00] =	vst v63  }
0x84: {  	s21 =	simm.s32 $0x11930;
	s23 =	sadd.s32 $0x60, s7;
	s12 =	simm.s32 $0x2200  }
0x85: {  	[hbm4b:s19+s3] =	stream.linear.scatter [tilespmem:s18], [sflag:$0x5], $0x80, $0x38;
	[tilespmem:$0x19E00] =	vst v63  }
0x86: {  	s8 =	sadd.s32 $0x1000, s7;
	s16 =	simm.s32 $0x119B8;
	s18 =	sadd.s32 $0x70, s7  }
0x87: {  	[hbm4b:s23+s3] =	stream.linear.scatter [tilespmem:s21], [sflag:$0x5], $0x80, $0x38;
	[tilespmem:$0x19E00] =	vst v63  }
.LBB2_4:
0x88: {  	[hbm4b:s18+s3] =	stream.linear.scatter [tilespmem:s16], [sflag:$0x5], $0x80, $0x38;
	[tilespmem:$0x19E00] =	vst v63  }
0x89: {  	s16 =	smov.u32 s6;
	s6 =	smov.u32 s12  }
0x8a: {  	s19 =	sadd.s32 $0x1100, s12;
	s6 =	sshra.s32 s6, $0x2;
	s18 =	sadd.s32 $0x11600, s16  }
0x8b: {  	[hbm4b:s8+s3] =	stream.linear.scatter [tilespmem:s18], [sflag:$0x5], $0x80, $0x38;
	[tilespmem:$0x19E00] =	vst v63  }
0x8c: {  	p0 =	sne.s32 s12, $0x7700;
	s12 =	sadd.s32 $0x11688, s16;
	s18 =	sadd.s32 $0x10, s8  }
0x8d: {  	[hbm4b:s18+s3] =	stream.linear.scatter [tilespmem:s12], [sflag:$0x5], $0x80, $0x38;
	[tilespmem:$0x19E00] =	vst v63  }
0x8e: {  	s12 =	sadd.s32 $0x11710, s16;
	s18 =	sadd.s32 $0x20, s8  }
0x8f: {  	[hbm4b:s18+s3] =	stream.linear.scatter [tilespmem:s12], [sflag:$0x5], $0x80, $0x38;
	[tilespmem:$0x19E00] =	vst v63  }
0x90: {  	s12 =	sadd.s32 $0x11798, s16;
	s18 =	sadd.s32 $0x30, s8  }
0x91: {  	[hbm4b:s18+s3] =	stream.linear.scatter [tilespmem:s12], [sflag:$0x5], $0x80, $0x38;
	[tilespmem:$0x19E00] =	vst v63  }
0x92: {  	s12 =	sadd.s32 $0x11820, s16;
	s18 =	sadd.s32 $0x40, s8  }
0x93: {  	[hbm4b:s18+s3] =	stream.linear.scatter [tilespmem:s12], [sflag:$0x5], $0x80, $0x38;
	[tilespmem:$0x19E00] =	vst v63  }
.Ltmp1:
0x94: {  	s12 =	sadd.s32 $0x118A8, s16;
	s18 =	sadd.s32 $0x50, s8;
	(pc) =	sbr.rel @p0 .LBB2_4-.Ltmp1, $4  }
0x95: {  	[hbm4b:s18+s3] =	stream.linear.scatter [tilespmem:s12], [sflag:$0x5], $0x80, $0x38;
	[tilespmem:$0x19E00] =	vst v63  }
0x96: {  	s12 =	sadd.s32 $0x11930, s16;
	s18 =	sadd.s32 $0x60, s8;
	s16 =	sadd.s32 $0x119B8, s16  }
0x97: {  	[hbm4b:s18+s3] =	stream.linear.scatter [tilespmem:s12], [sflag:$0x5], $0x80, $0x38;
	[tilespmem:$0x19E00] =	vst v63  }
0x98: {  	s18 =	sadd.s32 $0x70, s8;
	s8 =	sadd.s32 $0x1000, s8;
	s12 =	smov.u32 s19  }
0x99: {  	[hbm4b:s18+s3] =	stream.linear.scatter [tilespmem:s16], [sflag:$0x5], $0x80, $0x38;
	[tilespmem:$0x19E00] =	vst v63  }
0x9a: {  	s12 =	sadd.s32 $0x11600, s6  }
0x9b: {  	[hbm4b:s8+s3] =	stream.linear.scatter [tilespmem:s12], [sflag:$0x5], $0x80, $0x38;
	[tilespmem:$0x19E00] =	vst v63  }
0x9c: {  	s18 =	sadd.s32 $0x11688, s6;
	s19 =	sadd.s32 $0x10, s8  }
0x9d: {  	[hbm4b:s19+s3] =	stream.linear.scatter [tilespmem:s18], [sflag:$0x5], $0x80, $0x38;
	[tilespmem:$0x19E00] =	vst v63  }
0x9e: {  	s21 =	sadd.s32 $0x11710, s6;
	s23 =	sadd.s32 $0x20, s8  }
0x9f: {  	[hbm4b:s23+s3] =	stream.linear.scatter [tilespmem:s21], [sflag:$0x5], $0x80, $0x38;
	[tilespmem:$0x19E00] =	vst v63  }
0xa0: {  	s16 =	sadd.s32 $0x11798, s6;
	s17 =	sadd.s32 $0x30, s8  }
0xa1: {  	[hbm4b:s17+s3] =	stream.linear.scatter [tilespmem:s16], [sflag:$0x5], $0x80, $0x38;
	[tilespmem:$0x19E00] =	vst v63  }
0xa2: {  	s18 =	sadd.s32 $0x11820, s6;
	s19 =	sadd.s32 $0x40, s8  }
0xa3: {  	[hbm4b:s19+s3] =	stream.linear.scatter [tilespmem:s18], [sflag:$0x5], $0x80, $0x38;
	[tilespmem:$0x19E00] =	vst v63  }
0xa4: {  	s21 =	sadd.s32 $0x118A8, s6;
	s23 =	sadd.s32 $0x50, s8  }
0xa5: {  	[hbm4b:s23+s3] =	stream.linear.scatter [tilespmem:s21], [sflag:$0x5], $0x80, $0x38;
	[tilespmem:$0x19E00] =	vst v63  }
0xa6: {  	s16 =	sadd.s32 $0x11930, s6;
	s17 =	sadd.s32 $0x60, s8  }
0xa7: {  	[hbm4b:s17+s3] =	stream.linear.scatter [tilespmem:s16], [sflag:$0x5], $0x80, $0x38;
	[tilespmem:$0x19E00] =	vst v63  }
0xa8: {  	s18 =	sadd.s32 $0x119B8, s6;
	s19 =	sadd.s32 $0x70, s8  }
0xa9: {  	[hbm4b:s19+s3] =	stream.linear.scatter [tilespmem:s18], [sflag:$0x5], $0x80, $0x38;
	[tilespmem:$0x19E00] =	vst v63  }
0xaa: {  	_ =	swait.ge [sflag:s28], $0x2000  }
0xab: {  	[sflag:s28] =	ssyncset.done $0x0  }
0xac: {  	[sflag:s28] =	ssyncadd.s32 $0xFFFFE000  }
0xad: {  	s8 =	simm.s32 $0xB680;
	s21 =	simm.s32 $0x3;
	v9 =	vld [tilespmem:$0x6440]  }
0xae: {  	v4 =	vmov s21;
	v7 =	vld [tilespmem:s8+$0x40]  }
0xaf: {  	v13 =	vand.u32 $0x7F, v4  }
0xb0: {  	s23 =	simm.s32 $0x0;
	v8 =	vadd.s32 v0, v13;
	v6 =	vld [tilespmem:$0x6450]  }
0xb1: {  	s12 =	simm.s32 $0x1;
	v4 =	vmov s23;
	s16 =	simm.s32 $0x2;
	v10 =	vld [tilespmem:s8+$0xFFFFFF80]  }
0xb2: {  	v12 =	vand.u32 $0x7C, v4;
	v4 =	vmov s12;
	v14 =	vmov s16;
	v11 =	vld [tilespmem:s8+$0xFFFFFFC0]  }
0xb3: {  	v15 =	vadd.s32 v0, v12;
	v19 =	vand.u32 $0x7D, v4;
	v16 =	vld [tilespmem:s8+$0x0];
	v7 =	vadd.f32 v7, v9  }
0xb4: {  	v20 =	vand.u32 $0x7E, v14;
	v17 =	vadd.s32 v0, v19;
	v5 =	vld [tilespmem:$0x6460]  }
0xb5: {  	v14 =	vadd.s32 v0, v20;
	v4 =	vld [tilespmem:$0x6470];
	[tilespmem:v8+s29+$0x0] =	vst.idx.msk $0xffff, v7  }
0xb6: {  	v7 =	vadd.f32 v10, v9;
	v8 =	vld [tilespmem:s8+$0x50]  }
0xb7: {  	v10 =	vadd.f32 v11, v9  }
0xb8: {  	v11 =	vadd.s32 v1, v13;
	[tilespmem:v15+s29+$0x0] =	vst.idx.msk $0xffff, v7;
	v7 =	vadd.f32 v16, v9  }
0xb9: {  	[tilespmem:v17+s29+$0x0] =	vst.idx.msk $0xffff, v10;
	v15 =	vld [tilespmem:s8+$0xFFFFFF90]  }
0xba: {  	v10 =	vld [tilespmem:s8+$0xFFFFFFD0];
	[tilespmem:v14+s29+$0x0] =	vst.idx.msk $0xffff, v7  }
0xbb: {  	v14 =	vld [tilespmem:s8+$0x10];
	v7 =	vadd.f32 v8, v6  }
0xbc: {  	s16 =	simm.s32 $0xB780;
	s18 =	simm.s32 $0x7;
	v16 =	vadd.s32 v1, v19  }
0xbd: {  	s17 =	simm.s32 $0x4;
	v26 =	vadd.s32 v2, v13;
	v18 =	vld [tilespmem:s16+$0x40];
	v17 =	vadd.s32 v1, v20;
	[tilespmem:v11+s29+$0x0] =	vst.idx.msk $0xffff, v7;
	v7 =	vmov s18  }
0xbe: {  	v21 =	vadd.s32 v1, v12;
	v8 =	vmov s17;
	v7 =	vand.u32 $0x7F, v7;
	v22 =	vld [tilespmem:s8+$0x60]  }
0xbf: {  	s19 =	simm.s32 $0x5;
	v23 =	vld [tilespmem:s16+$0xFFFFFF80];
	v8 =	vand.u32 $0x7C, v8;
	v10 =	vadd.f32 v10, v6;
	v24 =	vadd.s32 v0, v7  }
0xc0: {  	s21 =	simm.s32 $0x6;
	v25 =	vld [tilespmem:s16+$0xFFFFFFC0];
	v15 =	vadd.f32 v15, v6;
	v11 =	vadd.f32 v14, v6;
	v14 =	vmov s19  }
0xc1: {  	v27 =	vadd.s32 v0, v8;
	[tilespmem:v16+s29+$0x0] =	vst.idx.msk $0xffff, v10;
	v16 =	vmov s21;
	v10 =	vand.u32 $0x7D, v14;
	v14 =	vld [tilespmem:s16+$0x0]  }
0xc2: {  	[tilespmem:v17+s29+$0x0] =	vst.idx.msk $0xffff, v11;
	v17 =	vadd.s32 v0, v10;
	v11 =	vand.u32 $0x7E, v16;
	v16 =	vadd.f32 v18, v9;
	v18 =	vld [tilespmem:s8+$0xFFFFFFE0]  }
0xc3: {  	[tilespmem:v21+s29+$0x0] =	vst.idx.msk $0xffff, v15;
	v15 =	vadd.s32 v0, v11;
	v21 =	vld [tilespmem:s8+$0x20];
	v22 =	vadd.f32 v22, v5  }
0xc4: {  	v23 =	vadd.f32 v23, v9;
	[tilespmem:v24+s29+$0x0] =	vst.idx.msk $0xffff, v16;
	v16 =	vld [tilespmem:s8+$0xFFFFFFA0];
	v24 =	vadd.s32 v2, v19  }
0xc5: {  	v29 =	vadd.s32 v2, v20;
	v25 =	vadd.f32 v25, v9;
	v28 =	vld [tilespmem:s16+$0x50];
	[tilespmem:v26+s29+$0x0] =	vst.idx.msk $0xffff, v22  }
0xc6: {  	[tilespmem:v27+s29+$0x0] =	vst.idx.msk $0xffff, v23;
	v23 =	vadd.s32 v2, v12;
	v14 =	vadd.f32 v14, v9;
	v26 =	vld [tilespmem:s8+$0x70]  }
0xc7: {  	v27 =	vld [tilespmem:s16+$0xFFFFFF90];
	[tilespmem:v17+s29+$0x0] =	vst.idx.msk $0xffff, v25;
	v25 =	vadd.s32 v1, v7;
	v18 =	vadd.f32 v18, v5  }
0xc8: {  	v31 =	vadd.s32 v3, v13;
	v30 =	vld [tilespmem:s16+$0xFFFFFFD0];
	[tilespmem:v15+s29+$0x0] =	vst.idx.msk $0xffff, v14;
	v14 =	vadd.f32 v21, v5  }
0xc9: {  	v22 =	vadd.s32 v1, v8;
	v17 =	vld [tilespmem:s16+$0x10];
	v13 =	vadd.f32 v16, v5;
	[tilespmem:v24+s29+$0x0] =	vst.idx.msk $0xffff, v18  }
0xca: {  	s6 =	simm.s32 $0x8;
	v21 =	vadd.s32 v1, v10;
	[tilespmem:v29+s29+$0x0] =	vst.idx.msk $0xffff, v14;
	v18 =	vadd.f32 v28, v6;
	v16 =	vld [tilespmem:s8+$0xFFFFFFF0]  }
0xcb: {  	v24 =	vmov s6;
	v14 =	vadd.s32 v1, v11;
	v15 =	vld [tilespmem:s8+$0x30];
	[tilespmem:v23+s29+$0x0] =	vst.idx.msk $0xffff, v13;
	v63 =	vadd.f32 v26, v4  }
0xcc: {  	s23 =	simm.s32 $0xB;
	s18 =	simm.s32 $0xB880;
	v19 =	vadd.s32 v3, v19;
	v13 =	vand.u32 $0x7C, v24;
	v24 =	vadd.f32 v27, v6;
	[tilespmem:v25+s29+$0x0] =	vst.idx.msk $0xffff, v18;
	v18 =	vld [tilespmem:s8+$0xFFFFFFB0]  }
0xcd: {  	v20 =	vadd.s32 v3, v20;
	v26 =	vmov s23;
	v23 =	vld [tilespmem:s18+$0x40];
	s8 =	simm.s32 $0xC;
	v25 =	vadd.f32 v30, v6;
	[tilespmem:v31+s29+$0x0] =	vst.idx.msk $0xffff, v63  }
.LBB2_6:
0xce: {  	p0 =	slt.u32 s8, $0x7C;
	s12 =	sadd.s32 $0x1, s6;
	v26 =	vand.u32 $0x7F, v26;
	[tilespmem:v22+s29+$0x0] =	vst.idx.msk $0xffff, v24;
	v17 =	vadd.f32 v17, v6;
	v22 =	vld [tilespmem:s16+$0x60];
	v24 =	vadd.s32 v3, v12  }
0xcf: {  	v30 =	vmovc v11;
	v27 =	vld [tilespmem:s18+$0xFFFFFF80];
	v28 =	vmov s12;
	s12 =	sadd.s32 $0x2, s6;
	v29 =	vadd.s32 v0, v26;
	[tilespmem:v21+s29+$0x0] =	vst.idx.msk $0xffff, v25;
	v16 =	vadd.f32 v16, v4;
	s6 =	smov.u32 s8  }
0xd0: {  	v12 =	vmovc v8;
	v21 =	vld [tilespmem:s18+$0xFFFFFFC0];
	v11 =	vmov s12;
	[tilespmem:v14+s29+$0x0] =	vst.idx.msk $0xffff, v17;
	v14 =	vadd.s32 v2, v7;
	v15 =	vadd.f32 v15, v4  }
0xd1: {  	v17 =	vadd.s32 v0, v13;
	v28 =	vand.u32 $0x7D, v28;
	v25 =	vld [tilespmem:s18+$0x0];
	v31 =	vadd.f32 v18, v4;
	[tilespmem:v19+s29+$0x0] =	vst.idx.msk $0xffff, v16  }
0xd2: {  	v16 =	vadd.s32 v0, v28;
	v11 =	vand.u32 $0x7E, v11;
	v18 =	vadd.f32 v23, v9;
	v19 =	vld [tilespmem:s16+$0xFFFFFFE0];
	[tilespmem:v20+s29+$0x0] =	vst.idx.msk $0xffff, v15  }
0xd3: {  	v8 =	vmov v13;
	v15 =	vadd.s32 v0, v11;
	v20 =	vld [tilespmem:s16+$0x20];
	v22 =	vadd.f32 v22, v5;
	[tilespmem:v24+s29+$0x0] =	vst.idx.msk $0xffff, v31  }
0xd4: {  	v23 =	vadd.s32 v2, v10;
	v13 =	vadd.f32 v27, v9;
	[tilespmem:v29+s29+$0x0] =	vst.idx.msk $0xffff, v18;
	v18 =	vld [tilespmem:s16+$0xFFFFFFA0]  }
0xd5: {  	v27 =	vadd.s32 v2, v30;
	v21 =	vadd.f32 v21, v9;
	v24 =	vld [tilespmem:s18+$0x50];
	[tilespmem:v14+s29+$0x0] =	vst.idx.msk $0xffff, v22  }
0xd6: {  	[tilespmem:v17+s29+$0x0] =	vst.idx.msk $0xffff, v13;
	v13 =	vadd.f32 v25, v9;
	v25 =	vadd.s32 v2, v12;
	v29 =	vld [tilespmem:s16+$0x70]  }
0xd7: {  	v32 =	vadd.s32 v1, v26;
	v31 =	vld [tilespmem:s18+$0xFFFFFF90];
	[tilespmem:v16+s29+$0x0] =	vst.idx.msk $0xffff, v21;
	v14 =	vadd.f32 v19, v5  }
0xd8: {  	v34 =	vadd.s32 v3, v7;
	v7 =	vmov v26;
	v33 =	vld [tilespmem:s18+$0xFFFFFFD0];
	[tilespmem:v15+s29+$0x0] =	vst.idx.msk $0xffff, v13;
	v13 =	vadd.f32 v20, v5  }
.Ltmp2:
0xd9: {  	v22 =	vadd.s32 v1, v8;
	v17 =	vld [tilespmem:s18+$0x10];
	v15 =	vadd.f32 v18, v5;
	[tilespmem:v23+s29+$0x0] =	vst.idx.msk $0xffff, v14;
	(pc) =	sbr.rel @p0 .LBB2_6-.Ltmp2, $4  }
0xda: {  	v21 =	vadd.s32 v1, v28;
	v18 =	vadd.f32 v24, v6;
	v16 =	vld [tilespmem:s16+$0xFFFFFFF0];
	[tilespmem:v27+s29+$0x0] =	vst.idx.msk $0xffff, v13  }
0xdb: {  	v14 =	vadd.s32 v1, v11;
	v13 =	vmov s8;
	[tilespmem:v25+s29+$0x0] =	vst.idx.msk $0xffff, v15;
	v15 =	vld [tilespmem:s16+$0x30];
	v27 =	vadd.f32 v29, v4  }
0xdc: {  	s12 =	sadd.s32 $0x3, s8;
	v19 =	vadd.s32 v3, v10;
	v13 =	vand.u32 $0x7C, v13;
	v24 =	vadd.f32 v31, v6;
	[tilespmem:v32+s29+$0x0] =	vst.idx.msk $0xffff, v18;
	v18 =	vld [tilespmem:s16+$0xFFFFFFB0];
	s16 =	smov.u32 s18;
	s18 =	sadd.s32 $0x100, s18  }
0xdd: {  	v26 =	vmov s12;
	v10 =	vmovc v28;
	v20 =	vadd.s32 v3, v30;
	s8 =	sadd.s32 $0x4, s8;
	v23 =	vld [tilespmem:s18+$0x40];
	v25 =	vadd.f32 v33, v6;
	[tilespmem:v34+s29+$0x0] =	vst.idx.msk $0xffff, v27  }
0xde: {  	s8 =	sadd.s32 $0x1, s6  }
0xdf: {  	v26 =	vand.u32 $0x7F, v26;
	v28 =	vld [tilespmem:s18+$0xFFFFFFC0];
	v27 =	vmov s8;
	s8 =	sadd.s32 $0x2, s6  }
0xe0: {  	v31 =	vld [tilespmem:s18+$0x0];
	v29 =	vadd.s32 v0, v26;
	v30 =	vmov s8;
	v27 =	vand.u32 $0x7D, v27  }
0xe1: {  	v32 =	vld [tilespmem:s18+$0xFFFFFF80];
	v33 =	vadd.s32 v0, v27;
	v30 =	vand.u32 $0x7E, v30  }
0xe2: {  	v34 =	vadd.s32 v0, v30  }
0xe3: {  	[tilespmem:v22+s29+$0x0] =	vst.idx.msk $0xffff, v24;
	v44 =	vadd.s32 v0, v13;
	v23 =	vadd.f32 v23, v9  }
0xe4: {  	[tilespmem:v21+s29+$0x0] =	vst.idx.msk $0xffff, v25;
	v45 =	vadd.f32 v28, v9  }
0xe5: {  	v46 =	vadd.f32 v31, v9;
	[tilespmem:v29+s29+$0x0] =	vst.idx.msk $0xffff, v23  }
0xe6: {  	v47 =	vadd.f32 v32, v9;
	v48 =	vld [tilespmem:s18+$0x50];
	[tilespmem:v33+s29+$0x0] =	vst.idx.msk $0xffff, v45  }
0xe7: {  	v17 =	vadd.f32 v17, v6;
	v12 =	vadd.s32 v3, v12;
	v21 =	vld [tilespmem:s18+$0xFFFFFFD0];
	[tilespmem:v34+s29+$0x0] =	vst.idx.msk $0xffff, v46  }
0xe8: {  	v16 =	vadd.f32 v16, v4;
	v49 =	vadd.s32 v1, v26;
	[tilespmem:v44+s29+$0x0] =	vst.idx.msk $0xffff, v47;
	v50 =	vld [tilespmem:s18+$0x10]  }
0xe9: {  	[tilespmem:v14+s29+$0x0] =	vst.idx.msk $0xffff, v17;
	v51 =	vadd.f32 v15, v4;
	v53 =	vadd.s32 v1, v27;
	v52 =	vld [tilespmem:s18+$0xFFFFFF90]  }
0xea: {  	v54 =	vld [tilespmem:s16+$0x60];
	v18 =	vadd.f32 v18, v4;
	[tilespmem:v19+s29+$0x0] =	vst.idx.msk $0xffff, v16;
	v55 =	vadd.s32 v1, v30  }
0xeb: {  	v57 =	vadd.s32 v1, v13;
	v60 =	vld [tilespmem:s16+$0x20];
	[tilespmem:v20+s29+$0x0] =	vst.idx.msk $0xffff, v51;
	v58 =	vadd.f32 v48, v6  }
0xec: {  	v59 =	vadd.s32 v2, v7;
	v56 =	vld [tilespmem:s16+$0xFFFFFFE0];
	[tilespmem:v12+s29+$0x0] =	vst.idx.msk $0xffff, v18;
	v61 =	vadd.f32 v21, v6  }
0xed: {  	v62 =	vld [tilespmem:s16+$0xFFFFFFA0];
	v29 =	vadd.s32 v2, v11;
	[tilespmem:v49+s29+$0x0] =	vst.idx.msk $0xffff, v58;
	v28 =	vadd.f32 v50, v6  }
0xee: {  	v63 =	vadd.s32 v2, v10;
	v31 =	vadd.f32 v52, v6;
	v32 =	vld [tilespmem:s18+$0x60];
	[tilespmem:v53+s29+$0x0] =	vst.idx.msk $0xffff, v61  }
0xef: {  	v33 =	vadd.f32 v54, v5;
	v34 =	vadd.s32 v2, v8;
	[tilespmem:v55+s29+$0x0] =	vst.idx.msk $0xffff, v28;
	v35 =	vld [tilespmem:s18+$0xFFFFFFE0]  }
0xf0: {  	v37 =	vadd.s32 v2, v26;
	v39 =	vadd.f32 v60, v5;
	[tilespmem:v57+s29+$0x0] =	vst.idx.msk $0xffff, v31;
	v38 =	vld [tilespmem:s18+$0x20]  }
0xf1: {  	v41 =	vadd.s32 v2, v27;
	v36 =	vadd.f32 v56, v5;
	[tilespmem:v59+s29+$0x0] =	vst.idx.msk $0xffff, v33;
	v40 =	vld [tilespmem:s18+$0xFFFFFFA0]  }
0xf2: {  	v43 =	vadd.s32 v2, v30;
	v18 =	vadd.f32 v62, v5;
	v42 =	vld [tilespmem:s16+$0x70];
	[tilespmem:v29+s29+$0x0] =	vst.idx.msk $0xffff, v39  }
0xf3: {  	v45 =	vadd.s32 v2, v13;
	[tilespmem:v63+s29+$0x0] =	vst.idx.msk $0xffff, v36;
	v47 =	vld [tilespmem:s16+$0x30];
	v44 =	vadd.f32 v32, v5  }
0xf4: {  	v46 =	vadd.s32 v3, v7;
	v21 =	vld [tilespmem:s16+$0xFFFFFFF0];
	[tilespmem:v34+s29+$0x0] =	vst.idx.msk $0xffff, v18;
	v9 =	vadd.f32 v35, v5  }
0xf5: {  	v18 =	vld [tilespmem:s16+$0xFFFFFFB0];
	v50 =	vadd.s32 v3, v11;
	[tilespmem:v37+s29+$0x0] =	vst.idx.msk $0xffff, v44;
	v49 =	vadd.f32 v38, v5  }
0xf6: {  	v48 =	vadd.s32 v3, v10;
	v12 =	vld [tilespmem:s18+$0x70];
	v5 =	vadd.f32 v40, v5;
	[tilespmem:v41+s29+$0x0] =	vst.idx.msk $0xffff, v9  }
0xf7: {  	v52 =	vadd.s32 v3, v8;
	v51 =	vadd.f32 v42, v4;
	v53 =	vld [tilespmem:s18+$0xFFFFFFF0];
	[tilespmem:v43+s29+$0x0] =	vst.idx.msk $0xffff, v49  }
0xf8: {  	v55 =	vadd.s32 v3, v26;
	v56 =	vadd.f32 v47, v4;
	[tilespmem:v45+s29+$0x0] =	vst.idx.msk $0xffff, v5;
	v5 =	vld [tilespmem:s18+$0x30]  }
0xf9: {  	v58 =	vadd.s32 v3, v27;
	[tilespmem:v46+s29+$0x0] =	vst.idx.msk $0xffff, v51;
	v54 =	vadd.f32 v21, v4;
	v57 =	vld [tilespmem:s18+$0xFFFFFFB0]  }
0xfa: {  	v60 =	vadd.s32 v3, v30;
	v59 =	vadd.f32 v18, v4;
	[tilespmem:v50+s29+$0x0] =	vst.idx.msk $0xffff, v56  }
0xfb: {  	v62 =	vadd.s32 v3, v13;
	[tilespmem:v48+s29+$0x0] =	vst.idx.msk $0xffff, v54;
	v61 =	vadd.f32 v12, v4  }
0xfc: {  	[tilespmem:v52+s29+$0x0] =	vst.idx.msk $0xffff, v59;
	v63 =	vadd.f32 v53, v4  }
0xfd: {  	[tilespmem:v55+s29+$0x0] =	vst.idx.msk $0xffff, v61;
	v5 =	vadd.f32 v5, v4  }
0xfe: {  	v4 =	vadd.f32 v57, v4;
	[tilespmem:v58+s29+$0x0] =	vst.idx.msk $0xffff, v63  }
0xff: {  	[tilespmem:v60+s29+$0x0] =	vst.idx.msk $0xffff, v5  }
0x100: {  	s12 =	simm.s32 $0xB600;
	s16 =	simm.s32 $0x280;
	[tilespmem:v62+s29+$0x0] =	vst.idx.msk $0xffff, v4  }
0x101: {  	[tilespmem:s12], [sflag:$0x2] =	stream.indirect.gather [hbm4b:s5+s15], $0x40, s16, s15, $0xb8;
	[tilespmem:$0x19E00] =	vst v63  }
0x102: {  	s17 =	simm.s32 $0x13800  }
0x103: {  	[hbm4b:s9+s3] =	stream.linear.scatter [tilespmem:s17], [sflag:$0x6], $0x80, $0x38;
	[tilespmem:$0x19E00] =	vst v63  }
0x104: {  	s19 =	sadd.s32 $0x10, s9;
	s18 =	simm.s32 $0x13888  }
0x105: {  	[hbm4b:s19+s3] =	stream.linear.scatter [tilespmem:s18], [sflag:$0x6], $0x80, $0x38;
	[tilespmem:$0x19E00] =	vst v63  }
0x106: {  	s21 =	simm.s32 $0x13910;
	s23 =	sadd.s32 $0x20, s9;
	s6 =	simm.s32 $0x440  }
0x107: {  	[hbm4b:s23+s3] =	stream.linear.scatter [tilespmem:s21], [sflag:$0x6], $0x80, $0x38;
	[tilespmem:$0x19E00] =	vst v63  }
0x108: {  	s8 =	simm.s32 $0x13998;
	s12 =	sadd.s32 $0x30, s9;
	s16 =	simm.s32 $0x13A20  }
0x109: {  	[hbm4b:s12+s3] =	stream.linear.scatter [tilespmem:s8], [sflag:$0x6], $0x80, $0x38;
	[tilespmem:$0x19E00] =	vst v63  }
0x10a: {  	s17 =	sadd.s32 $0x40, s9;
	s18 =	simm.s32 $0x13AA8;
	s19 =	sadd.s32 $0x50, s9  }
0x10b: {  	[hbm4b:s17+s3] =	stream.linear.scatter [tilespmem:s16], [sflag:$0x6], $0x80, $0x38;
	[tilespmem:$0x19E00] =	vst v63  }
0x10c: {  	s21 =	simm.s32 $0x13B30;
	s23 =	sadd.s32 $0x60, s9;
	s12 =	simm.s32 $0x2200  }
0x10d: {  	[hbm4b:s19+s3] =	stream.linear.scatter [tilespmem:s18], [sflag:$0x6], $0x80, $0x38;
	[tilespmem:$0x19E00] =	vst v63  }
0x10e: {  	s8 =	sadd.s32 $0x1000, s9;
	s16 =	simm.s32 $0x13BB8;
	s18 =	sadd.s32 $0x70, s9  }
0x10f: {  	[hbm4b:s23+s3] =	stream.linear.scatter [tilespmem:s21], [sflag:$0x6], $0x80, $0x38;
	[tilespmem:$0x19E00] =	vst v63  }
.LBB2_8:
0x110: {  	[hbm4b:s18+s3] =	stream.linear.scatter [tilespmem:s16], [sflag:$0x6], $0x80, $0x38;
	[tilespmem:$0x19E00] =	vst v63  }
0x111: {  	s16 =	smov.u32 s6;
	s6 =	smov.u32 s12  }
0x112: {  	s19 =	sadd.s32 $0x1100, s12;
	s6 =	sshra.s32 s6, $0x2;
	s18 =	sadd.s32 $0x13800, s16  }
0x113: {  	[hbm4b:s8+s3] =	stream.linear.scatter [tilespmem:s18], [sflag:$0x6], $0x80, $0x38;
	[tilespmem:$0x19E00] =	vst v63  }
0x114: {  	p0 =	sne.s32 s12, $0x7700;
	s12 =	sadd.s32 $0x13888, s16;
	s18 =	sadd.s32 $0x10, s8  }
0x115: {  	[hbm4b:s18+s3] =	stream.linear.scatter [tilespmem:s12], [sflag:$0x6], $0x80, $0x38;
	[tilespmem:$0x19E00] =	vst v63  }
0x116: {  	s12 =	sadd.s32 $0x13910, s16;
	s18 =	sadd.s32 $0x20, s8  }
0x117: {  	[hbm4b:s18+s3] =	stream.linear.scatter [tilespmem:s12], [sflag:$0x6], $0x80, $0x38;
	[tilespmem:$0x19E00] =	vst v63  }
0x118: {  	s12 =	sadd.s32 $0x13998, s16;
	s18 =	sadd.s32 $0x30, s8  }
0x119: {  	[hbm4b:s18+s3] =	stream.linear.scatter [tilespmem:s12], [sflag:$0x6], $0x80, $0x38;
	[tilespmem:$0x19E00] =	vst v63  }
0x11a: {  	s12 =	sadd.s32 $0x13A20, s16;
	s18 =	sadd.s32 $0x40, s8  }
0x11b: {  	[hbm4b:s18+s3] =	stream.linear.scatter [tilespmem:s12], [sflag:$0x6], $0x80, $0x38;
	[tilespmem:$0x19E00] =	vst v63  }
.Ltmp3:
0x11c: {  	s12 =	sadd.s32 $0x13AA8, s16;
	s18 =	sadd.s32 $0x50, s8;
	(pc) =	sbr.rel @p0 .LBB2_8-.Ltmp3, $4  }
0x11d: {  	[hbm4b:s18+s3] =	stream.linear.scatter [tilespmem:s12], [sflag:$0x6], $0x80, $0x38;
	[tilespmem:$0x19E00] =	vst v63  }
0x11e: {  	s12 =	sadd.s32 $0x13B30, s16;
	s18 =	sadd.s32 $0x60, s8;
	s16 =	sadd.s32 $0x13BB8, s16  }
0x11f: {  	[hbm4b:s18+s3] =	stream.linear.scatter [tilespmem:s12], [sflag:$0x6], $0x80, $0x38;
	[tilespmem:$0x19E00] =	vst v63  }
0x120: {  	s18 =	sadd.s32 $0x70, s8;
	s8 =	sadd.s32 $0x1000, s8;
	s12 =	smov.u32 s19  }
0x121: {  	[hbm4b:s18+s3] =	stream.linear.scatter [tilespmem:s16], [sflag:$0x6], $0x80, $0x38;
	[tilespmem:$0x19E00] =	vst v63  }
0x122: {  	s12 =	sadd.s32 $0x13800, s6  }
0x123: {  	[hbm4b:s8+s3] =	stream.linear.scatter [tilespmem:s12], [sflag:$0x6], $0x80, $0x38;
	[tilespmem:$0x19E00] =	vst v63  }
0x124: {  	s18 =	sadd.s32 $0x13888, s6;
	s19 =	sadd.s32 $0x10, s8  }
0x125: {  	[hbm4b:s19+s3] =	stream.linear.scatter [tilespmem:s18], [sflag:$0x6], $0x80, $0x38;
	[tilespmem:$0x19E00] =	vst v63  }
0x126: {  	s21 =	sadd.s32 $0x13910, s6;
	s23 =	sadd.s32 $0x20, s8  }
0x127: {  	[hbm4b:s23+s3] =	stream.linear.scatter [tilespmem:s21], [sflag:$0x6], $0x80, $0x38;
	[tilespmem:$0x19E00] =	vst v63  }
0x128: {  	s16 =	sadd.s32 $0x13998, s6;
	s17 =	sadd.s32 $0x30, s8  }
0x129: {  	[hbm4b:s17+s3] =	stream.linear.scatter [tilespmem:s16], [sflag:$0x6], $0x80, $0x38;
	[tilespmem:$0x19E00] =	vst v63  }
0x12a: {  	s18 =	sadd.s32 $0x13A20, s6;
	s19 =	sadd.s32 $0x40, s8  }
0x12b: {  	[hbm4b:s19+s3] =	stream.linear.scatter [tilespmem:s18], [sflag:$0x6], $0x80, $0x38;
	[tilespmem:$0x19E00] =	vst v63  }
0x12c: {  	s21 =	sadd.s32 $0x13AA8, s6;
	s23 =	sadd.s32 $0x50, s8  }
0x12d: {  	[hbm4b:s23+s3] =	stream.linear.scatter [tilespmem:s21], [sflag:$0x6], $0x80, $0x38;
	[tilespmem:$0x19E00] =	vst v63  }
0x12e: {  	s16 =	sadd.s32 $0x13B30, s6;
	s17 =	sadd.s32 $0x60, s8  }
0x12f: {  	[hbm4b:s17+s3] =	stream.linear.scatter [tilespmem:s16], [sflag:$0x6], $0x80, $0x38;
	[tilespmem:$0x19E00] =	vst v63  }
0x130: {  	s18 =	sadd.s32 $0x13BB8, s6;
	s19 =	sadd.s32 $0x70, s8  }
0x131: {  	[hbm4b:s19+s3] =	stream.linear.scatter [tilespmem:s18], [sflag:$0x6], $0x80, $0x38;
	[tilespmem:$0x19E00] =	vst v63  }
0x132: {  	_ =	swait.ge [sflag:s31], $0x2000  }
0x133: {  	[sflag:s31] =	ssyncset.done $0x0  }
0x134: {  	[sflag:s31] =	ssyncadd.s32 $0xFFFFE000  }
0x135: {  	s8 =	simm.s32 $0xD680;
	s21 =	simm.s32 $0x3;
	v9 =	vld [tilespmem:$0x6480]  }
0x136: {  	v4 =	vmov s21;
	v7 =	vld [tilespmem:s8+$0x40]  }
0x137: {  	v13 =	vand.u32 $0x7F, v4  }
0x138: {  	s23 =	simm.s32 $0x0;
	v8 =	vadd.s32 v0, v13;
	v6 =	vld [tilespmem:$0x6490]  }
0x139: {  	s12 =	simm.s32 $0x1;
	v4 =	vmov s23;
	s16 =	simm.s32 $0x2;
	v10 =	vld [tilespmem:s8+$0xFFFFFF80]  }
0x13a: {  	v12 =	vand.u32 $0x7C, v4;
	v4 =	vmov s12;
	v14 =	vmov s16;
	v11 =	vld [tilespmem:s8+$0xFFFFFFC0]  }
0x13b: {  	v15 =	vadd.s32 v0, v12;
	v19 =	vand.u32 $0x7D, v4;
	v16 =	vld [tilespmem:s8+$0x0];
	v7 =	vadd.f32 v7, v9  }
0x13c: {  	v20 =	vand.u32 $0x7E, v14;
	v17 =	vadd.s32 v0, v19;
	v5 =	vld [tilespmem:$0x64A0]  }
0x13d: {  	v14 =	vadd.s32 v0, v20;
	v4 =	vld [tilespmem:$0x64B0];
	[tilespmem:v8+s0+$0x0] =	vst.idx.msk $0xffff, v7  }
0x13e: {  	v7 =	vadd.f32 v10, v9;
	v8 =	vld [tilespmem:s8+$0x50]  }
0x13f: {  	v10 =	vadd.f32 v11, v9  }
0x140: {  	v11 =	vadd.s32 v1, v13;
	[tilespmem:v15+s0+$0x0] =	vst.idx.msk $0xffff, v7;
	v7 =	vadd.f32 v16, v9  }
0x141: {  	[tilespmem:v17+s0+$0x0] =	vst.idx.msk $0xffff, v10;
	v15 =	vld [tilespmem:s8+$0xFFFFFF90]  }
0x142: {  	v10 =	vld [tilespmem:s8+$0xFFFFFFD0];
	[tilespmem:v14+s0+$0x0] =	vst.idx.msk $0xffff, v7  }
0x143: {  	v14 =	vld [tilespmem:s8+$0x10];
	v7 =	vadd.f32 v8, v6  }
0x144: {  	s16 =	simm.s32 $0xD780;
	s18 =	simm.s32 $0x7;
	v16 =	vadd.s32 v1, v19  }
0x145: {  	s17 =	simm.s32 $0x4;
	v26 =	vadd.s32 v2, v13;
	v18 =	vld [tilespmem:s16+$0x40];
	v17 =	vadd.s32 v1, v20;
	[tilespmem:v11+s0+$0x0] =	vst.idx.msk $0xffff, v7;
	v7 =	vmov s18  }
0x146: {  	v21 =	vadd.s32 v1, v12;
	v8 =	vmov s17;
	v7 =	vand.u32 $0x7F, v7;
	v22 =	vld [tilespmem:s8+$0x60]  }
0x147: {  	s19 =	simm.s32 $0x5;
	v23 =	vld [tilespmem:s16+$0xFFFFFF80];
	v8 =	vand.u32 $0x7C, v8;
	v10 =	vadd.f32 v10, v6;
	v24 =	vadd.s32 v0, v7  }
0x148: {  	s21 =	simm.s32 $0x6;
	v25 =	vld [tilespmem:s16+$0xFFFFFFC0];
	v15 =	vadd.f32 v15, v6;
	v11 =	vadd.f32 v14, v6;
	v14 =	vmov s19  }
0x149: {  	v27 =	vadd.s32 v0, v8;
	[tilespmem:v16+s0+$0x0] =	vst.idx.msk $0xffff, v10;
	v16 =	vmov s21;
	v10 =	vand.u32 $0x7D, v14;
	v14 =	vld [tilespmem:s16+$0x0]  }
0x14a: {  	[tilespmem:v17+s0+$0x0] =	vst.idx.msk $0xffff, v11;
	v17 =	vadd.s32 v0, v10;
	v11 =	vand.u32 $0x7E, v16;
	v16 =	vadd.f32 v18, v9;
	v18 =	vld [tilespmem:s8+$0xFFFFFFE0]  }
0x14b: {  	[tilespmem:v21+s0+$0x0] =	vst.idx.msk $0xffff, v15;
	v15 =	vadd.s32 v0, v11;
	v21 =	vld [tilespmem:s8+$0x20];
	v22 =	vadd.f32 v22, v5  }
0x14c: {  	v23 =	vadd.f32 v23, v9;
	[tilespmem:v24+s0+$0x0] =	vst.idx.msk $0xffff, v16;
	v16 =	vld [tilespmem:s8+$0xFFFFFFA0];
	v24 =	vadd.s32 v2, v19  }
0x14d: {  	v29 =	vadd.s32 v2, v20;
	v25 =	vadd.f32 v25, v9;
	v28 =	vld [tilespmem:s16+$0x50];
	[tilespmem:v26+s0+$0x0] =	vst.idx.msk $0xffff, v22  }
0x14e: {  	[tilespmem:v27+s0+$0x0] =	vst.idx.msk $0xffff, v23;
	v23 =	vadd.s32 v2, v12;
	v14 =	vadd.f32 v14, v9;
	v26 =	vld [tilespmem:s8+$0x70]  }
0x14f: {  	v27 =	vld [tilespmem:s16+$0xFFFFFF90];
	[tilespmem:v17+s0+$0x0] =	vst.idx.msk $0xffff, v25;
	v25 =	vadd.s32 v1, v7;
	v18 =	vadd.f32 v18, v5  }
0x150: {  	v31 =	vadd.s32 v3, v13;
	v30 =	vld [tilespmem:s16+$0xFFFFFFD0];
	[tilespmem:v15+s0+$0x0] =	vst.idx.msk $0xffff, v14;
	v14 =	vadd.f32 v21, v5  }
0x151: {  	v22 =	vadd.s32 v1, v8;
	v17 =	vld [tilespmem:s16+$0x10];
	v13 =	vadd.f32 v16, v5;
	[tilespmem:v24+s0+$0x0] =	vst.idx.msk $0xffff, v18  }
0x152: {  	s6 =	simm.s32 $0x8;
	v21 =	vadd.s32 v1, v10;
	[tilespmem:v29+s0+$0x0] =	vst.idx.msk $0xffff, v14;
	v18 =	vadd.f32 v28, v6;
	v16 =	vld [tilespmem:s8+$0xFFFFFFF0]  }
0x153: {  	v24 =	vmov s6;
	v14 =	vadd.s32 v1, v11;
	v15 =	vld [tilespmem:s8+$0x30];
	[tilespmem:v23+s0+$0x0] =	vst.idx.msk $0xffff, v13;
	v63 =	vadd.f32 v26, v4  }
0x154: {  	s23 =	simm.s32 $0xB;
	s18 =	simm.s32 $0xD880;
	v19 =	vadd.s32 v3, v19;
	v13 =	vand.u32 $0x7C, v24;
	v24 =	vadd.f32 v27, v6;
	[tilespmem:v25+s0+$0x0] =	vst.idx.msk $0xffff, v18;
	v18 =	vld [tilespmem:s8+$0xFFFFFFB0]  }
0x155: {  	v20 =	vadd.s32 v3, v20;
	v26 =	vmov s23;
	v23 =	vld [tilespmem:s18+$0x40];
	s8 =	simm.s32 $0xC;
	v25 =	vadd.f32 v30, v6;
	[tilespmem:v31+s0+$0x0] =	vst.idx.msk $0xffff, v63  }
.LBB2_10:
0x156: {  	p0 =	slt.u32 s8, $0x7C;
	s12 =	sadd.s32 $0x1, s6;
	v26 =	vand.u32 $0x7F, v26;
	[tilespmem:v22+s0+$0x0] =	vst.idx.msk $0xffff, v24;
	v17 =	vadd.f32 v17, v6;
	v22 =	vld [tilespmem:s16+$0x60];
	v24 =	vadd.s32 v3, v12  }
0x157: {  	v30 =	vmovc v11;
	v27 =	vld [tilespmem:s18+$0xFFFFFF80];
	v28 =	vmov s12;
	s12 =	sadd.s32 $0x2, s6;
	v29 =	vadd.s32 v0, v26;
	[tilespmem:v21+s0+$0x0] =	vst.idx.msk $0xffff, v25;
	v16 =	vadd.f32 v16, v4;
	s6 =	smov.u32 s8  }
0x158: {  	v12 =	vmovc v8;
	v21 =	vld [tilespmem:s18+$0xFFFFFFC0];
	v11 =	vmov s12;
	[tilespmem:v14+s0+$0x0] =	vst.idx.msk $0xffff, v17;
	v14 =	vadd.s32 v2, v7;
	v15 =	vadd.f32 v15, v4  }
0x159: {  	v17 =	vadd.s32 v0, v13;
	v28 =	vand.u32 $0x7D, v28;
	v25 =	vld [tilespmem:s18+$0x0];
	v31 =	vadd.f32 v18, v4;
	[tilespmem:v19+s0+$0x0] =	vst.idx.msk $0xffff, v16  }
0x15a: {  	v16 =	vadd.s32 v0, v28;
	v11 =	vand.u32 $0x7E, v11;
	v18 =	vadd.f32 v23, v9;
	v19 =	vld [tilespmem:s16+$0xFFFFFFE0];
	[tilespmem:v20+s0+$0x0] =	vst.idx.msk $0xffff, v15  }
0x15b: {  	v8 =	vmov v13;
	v15 =	vadd.s32 v0, v11;
	v20 =	vld [tilespmem:s16+$0x20];
	v22 =	vadd.f32 v22, v5;
	[tilespmem:v24+s0+$0x0] =	vst.idx.msk $0xffff, v31  }
0x15c: {  	v23 =	vadd.s32 v2, v10;
	v13 =	vadd.f32 v27, v9;
	[tilespmem:v29+s0+$0x0] =	vst.idx.msk $0xffff, v18;
	v18 =	vld [tilespmem:s16+$0xFFFFFFA0]  }
0x15d: {  	v27 =	vadd.s32 v2, v30;
	v21 =	vadd.f32 v21, v9;
	v24 =	vld [tilespmem:s18+$0x50];
	[tilespmem:v14+s0+$0x0] =	vst.idx.msk $0xffff, v22  }
0x15e: {  	[tilespmem:v17+s0+$0x0] =	vst.idx.msk $0xffff, v13;
	v13 =	vadd.f32 v25, v9;
	v25 =	vadd.s32 v2, v12;
	v29 =	vld [tilespmem:s16+$0x70]  }
0x15f: {  	v32 =	vadd.s32 v1, v26;
	v31 =	vld [tilespmem:s18+$0xFFFFFF90];
	[tilespmem:v16+s0+$0x0] =	vst.idx.msk $0xffff, v21;
	v14 =	vadd.f32 v19, v5  }
0x160: {  	v34 =	vadd.s32 v3, v7;
	v7 =	vmov v26;
	v33 =	vld [tilespmem:s18+$0xFFFFFFD0];
	[tilespmem:v15+s0+$0x0] =	vst.idx.msk $0xffff, v13;
	v13 =	vadd.f32 v20, v5  }
.Ltmp4:
0x161: {  	v22 =	vadd.s32 v1, v8;
	v17 =	vld [tilespmem:s18+$0x10];
	v15 =	vadd.f32 v18, v5;
	[tilespmem:v23+s0+$0x0] =	vst.idx.msk $0xffff, v14;
	(pc) =	sbr.rel @p0 .LBB2_10-.Ltmp4, $4  }
0x162: {  	v21 =	vadd.s32 v1, v28;
	v18 =	vadd.f32 v24, v6;
	v16 =	vld [tilespmem:s16+$0xFFFFFFF0];
	[tilespmem:v27+s0+$0x0] =	vst.idx.msk $0xffff, v13  }
0x163: {  	v14 =	vadd.s32 v1, v11;
	v13 =	vmov s8;
	[tilespmem:v25+s0+$0x0] =	vst.idx.msk $0xffff, v15;
	v15 =	vld [tilespmem:s16+$0x30];
	v27 =	vadd.f32 v29, v4  }
0x164: {  	s12 =	sadd.s32 $0x3, s8;
	v19 =	vadd.s32 v3, v10;
	v13 =	vand.u32 $0x7C, v13;
	v24 =	vadd.f32 v31, v6;
	[tilespmem:v32+s0+$0x0] =	vst.idx.msk $0xffff, v18;
	v18 =	vld [tilespmem:s16+$0xFFFFFFB0];
	s16 =	smov.u32 s18;
	s18 =	sadd.s32 $0x100, s18  }
0x165: {  	v26 =	vmov s12;
	v10 =	vmovc v28;
	v20 =	vadd.s32 v3, v30;
	s8 =	sadd.s32 $0x4, s8;
	v23 =	vld [tilespmem:s18+$0x40];
	v25 =	vadd.f32 v33, v6;
	[tilespmem:v34+s0+$0x0] =	vst.idx.msk $0xffff, v27  }
0x166: {  	s8 =	sadd.s32 $0x1, s6  }
0x167: {  	v26 =	vand.u32 $0x7F, v26;
	v28 =	vld [tilespmem:s18+$0xFFFFFFC0];
	v27 =	vmov s8;
	s8 =	sadd.s32 $0x2, s6  }
0x168: {  	v31 =	vld [tilespmem:s18+$0x0];
	v29 =	vadd.s32 v0, v26;
	v30 =	vmov s8;
	v27 =	vand.u32 $0x7D, v27  }
0x169: {  	v32 =	vld [tilespmem:s18+$0xFFFFFF80];
	v33 =	vadd.s32 v0, v27;
	v30 =	vand.u32 $0x7E, v30  }
0x16a: {  	v34 =	vadd.s32 v0, v30  }
0x16b: {  	[tilespmem:v22+s0+$0x0] =	vst.idx.msk $0xffff, v24;
	v44 =	vadd.s32 v0, v13;
	v23 =	vadd.f32 v23, v9  }
0x16c: {  	[tilespmem:v21+s0+$0x0] =	vst.idx.msk $0xffff, v25;
	v45 =	vadd.f32 v28, v9  }
0x16d: {  	v46 =	vadd.f32 v31, v9;
	[tilespmem:v29+s0+$0x0] =	vst.idx.msk $0xffff, v23  }
0x16e: {  	v47 =	vadd.f32 v32, v9;
	v48 =	vld [tilespmem:s18+$0x50];
	[tilespmem:v33+s0+$0x0] =	vst.idx.msk $0xffff, v45  }
0x16f: {  	v17 =	vadd.f32 v17, v6;
	v12 =	vadd.s32 v3, v12;
	v21 =	vld [tilespmem:s18+$0xFFFFFFD0];
	[tilespmem:v34+s0+$0x0] =	vst.idx.msk $0xffff, v46  }
0x170: {  	v16 =	vadd.f32 v16, v4;
	v49 =	vadd.s32 v1, v26;
	[tilespmem:v44+s0+$0x0] =	vst.idx.msk $0xffff, v47;
	v50 =	vld [tilespmem:s18+$0x10]  }
0x171: {  	[tilespmem:v14+s0+$0x0] =	vst.idx.msk $0xffff, v17;
	v51 =	vadd.f32 v15, v4;
	v53 =	vadd.s32 v1, v27;
	v52 =	vld [tilespmem:s18+$0xFFFFFF90]  }
0x172: {  	v54 =	vld [tilespmem:s16+$0x60];
	v18 =	vadd.f32 v18, v4;
	[tilespmem:v19+s0+$0x0] =	vst.idx.msk $0xffff, v16;
	v55 =	vadd.s32 v1, v30  }
0x173: {  	v57 =	vadd.s32 v1, v13;
	v60 =	vld [tilespmem:s16+$0x20];
	[tilespmem:v20+s0+$0x0] =	vst.idx.msk $0xffff, v51;
	v58 =	vadd.f32 v48, v6  }
0x174: {  	v59 =	vadd.s32 v2, v7;
	v56 =	vld [tilespmem:s16+$0xFFFFFFE0];
	[tilespmem:v12+s0+$0x0] =	vst.idx.msk $0xffff, v18;
	v61 =	vadd.f32 v21, v6  }
0x175: {  	v62 =	vld [tilespmem:s16+$0xFFFFFFA0];
	v29 =	vadd.s32 v2, v11;
	[tilespmem:v49+s0+$0x0] =	vst.idx.msk $0xffff, v58;
	v28 =	vadd.f32 v50, v6  }
0x176: {  	v63 =	vadd.s32 v2, v10;
	v31 =	vadd.f32 v52, v6;
	v32 =	vld [tilespmem:s18+$0x60];
	[tilespmem:v53+s0+$0x0] =	vst.idx.msk $0xffff, v61  }
0x177: {  	v33 =	vadd.f32 v54, v5;
	v34 =	vadd.s32 v2, v8;
	[tilespmem:v55+s0+$0x0] =	vst.idx.msk $0xffff, v28;
	v35 =	vld [tilespmem:s18+$0xFFFFFFE0]  }
0x178: {  	v37 =	vadd.s32 v2, v26;
	v39 =	vadd.f32 v60, v5;
	[tilespmem:v57+s0+$0x0] =	vst.idx.msk $0xffff, v31;
	v38 =	vld [tilespmem:s18+$0x20]  }
0x179: {  	v41 =	vadd.s32 v2, v27;
	v36 =	vadd.f32 v56, v5;
	[tilespmem:v59+s0+$0x0] =	vst.idx.msk $0xffff, v33;
	v40 =	vld [tilespmem:s18+$0xFFFFFFA0]  }
0x17a: {  	v43 =	vadd.s32 v2, v30;
	v18 =	vadd.f32 v62, v5;
	v42 =	vld [tilespmem:s16+$0x70];
	[tilespmem:v29+s0+$0x0] =	vst.idx.msk $0xffff, v39  }
0x17b: {  	v45 =	vadd.s32 v2, v13;
	[tilespmem:v63+s0+$0x0] =	vst.idx.msk $0xffff, v36;
	v47 =	vld [tilespmem:s16+$0x30];
	v44 =	vadd.f32 v32, v5  }
0x17c: {  	v46 =	vadd.s32 v3, v7;
	v21 =	vld [tilespmem:s16+$0xFFFFFFF0];
	[tilespmem:v34+s0+$0x0] =	vst.idx.msk $0xffff, v18;
	v9 =	vadd.f32 v35, v5  }
0x17d: {  	v18 =	vld [tilespmem:s16+$0xFFFFFFB0];
	v50 =	vadd.s32 v3, v11;
	[tilespmem:v37+s0+$0x0] =	vst.idx.msk $0xffff, v44;
	v49 =	vadd.f32 v38, v5  }
0x17e: {  	v48 =	vadd.s32 v3, v10;
	v12 =	vld [tilespmem:s18+$0x70];
	v5 =	vadd.f32 v40, v5;
	[tilespmem:v41+s0+$0x0] =	vst.idx.msk $0xffff, v9  }
0x17f: {  	v52 =	vadd.s32 v3, v8;
	v51 =	vadd.f32 v42, v4;
	v53 =	vld [tilespmem:s18+$0xFFFFFFF0];
	[tilespmem:v43+s0+$0x0] =	vst.idx.msk $0xffff, v49  }
0x180: {  	v55 =	vadd.s32 v3, v26;
	v56 =	vadd.f32 v47, v4;
	[tilespmem:v45+s0+$0x0] =	vst.idx.msk $0xffff, v5;
	v5 =	vld [tilespmem:s18+$0x30]  }
0x181: {  	v58 =	vadd.s32 v3, v27;
	[tilespmem:v46+s0+$0x0] =	vst.idx.msk $0xffff, v51;
	v54 =	vadd.f32 v21, v4;
	v57 =	vld [tilespmem:s18+$0xFFFFFFB0]  }
0x182: {  	v60 =	vadd.s32 v3, v30;
	v59 =	vadd.f32 v18, v4;
	[tilespmem:v50+s0+$0x0] =	vst.idx.msk $0xffff, v56  }
0x183: {  	v62 =	vadd.s32 v3, v13;
	[tilespmem:v48+s0+$0x0] =	vst.idx.msk $0xffff, v54;
	v61 =	vadd.f32 v12, v4  }
0x184: {  	[tilespmem:v52+s0+$0x0] =	vst.idx.msk $0xffff, v59;
	v63 =	vadd.f32 v53, v4  }
0x185: {  	[tilespmem:v55+s0+$0x0] =	vst.idx.msk $0xffff, v61;
	v5 =	vadd.f32 v5, v4  }
0x186: {  	v4 =	vadd.f32 v57, v4;
	[tilespmem:v58+s0+$0x0] =	vst.idx.msk $0xffff, v63  }
0x187: {  	[tilespmem:v60+s0+$0x0] =	vst.idx.msk $0xffff, v5  }
0x188: {  	s12 =	simm.s32 $0xD600;
	s16 =	simm.s32 $0x300;
	[tilespmem:v62+s0+$0x0] =	vst.idx.msk $0xffff, v4  }
0x189: {  	[tilespmem:s12], [sflag:$0x3] =	stream.indirect.gather [hbm4b:s5+s15], $0x40, s16, s15, $0xb8;
	[tilespmem:$0x19E00] =	vst v63  }
0x18a: {  	s17 =	simm.s32 $0x15A00  }
0x18b: {  	[hbm4b:s10+s3] =	stream.linear.scatter [tilespmem:s17], [sflag:$0x7], $0x80, $0x38;
	[tilespmem:$0x19E00] =	vst v63  }
0x18c: {  	s19 =	sadd.s32 $0x10, s10;
	s18 =	simm.s32 $0x15A88  }
0x18d: {  	[hbm4b:s19+s3] =	stream.linear.scatter [tilespmem:s18], [sflag:$0x7], $0x80, $0x38;
	[tilespmem:$0x19E00] =	vst v63  }
0x18e: {  	s21 =	simm.s32 $0x15B10;
	s23 =	sadd.s32 $0x20, s10;
	s6 =	simm.s32 $0x440  }
0x18f: {  	[hbm4b:s23+s3] =	stream.linear.scatter [tilespmem:s21], [sflag:$0x7], $0x80, $0x38;
	[tilespmem:$0x19E00] =	vst v63  }
0x190: {  	s8 =	simm.s32 $0x15B98;
	s12 =	sadd.s32 $0x30, s10;
	s16 =	simm.s32 $0x15C20  }
0x191: {  	[hbm4b:s12+s3] =	stream.linear.scatter [tilespmem:s8], [sflag:$0x7], $0x80, $0x38;
	[tilespmem:$0x19E00] =	vst v63  }
0x192: {  	s17 =	sadd.s32 $0x40, s10;
	s18 =	simm.s32 $0x15CA8;
	s19 =	sadd.s32 $0x50, s10  }
0x193: {  	[hbm4b:s17+s3] =	stream.linear.scatter [tilespmem:s16], [sflag:$0x7], $0x80, $0x38;
	[tilespmem:$0x19E00] =	vst v63  }
0x194: {  	s21 =	simm.s32 $0x15D30;
	s23 =	sadd.s32 $0x60, s10;
	s12 =	simm.s32 $0x2200  }
0x195: {  	[hbm4b:s19+s3] =	stream.linear.scatter [tilespmem:s18], [sflag:$0x7], $0x80, $0x38;
	[tilespmem:$0x19E00] =	vst v63  }
0x196: {  	s8 =	sadd.s32 $0x1000, s10;
	s16 =	simm.s32 $0x15DB8;
	s18 =	sadd.s32 $0x70, s10  }
0x197: {  	[hbm4b:s23+s3] =	stream.linear.scatter [tilespmem:s21], [sflag:$0x7], $0x80, $0x38;
	[tilespmem:$0x19E00] =	vst v63  }
.LBB2_12:
0x198: {  	[hbm4b:s18+s3] =	stream.linear.scatter [tilespmem:s16], [sflag:$0x7], $0x80, $0x38;
	[tilespmem:$0x19E00] =	vst v63  }
0x199: {  	s16 =	smov.u32 s6;
	s6 =	smov.u32 s12  }
0x19a: {  	s19 =	sadd.s32 $0x1100, s12;
	s6 =	sshra.s32 s6, $0x2;
	s18 =	sadd.s32 $0x15A00, s16  }
0x19b: {  	[hbm4b:s8+s3] =	stream.linear.scatter [tilespmem:s18], [sflag:$0x7], $0x80, $0x38;
	[tilespmem:$0x19E00] =	vst v63  }
0x19c: {  	p0 =	sne.s32 s12, $0x7700;
	s12 =	sadd.s32 $0x15A88, s16;
	s18 =	sadd.s32 $0x10, s8  }
0x19d: {  	[hbm4b:s18+s3] =	stream.linear.scatter [tilespmem:s12], [sflag:$0x7], $0x80, $0x38;
	[tilespmem:$0x19E00] =	vst v63  }
0x19e: {  	s12 =	sadd.s32 $0x15B10, s16;
	s18 =	sadd.s32 $0x20, s8  }
0x19f: {  	[hbm4b:s18+s3] =	stream.linear.scatter [tilespmem:s12], [sflag:$0x7], $0x80, $0x38;
	[tilespmem:$0x19E00] =	vst v63  }
0x1a0: {  	s12 =	sadd.s32 $0x15B98, s16;
	s18 =	sadd.s32 $0x30, s8  }
0x1a1: {  	[hbm4b:s18+s3] =	stream.linear.scatter [tilespmem:s12], [sflag:$0x7], $0x80, $0x38;
	[tilespmem:$0x19E00] =	vst v63  }
0x1a2: {  	s12 =	sadd.s32 $0x15C20, s16;
	s18 =	sadd.s32 $0x40, s8  }
0x1a3: {  	[hbm4b:s18+s3] =	stream.linear.scatter [tilespmem:s12], [sflag:$0x7], $0x80, $0x38;
	[tilespmem:$0x19E00] =	vst v63  }
.Ltmp5:
0x1a4: {  	s12 =	sadd.s32 $0x15CA8, s16;
	s18 =	sadd.s32 $0x50, s8;
	(pc) =	sbr.rel @p0 .LBB2_12-.Ltmp5, $4  }
0x1a5: {  	[hbm4b:s18+s3] =	stream.linear.scatter [tilespmem:s12], [sflag:$0x7], $0x80, $0x38;
	[tilespmem:$0x19E00] =	vst v63  }
0x1a6: {  	s12 =	sadd.s32 $0x15D30, s16;
	s18 =	sadd.s32 $0x60, s8;
	s16 =	sadd.s32 $0x15DB8, s16  }
0x1a7: {  	[hbm4b:s18+s3] =	stream.linear.scatter [tilespmem:s12], [sflag:$0x7], $0x80, $0x38;
	[tilespmem:$0x19E00] =	vst v63  }
0x1a8: {  	s18 =	sadd.s32 $0x70, s8;
	s8 =	sadd.s32 $0x1000, s8;
	s12 =	smov.u32 s19  }
0x1a9: {  	[hbm4b:s18+s3] =	stream.linear.scatter [tilespmem:s16], [sflag:$0x7], $0x80, $0x38;
	[tilespmem:$0x19E00] =	vst v63  }
0x1aa: {  	s12 =	sadd.s32 $0x15A00, s6  }
0x1ab: {  	[hbm4b:s8+s3] =	stream.linear.scatter [tilespmem:s12], [sflag:$0x7], $0x80, $0x38;
	[tilespmem:$0x19E00] =	vst v63  }
0x1ac: {  	s18 =	sadd.s32 $0x15A88, s6;
	s19 =	sadd.s32 $0x10, s8  }
0x1ad: {  	[hbm4b:s19+s3] =	stream.linear.scatter [tilespmem:s18], [sflag:$0x7], $0x80, $0x38;
	[tilespmem:$0x19E00] =	vst v63  }
0x1ae: {  	s21 =	sadd.s32 $0x15B10, s6;
	s23 =	sadd.s32 $0x20, s8  }
0x1af: {  	[hbm4b:s23+s3] =	stream.linear.scatter [tilespmem:s21], [sflag:$0x7], $0x80, $0x38;
	[tilespmem:$0x19E00] =	vst v63  }
0x1b0: {  	s16 =	sadd.s32 $0x15B98, s6;
	s17 =	sadd.s32 $0x30, s8  }
0x1b1: {  	[hbm4b:s17+s3] =	stream.linear.scatter [tilespmem:s16], [sflag:$0x7], $0x80, $0x38;
	[tilespmem:$0x19E00] =	vst v63  }
0x1b2: {  	s18 =	sadd.s32 $0x15C20, s6;
	s19 =	sadd.s32 $0x40, s8  }
0x1b3: {  	[hbm4b:s19+s3] =	stream.linear.scatter [tilespmem:s18], [sflag:$0x7], $0x80, $0x38;
	[tilespmem:$0x19E00] =	vst v63  }
0x1b4: {  	s21 =	sadd.s32 $0x15CA8, s6;
	s23 =	sadd.s32 $0x50, s8  }
0x1b5: {  	[hbm4b:s23+s3] =	stream.linear.scatter [tilespmem:s21], [sflag:$0x7], $0x80, $0x38;
	[tilespmem:$0x19E00] =	vst v63  }
0x1b6: {  	s16 =	sadd.s32 $0x15D30, s6;
	s17 =	sadd.s32 $0x60, s8  }
0x1b7: {  	[hbm4b:s17+s3] =	stream.linear.scatter [tilespmem:s16], [sflag:$0x7], $0x80, $0x38;
	[tilespmem:$0x19E00] =	vst v63  }
0x1b8: {  	s18 =	sadd.s32 $0x15DB8, s6;
	s19 =	sadd.s32 $0x70, s8  }
0x1b9: {  	[hbm4b:s19+s3] =	stream.linear.scatter [tilespmem:s18], [sflag:$0x7], $0x80, $0x38;
	[tilespmem:$0x19E00] =	vst v63  }
0x1ba: {  	_ =	swait.ge [sflag:s13], $0x2000  }
0x1bb: {  	[sflag:s13] =	ssyncset.done $0x0  }
0x1bc: {  	[sflag:s13] =	ssyncadd.s32 $0xFFFFE000  }
0x1bd: {  	s8 =	simm.s32 $0xF680;
	s21 =	simm.s32 $0x3;
	v9 =	vld [tilespmem:$0x64C0]  }
0x1be: {  	v4 =	vmov s21;
	v7 =	vld [tilespmem:s8+$0x40]  }
0x1bf: {  	v13 =	vand.u32 $0x7F, v4  }
0x1c0: {  	s23 =	simm.s32 $0x0;
	v8 =	vadd.s32 v0, v13;
	v6 =	vld [tilespmem:$0x64D0]  }
0x1c1: {  	s12 =	simm.s32 $0x1;
	v4 =	vmov s23;
	s16 =	simm.s32 $0x2;
	v10 =	vld [tilespmem:s8+$0xFFFFFF80]  }
0x1c2: {  	v12 =	vand.u32 $0x7C, v4;
	v4 =	vmov s12;
	v14 =	vmov s16;
	v11 =	vld [tilespmem:s8+$0xFFFFFFC0]  }
0x1c3: {  	v15 =	vadd.s32 v0, v12;
	v19 =	vand.u32 $0x7D, v4;
	v16 =	vld [tilespmem:s8+$0x0];
	v7 =	vadd.f32 v7, v9  }
0x1c4: {  	v20 =	vand.u32 $0x7E, v14;
	v17 =	vadd.s32 v0, v19;
	v5 =	vld [tilespmem:$0x64E0]  }
0x1c5: {  	v14 =	vadd.s32 v0, v20;
	v4 =	vld [tilespmem:$0x64F0];
	[tilespmem:v8+s14+$0x0] =	vst.idx.msk $0xffff, v7  }
0x1c6: {  	v7 =	vadd.f32 v10, v9;
	v8 =	vld [tilespmem:s8+$0x50]  }
0x1c7: {  	v10 =	vadd.f32 v11, v9  }
0x1c8: {  	v11 =	vadd.s32 v1, v13;
	[tilespmem:v15+s14+$0x0] =	vst.idx.msk $0xffff, v7;
	v7 =	vadd.f32 v16, v9  }
0x1c9: {  	[tilespmem:v17+s14+$0x0] =	vst.idx.msk $0xffff, v10;
	v15 =	vld [tilespmem:s8+$0xFFFFFF90]  }
0x1ca: {  	v10 =	vld [tilespmem:s8+$0xFFFFFFD0];
	[tilespmem:v14+s14+$0x0] =	vst.idx.msk $0xffff, v7  }
0x1cb: {  	v14 =	vld [tilespmem:s8+$0x10];
	v7 =	vadd.f32 v8, v6  }
0x1cc: {  	s16 =	simm.s32 $0xF780;
	s18 =	simm.s32 $0x7;
	v16 =	vadd.s32 v1, v19  }
0x1cd: {  	s17 =	simm.s32 $0x4;
	v26 =	vadd.s32 v2, v13;
	v18 =	vld [tilespmem:s16+$0x40];
	v17 =	vadd.s32 v1, v20;
	[tilespmem:v11+s14+$0x0] =	vst.idx.msk $0xffff, v7;
	v7 =	vmov s18  }
0x1ce: {  	v21 =	vadd.s32 v1, v12;
	v8 =	vmov s17;
	v7 =	vand.u32 $0x7F, v7;
	v22 =	vld [tilespmem:s8+$0x60]  }
0x1cf: {  	s19 =	simm.s32 $0x5;
	v23 =	vld [tilespmem:s16+$0xFFFFFF80];
	v8 =	vand.u32 $0x7C, v8;
	v10 =	vadd.f32 v10, v6;
	v24 =	vadd.s32 v0, v7  }
0x1d0: {  	s21 =	simm.s32 $0x6;
	v25 =	vld [tilespmem:s16+$0xFFFFFFC0];
	v15 =	vadd.f32 v15, v6;
	v11 =	vadd.f32 v14, v6;
	v14 =	vmov s19  }
0x1d1: {  	v27 =	vadd.s32 v0, v8;
	[tilespmem:v16+s14+$0x0] =	vst.idx.msk $0xffff, v10;
	v16 =	vmov s21;
	v10 =	vand.u32 $0x7D, v14;
	v14 =	vld [tilespmem:s16+$0x0]  }
0x1d2: {  	[tilespmem:v17+s14+$0x0] =	vst.idx.msk $0xffff, v11;
	v17 =	vadd.s32 v0, v10;
	v11 =	vand.u32 $0x7E, v16;
	v16 =	vadd.f32 v18, v9;
	v18 =	vld [tilespmem:s8+$0xFFFFFFE0]  }
0x1d3: {  	[tilespmem:v21+s14+$0x0] =	vst.idx.msk $0xffff, v15;
	v15 =	vadd.s32 v0, v11;
	v21 =	vld [tilespmem:s8+$0x20];
	v22 =	vadd.f32 v22, v5  }
0x1d4: {  	v23 =	vadd.f32 v23, v9;
	[tilespmem:v24+s14+$0x0] =	vst.idx.msk $0xffff, v16;
	v16 =	vld [tilespmem:s8+$0xFFFFFFA0];
	v24 =	vadd.s32 v2, v19  }
0x1d5: {  	v29 =	vadd.s32 v2, v20;
	v25 =	vadd.f32 v25, v9;
	v28 =	vld [tilespmem:s16+$0x50];
	[tilespmem:v26+s14+$0x0] =	vst.idx.msk $0xffff, v22  }
0x1d6: {  	[tilespmem:v27+s14+$0x0] =	vst.idx.msk $0xffff, v23;
	v23 =	vadd.s32 v2, v12;
	v14 =	vadd.f32 v14, v9;
	v26 =	vld [tilespmem:s8+$0x70]  }
0x1d7: {  	v27 =	vld [tilespmem:s16+$0xFFFFFF90];
	[tilespmem:v17+s14+$0x0] =	vst.idx.msk $0xffff, v25;
	v25 =	vadd.s32 v1, v7;
	v18 =	vadd.f32 v18, v5  }
0x1d8: {  	v31 =	vadd.s32 v3, v13;
	v30 =	vld [tilespmem:s16+$0xFFFFFFD0];
	[tilespmem:v15+s14+$0x0] =	vst.idx.msk $0xffff, v14;
	v14 =	vadd.f32 v21, v5  }
0x1d9: {  	v22 =	vadd.s32 v1, v8;
	v17 =	vld [tilespmem:s16+$0x10];
	v13 =	vadd.f32 v16, v5;
	[tilespmem:v24+s14+$0x0] =	vst.idx.msk $0xffff, v18  }
0x1da: {  	s6 =	simm.s32 $0x8;
	v21 =	vadd.s32 v1, v10;
	[tilespmem:v29+s14+$0x0] =	vst.idx.msk $0xffff, v14;
	v18 =	vadd.f32 v28, v6;
	v16 =	vld [tilespmem:s8+$0xFFFFFFF0]  }
0x1db: {  	v24 =	vmov s6;
	v14 =	vadd.s32 v1, v11;
	v15 =	vld [tilespmem:s8+$0x30];
	[tilespmem:v23+s14+$0x0] =	vst.idx.msk $0xffff, v13;
	v63 =	vadd.f32 v26, v4  }
0x1dc: {  	s23 =	simm.s32 $0xB;
	s18 =	simm.s32 $0xF880;
	v19 =	vadd.s32 v3, v19;
	v13 =	vand.u32 $0x7C, v24;
	v24 =	vadd.f32 v27, v6;
	[tilespmem:v25+s14+$0x0] =	vst.idx.msk $0xffff, v18;
	v18 =	vld [tilespmem:s8+$0xFFFFFFB0]  }
0x1dd: {  	v20 =	vadd.s32 v3, v20;
	v26 =	vmov s23;
	v23 =	vld [tilespmem:s18+$0x40];
	s8 =	simm.s32 $0xC;
	v25 =	vadd.f32 v30, v6;
	[tilespmem:v31+s14+$0x0] =	vst.idx.msk $0xffff, v63  }
.LBB2_14:
0x1de: {  	p0 =	slt.u32 s8, $0x7C;
	s12 =	sadd.s32 $0x1, s6;
	v26 =	vand.u32 $0x7F, v26;
	[tilespmem:v22+s14+$0x0] =	vst.idx.msk $0xffff, v24;
	v17 =	vadd.f32 v17, v6;
	v22 =	vld [tilespmem:s16+$0x60];
	v24 =	vadd.s32 v3, v12  }
0x1df: {  	v30 =	vmovc v11;
	v27 =	vld [tilespmem:s18+$0xFFFFFF80];
	v28 =	vmov s12;
	s12 =	sadd.s32 $0x2, s6;
	v29 =	vadd.s32 v0, v26;
	[tilespmem:v21+s14+$0x0] =	vst.idx.msk $0xffff, v25;
	v16 =	vadd.f32 v16, v4;
	s6 =	smov.u32 s8  }
0x1e0: {  	v12 =	vmovc v8;
	v21 =	vld [tilespmem:s18+$0xFFFFFFC0];
	v11 =	vmov s12;
	[tilespmem:v14+s14+$0x0] =	vst.idx.msk $0xffff, v17;
	v14 =	vadd.s32 v2, v7;
	v15 =	vadd.f32 v15, v4  }
0x1e1: {  	v17 =	vadd.s32 v0, v13;
	v28 =	vand.u32 $0x7D, v28;
	v25 =	vld [tilespmem:s18+$0x0];
	v31 =	vadd.f32 v18, v4;
	[tilespmem:v19+s14+$0x0] =	vst.idx.msk $0xffff, v16  }
0x1e2: {  	v16 =	vadd.s32 v0, v28;
	v11 =	vand.u32 $0x7E, v11;
	v18 =	vadd.f32 v23, v9;
	v19 =	vld [tilespmem:s16+$0xFFFFFFE0];
	[tilespmem:v20+s14+$0x0] =	vst.idx.msk $0xffff, v15  }
0x1e3: {  	v8 =	vmov v13;
	v15 =	vadd.s32 v0, v11;
	v20 =	vld [tilespmem:s16+$0x20];
	v22 =	vadd.f32 v22, v5;
	[tilespmem:v24+s14+$0x0] =	vst.idx.msk $0xffff, v31  }
0x1e4: {  	v23 =	vadd.s32 v2, v10;
	v13 =	vadd.f32 v27, v9;
	[tilespmem:v29+s14+$0x0] =	vst.idx.msk $0xffff, v18;
	v18 =	vld [tilespmem:s16+$0xFFFFFFA0]  }
0x1e5: {  	v27 =	vadd.s32 v2, v30;
	v21 =	vadd.f32 v21, v9;
	v24 =	vld [tilespmem:s18+$0x50];
	[tilespmem:v14+s14+$0x0] =	vst.idx.msk $0xffff, v22  }
0x1e6: {  	[tilespmem:v17+s14+$0x0] =	vst.idx.msk $0xffff, v13;
	v13 =	vadd.f32 v25, v9;
	v25 =	vadd.s32 v2, v12;
	v29 =	vld [tilespmem:s16+$0x70]  }
0x1e7: {  	v32 =	vadd.s32 v1, v26;
	v31 =	vld [tilespmem:s18+$0xFFFFFF90];
	[tilespmem:v16+s14+$0x0] =	vst.idx.msk $0xffff, v21;
	v14 =	vadd.f32 v19, v5  }
0x1e8: {  	v34 =	vadd.s32 v3, v7;
	v7 =	vmov v26;
	v33 =	vld [tilespmem:s18+$0xFFFFFFD0];
	[tilespmem:v15+s14+$0x0] =	vst.idx.msk $0xffff, v13;
	v13 =	vadd.f32 v20, v5  }
.Ltmp6:
0x1e9: {  	v22 =	vadd.s32 v1, v8;
	v17 =	vld [tilespmem:s18+$0x10];
	v15 =	vadd.f32 v18, v5;
	[tilespmem:v23+s14+$0x0] =	vst.idx.msk $0xffff, v14;
	(pc) =	sbr.rel @p0 .LBB2_14-.Ltmp6, $4  }
0x1ea: {  	v21 =	vadd.s32 v1, v28;
	v18 =	vadd.f32 v24, v6;
	v16 =	vld [tilespmem:s16+$0xFFFFFFF0];
	[tilespmem:v27+s14+$0x0] =	vst.idx.msk $0xffff, v13  }
0x1eb: {  	v14 =	vadd.s32 v1, v11;
	v13 =	vmov s8;
	[tilespmem:v25+s14+$0x0] =	vst.idx.msk $0xffff, v15;
	v15 =	vld [tilespmem:s16+$0x30];
	v27 =	vadd.f32 v29, v4  }
0x1ec: {  	s12 =	sadd.s32 $0x3, s8;
	v19 =	vadd.s32 v3, v10;
	v13 =	vand.u32 $0x7C, v13;
	v24 =	vadd.f32 v31, v6;
	[tilespmem:v32+s14+$0x0] =	vst.idx.msk $0xffff, v18;
	v18 =	vld [tilespmem:s16+$0xFFFFFFB0];
	s16 =	smov.u32 s18;
	s18 =	sadd.s32 $0x100, s18  }
0x1ed: {  	v26 =	vmov s12;
	v10 =	vmovc v28;
	v20 =	vadd.s32 v3, v30;
	s8 =	sadd.s32 $0x4, s8;
	v23 =	vld [tilespmem:s18+$0x40];
	v25 =	vadd.f32 v33, v6;
	[tilespmem:v34+s14+$0x0] =	vst.idx.msk $0xffff, v27  }
0x1ee: {  	s8 =	sadd.s32 $0x1, s6  }
0x1ef: {  	v26 =	vand.u32 $0x7F, v26;
	v28 =	vld [tilespmem:s18+$0xFFFFFFC0];
	v27 =	vmov s8;
	s8 =	sadd.s32 $0x2, s6  }
0x1f0: {  	v31 =	vld [tilespmem:s18+$0x0];
	v29 =	vadd.s32 v0, v26;
	v30 =	vmov s8;
	v27 =	vand.u32 $0x7D, v27  }
0x1f1: {  	v32 =	vld [tilespmem:s18+$0xFFFFFF80];
	v33 =	vadd.s32 v0, v27;
	v30 =	vand.u32 $0x7E, v30  }
0x1f2: {  	v34 =	vadd.s32 v0, v30  }
0x1f3: {  	[tilespmem:v22+s14+$0x0] =	vst.idx.msk $0xffff, v24;
	v44 =	vadd.s32 v0, v13;
	v23 =	vadd.f32 v23, v9  }
0x1f4: {  	[tilespmem:v21+s14+$0x0] =	vst.idx.msk $0xffff, v25;
	v45 =	vadd.f32 v28, v9  }
0x1f5: {  	v46 =	vadd.f32 v31, v9;
	[tilespmem:v29+s14+$0x0] =	vst.idx.msk $0xffff, v23  }
0x1f6: {  	v47 =	vadd.f32 v32, v9;
	v48 =	vld [tilespmem:s18+$0x50];
	[tilespmem:v33+s14+$0x0] =	vst.idx.msk $0xffff, v45  }
0x1f7: {  	v17 =	vadd.f32 v17, v6;
	v12 =	vadd.s32 v3, v12;
	v21 =	vld [tilespmem:s18+$0xFFFFFFD0];
	[tilespmem:v34+s14+$0x0] =	vst.idx.msk $0xffff, v46  }
0x1f8: {  	v16 =	vadd.f32 v16, v4;
	v49 =	vadd.s32 v1, v26;
	[tilespmem:v44+s14+$0x0] =	vst.idx.msk $0xffff, v47;
	v50 =	vld [tilespmem:s18+$0x10]  }
0x1f9: {  	[tilespmem:v14+s14+$0x0] =	vst.idx.msk $0xffff, v17;
	v51 =	vadd.f32 v15, v4;
	v53 =	vadd.s32 v1, v27;
	v52 =	vld [tilespmem:s18+$0xFFFFFF90]  }
0x1fa: {  	v54 =	vld [tilespmem:s16+$0x60];
	v18 =	vadd.f32 v18, v4;
	[tilespmem:v19+s14+$0x0] =	vst.idx.msk $0xffff, v16;
	v55 =	vadd.s32 v1, v30  }
0x1fb: {  	v57 =	vadd.s32 v1, v13;
	v60 =	vld [tilespmem:s16+$0x20];
	[tilespmem:v20+s14+$0x0] =	vst.idx.msk $0xffff, v51;
	v58 =	vadd.f32 v48, v6  }
0x1fc: {  	v59 =	vadd.s32 v2, v7;
	v56 =	vld [tilespmem:s16+$0xFFFFFFE0];
	[tilespmem:v12+s14+$0x0] =	vst.idx.msk $0xffff, v18;
	v61 =	vadd.f32 v21, v6  }
0x1fd: {  	v62 =	vld [tilespmem:s16+$0xFFFFFFA0];
	v29 =	vadd.s32 v2, v11;
	[tilespmem:v49+s14+$0x0] =	vst.idx.msk $0xffff, v58;
	v28 =	vadd.f32 v50, v6  }
0x1fe: {  	v63 =	vadd.s32 v2, v10;
	v31 =	vadd.f32 v52, v6;
	v32 =	vld [tilespmem:s18+$0x60];
	[tilespmem:v53+s14+$0x0] =	vst.idx.msk $0xffff, v61  }
0x1ff: {  	v33 =	vadd.f32 v54, v5;
	v34 =	vadd.s32 v2, v8;
	[tilespmem:v55+s14+$0x0] =	vst.idx.msk $0xffff, v28;
	v35 =	vld [tilespmem:s18+$0xFFFFFFE0]  }
0x200: {  	v37 =	vadd.s32 v2, v26;
	v39 =	vadd.f32 v60, v5;
	[tilespmem:v57+s14+$0x0] =	vst.idx.msk $0xffff, v31;
	v38 =	vld [tilespmem:s18+$0x20]  }
0x201: {  	v41 =	vadd.s32 v2, v27;
	v36 =	vadd.f32 v56, v5;
	[tilespmem:v59+s14+$0x0] =	vst.idx.msk $0xffff, v33;
	v40 =	vld [tilespmem:s18+$0xFFFFFFA0]  }
0x202: {  	v43 =	vadd.s32 v2, v30;
	v18 =	vadd.f32 v62, v5;
	v42 =	vld [tilespmem:s16+$0x70];
	[tilespmem:v29+s14+$0x0] =	vst.idx.msk $0xffff, v39  }
0x203: {  	v45 =	vadd.s32 v2, v13;
	[tilespmem:v63+s14+$0x0] =	vst.idx.msk $0xffff, v36;
	v47 =	vld [tilespmem:s16+$0x30];
	v44 =	vadd.f32 v32, v5  }
0x204: {  	v46 =	vadd.s32 v3, v7;
	v21 =	vld [tilespmem:s16+$0xFFFFFFF0];
	[tilespmem:v34+s14+$0x0] =	vst.idx.msk $0xffff, v18;
	v9 =	vadd.f32 v35, v5  }
0x205: {  	v18 =	vld [tilespmem:s16+$0xFFFFFFB0];
	v50 =	vadd.s32 v3, v11;
	[tilespmem:v37+s14+$0x0] =	vst.idx.msk $0xffff, v44;
	v49 =	vadd.f32 v38, v5  }
0x206: {  	v48 =	vadd.s32 v3, v10;
	v12 =	vld [tilespmem:s18+$0x70];
	v5 =	vadd.f32 v40, v5;
	[tilespmem:v41+s14+$0x0] =	vst.idx.msk $0xffff, v9  }
0x207: {  	v52 =	vadd.s32 v3, v8;
	v51 =	vadd.f32 v42, v4;
	v53 =	vld [tilespmem:s18+$0xFFFFFFF0];
	[tilespmem:v43+s14+$0x0] =	vst.idx.msk $0xffff, v49  }
0x208: {  	v55 =	vadd.s32 v3, v26;
	v56 =	vadd.f32 v47, v4;
	[tilespmem:v45+s14+$0x0] =	vst.idx.msk $0xffff, v5;
	v5 =	vld [tilespmem:s18+$0x30]  }
0x209: {  	v58 =	vadd.s32 v3, v27;
	[tilespmem:v46+s14+$0x0] =	vst.idx.msk $0xffff, v51;
	v54 =	vadd.f32 v21, v4;
	v57 =	vld [tilespmem:s18+$0xFFFFFFB0]  }
0x20a: {  	v60 =	vadd.s32 v3, v30;
	v59 =	vadd.f32 v18, v4;
	[tilespmem:v50+s14+$0x0] =	vst.idx.msk $0xffff, v56  }
0x20b: {  	v62 =	vadd.s32 v3, v13;
	[tilespmem:v48+s14+$0x0] =	vst.idx.msk $0xffff, v54;
	v61 =	vadd.f32 v12, v4  }
0x20c: {  	[tilespmem:v52+s14+$0x0] =	vst.idx.msk $0xffff, v59;
	v63 =	vadd.f32 v53, v4  }
0x20d: {  	[tilespmem:v55+s14+$0x0] =	vst.idx.msk $0xffff, v61;
	v5 =	vadd.f32 v5, v4  }
0x20e: {  	v4 =	vadd.f32 v57, v4;
	[tilespmem:v58+s14+$0x0] =	vst.idx.msk $0xffff, v63  }
0x20f: {  	[tilespmem:v60+s14+$0x0] =	vst.idx.msk $0xffff, v5  }
0x210: {  	s12 =	simm.s32 $0xF600;
	s16 =	simm.s32 $0x380;
	[tilespmem:v62+s14+$0x0] =	vst.idx.msk $0xffff, v4  }
0x211: {  	[tilespmem:s12], [sflag:$0x4] =	stream.indirect.gather [hbm4b:s5+s15], $0x40, s16, s15, $0xb8;
	[tilespmem:$0x19E00] =	vst v63  }
0x212: {  	s17 =	simm.s32 $0x17C00  }
0x213: {  	[hbm4b:s11+s3] =	stream.linear.scatter [tilespmem:s17], [sflag:$0x8], $0x80, $0x38;
	[tilespmem:$0x19E00] =	vst v63  }
0x214: {  	s19 =	sadd.s32 $0x10, s11;
	s18 =	simm.s32 $0x17C88  }
0x215: {  	[hbm4b:s19+s3] =	stream.linear.scatter [tilespmem:s18], [sflag:$0x8], $0x80, $0x38;
	[tilespmem:$0x19E00] =	vst v63  }
0x216: {  	s21 =	simm.s32 $0x17D10;
	s23 =	sadd.s32 $0x20, s11;
	s6 =	simm.s32 $0x440  }
0x217: {  	[hbm4b:s23+s3] =	stream.linear.scatter [tilespmem:s21], [sflag:$0x8], $0x80, $0x38;
	[tilespmem:$0x19E00] =	vst v63  }
0x218: {  	s8 =	sadd.s32 $0x1000, s11;
	s12 =	simm.s32 $0x17D98;
	s15 =	sadd.s32 $0x30, s11  }
0x219: {  	[hbm4b:s15+s3] =	stream.linear.scatter [tilespmem:s12], [sflag:$0x8], $0x80, $0x38;
	[tilespmem:$0x19E00] =	vst v63  }
0x21a: {  	s16 =	simm.s32 $0x17E20;
	s17 =	sadd.s32 $0x40, s11;
	s18 =	simm.s32 $0x17EA8  }
0x21b: {  	[hbm4b:s17+s3] =	stream.linear.scatter [tilespmem:s16], [sflag:$0x8], $0x80, $0x38;
	[tilespmem:$0x19E00] =	vst v63  }
0x21c: {  	s19 =	sadd.s32 $0x50, s11;
	s21 =	simm.s32 $0x17F30;
	s23 =	sadd.s32 $0x60, s11  }
0x21d: {  	[hbm4b:s19+s3] =	stream.linear.scatter [tilespmem:s18], [sflag:$0x8], $0x80, $0x38;
	[tilespmem:$0x19E00] =	vst v63  }
0x21e: {  	s12 =	simm.s32 $0x2200;
	s16 =	simm.s32 $0x17FB8;
	s18 =	sadd.s32 $0x70, s11  }
0x21f: {  	[hbm4b:s23+s3] =	stream.linear.scatter [tilespmem:s21], [sflag:$0x8], $0x80, $0x38;
	[tilespmem:$0x19E00] =	vst v63  }
.LBB2_16:
0x220: {  	[hbm4b:s18+s3] =	stream.linear.scatter [tilespmem:s16], [sflag:$0x8], $0x80, $0x38;
	[tilespmem:$0x19E00] =	vst v63  }
0x221: {  	s16 =	smov.u32 s6;
	s6 =	smov.u32 s12  }
0x222: {  	s19 =	sadd.s32 $0x1100, s12;
	s6 =	sshra.s32 s6, $0x2;
	s18 =	sadd.s32 $0x17C00, s16  }
0x223: {  	[hbm4b:s8+s3] =	stream.linear.scatter [tilespmem:s18], [sflag:$0x8], $0x80, $0x38;
	[tilespmem:$0x19E00] =	vst v63  }
0x224: {  	p0 =	sne.s32 s12, $0x7700;
	s12 =	sadd.s32 $0x17C88, s16;
	s18 =	sadd.s32 $0x10, s8  }
0x225: {  	[hbm4b:s18+s3] =	stream.linear.scatter [tilespmem:s12], [sflag:$0x8], $0x80, $0x38;
	[tilespmem:$0x19E00] =	vst v63  }
0x226: {  	s12 =	sadd.s32 $0x17D10, s16;
	s18 =	sadd.s32 $0x20, s8  }
0x227: {  	[hbm4b:s18+s3] =	stream.linear.scatter [tilespmem:s12], [sflag:$0x8], $0x80, $0x38;
	[tilespmem:$0x19E00] =	vst v63  }
0x228: {  	s12 =	sadd.s32 $0x17D98, s16;
	s18 =	sadd.s32 $0x30, s8  }
0x229: {  	[hbm4b:s18+s3] =	stream.linear.scatter [tilespmem:s12], [sflag:$0x8], $0x80, $0x38;
	[tilespmem:$0x19E00] =	vst v63  }
0x22a: {  	s12 =	sadd.s32 $0x17E20, s16;
	s18 =	sadd.s32 $0x40, s8  }
0x22b: {  	[hbm4b:s18+s3] =	stream.linear.scatter [tilespmem:s12], [sflag:$0x8], $0x80, $0x38;
	[tilespmem:$0x19E00] =	vst v63  }
.Ltmp7:
0x22c: {  	s12 =	sadd.s32 $0x17EA8, s16;
	s18 =	sadd.s32 $0x50, s8;
	(pc) =	sbr.rel @p0 .LBB2_16-.Ltmp7, $4  }
0x22d: {  	[hbm4b:s18+s3] =	stream.linear.scatter [tilespmem:s12], [sflag:$0x8], $0x80, $0x38;
	[tilespmem:$0x19E00] =	vst v63  }
0x22e: {  	s12 =	sadd.s32 $0x17F30, s16;
	s18 =	sadd.s32 $0x60, s8;
	s16 =	sadd.s32 $0x17FB8, s16  }
0x22f: {  	[hbm4b:s18+s3] =	stream.linear.scatter [tilespmem:s12], [sflag:$0x8], $0x80, $0x38;
	[tilespmem:$0x19E00] =	vst v63  }
0x230: {  	s18 =	sadd.s32 $0x70, s8;
	s8 =	sadd.s32 $0x1000, s8;
	s12 =	smov.u32 s19  }
0x231: {  	[hbm4b:s18+s3] =	stream.linear.scatter [tilespmem:s16], [sflag:$0x8], $0x80, $0x38;
	[tilespmem:$0x19E00] =	vst v63  }
0x232: {  	s12 =	sadd.s32 $0x17C00, s6  }
0x233: {  	[hbm4b:s8+s3] =	stream.linear.scatter [tilespmem:s12], [sflag:$0x8], $0x80, $0x38;
	[tilespmem:$0x19E00] =	vst v63  }
0x234: {  	s23 =	sadd.s32 $0x17C88, s6;
	s15 =	sadd.s32 $0x10, s8  }
0x235: {  	[hbm4b:s15+s3] =	stream.linear.scatter [tilespmem:s23], [sflag:$0x8], $0x80, $0x38;
	[tilespmem:$0x19E00] =	vst v63  }
0x236: {  	s17 =	sadd.s32 $0x17D10, s6;
	s18 =	sadd.s32 $0x20, s8  }
0x237: {  	[hbm4b:s18+s3] =	stream.linear.scatter [tilespmem:s17], [sflag:$0x8], $0x80, $0x38;
	[tilespmem:$0x19E00] =	vst v63  }
0x238: {  	s19 =	sadd.s32 $0x17D98, s6;
	s21 =	sadd.s32 $0x30, s8  }
0x239: {  	[hbm4b:s21+s3] =	stream.linear.scatter [tilespmem:s19], [sflag:$0x8], $0x80, $0x38;
	[tilespmem:$0x19E00] =	vst v63  }
0x23a: {  	s23 =	sadd.s32 $0x17E20, s6;
	s15 =	sadd.s32 $0x40, s8  }
0x23b: {  	[hbm4b:s15+s3] =	stream.linear.scatter [tilespmem:s23], [sflag:$0x8], $0x80, $0x38;
	[tilespmem:$0x19E00] =	vst v63  }
0x23c: {  	s16 =	sadd.s32 $0x17EA8, s6;
	s17 =	sadd.s32 $0x50, s8  }
0x23d: {  	[hbm4b:s17+s3] =	stream.linear.scatter [tilespmem:s16], [sflag:$0x8], $0x80, $0x38;
	[tilespmem:$0x19E00] =	vst v63  }
0x23e: {  	s18 =	sadd.s32 $0x17F30, s6;
	s19 =	sadd.s32 $0x60, s8  }
0x23f: {  	[hbm4b:s19+s3] =	stream.linear.scatter [tilespmem:s18], [sflag:$0x8], $0x80, $0x38;
	[tilespmem:$0x19E00] =	vst v63  }
0x240: {  	s21 =	sadd.s32 $0x17FB8, s6;
	s23 =	sadd.s32 $0x70, s8;
	s16 =	simm.s32 $0x1  }
0x241: {  	[hbm4b:s23+s3] =	stream.linear.scatter [tilespmem:s21], [sflag:$0x8], $0x80, $0x38;
	[tilespmem:$0x19E00] =	vst v63  }
.LBB2_18:
0x242: {  	_ =	swait.ge [sflag:s24], $0x2000  }
0x243: {  	[sflag:s24] =	ssyncset.done $0x0  }
0x244: {  	[sflag:s24] =	ssyncadd.s32 $0xFFFFE000  }
0x245: {  	_ =	swait.ge [sflag:s20], $0x2000  }
0x246: {  	s6 =	sshll.u32 s16, $0x8;
	[sflag:s20] =	ssyncset.done $0x0  }
0x247: {  	s6 =	sand.u32 $0x3FFFFF00, s6;
	[sflag:s20] =	ssyncadd.s32 $0xFFFFE000  }
0x248: {  	s8 =	simm.s32 $0x9680;
	s12 =	simm.s32 $0x3;
	v9 =	vld [tilespmem:s6+$0x6400]  }
0x249: {  	v4 =	vmov s12;
	v7 =	vld [tilespmem:s8+$0x40]  }
0x24a: {  	v13 =	vand.u32 $0x7F, v4  }
0x24b: {  	s21 =	simm.s32 $0x0;
	v8 =	vadd.s32 v0, v13;
	v6 =	vld [tilespmem:s6+$0x6410]  }
0x24c: {  	s23 =	simm.s32 $0x1;
	s18 =	simm.s32 $0x2;
	v4 =	vmov s21;
	v10 =	vld [tilespmem:s8+$0xFFFFFF80]  }
0x24d: {  	v14 =	vmov s18;
	v12 =	vand.u32 $0x7C, v4;
	v4 =	vmov s23;
	v11 =	vld [tilespmem:s8+$0xFFFFFFC0]  }
0x24e: {  	v15 =	vadd.s32 v0, v12;
	v19 =	vand.u32 $0x7D, v4;
	v16 =	vld [tilespmem:s8+$0x0];
	v7 =	vadd.f32 v7, v9  }
0x24f: {  	v20 =	vand.u32 $0x7E, v14;
	v17 =	vadd.s32 v0, v19;
	v5 =	vld [tilespmem:s6+$0x6420]  }
0x250: {  	v14 =	vadd.s32 v0, v20;
	v4 =	vld [tilespmem:s6+$0x6430];
	[tilespmem:v8+s25+$0x0] =	vst.idx.msk $0xffff, v7  }
0x251: {  	v7 =	vadd.f32 v10, v9;
	v8 =	vld [tilespmem:s8+$0x50]  }
0x252: {  	v10 =	vadd.f32 v11, v9  }
0x253: {  	v11 =	vadd.s32 v1, v13;
	[tilespmem:v15+s25+$0x0] =	vst.idx.msk $0xffff, v7;
	v7 =	vadd.f32 v16, v9  }
0x254: {  	[tilespmem:v17+s25+$0x0] =	vst.idx.msk $0xffff, v10;
	v15 =	vld [tilespmem:s8+$0xFFFFFF90]  }
0x255: {  	v10 =	vld [tilespmem:s8+$0xFFFFFFD0];
	[tilespmem:v14+s25+$0x0] =	vst.idx.msk $0xffff, v7  }
0x256: {  	v14 =	vld [tilespmem:s8+$0x10];
	v7 =	vadd.f32 v8, v6  }
0x257: {  	s17 =	simm.s32 $0x7;
	s18 =	simm.s32 $0x9780;
	v16 =	vadd.s32 v1, v19  }
0x258: {  	s15 =	simm.s32 $0x4;
	v26 =	vadd.s32 v2, v13;
	v18 =	vld [tilespmem:s18+$0x40];
	v17 =	vadd.s32 v1, v20;
	[tilespmem:v11+s25+$0x0] =	vst.idx.msk $0xffff, v7;
	v7 =	vmov s17  }
0x259: {  	v21 =	vadd.s32 v1, v12;
	v8 =	vmov s15;
	v7 =	vand.u32 $0x7F, v7;
	v22 =	vld [tilespmem:s8+$0x60]  }
0x25a: {  	s19 =	simm.s32 $0x5;
	v23 =	vld [tilespmem:s18+$0xFFFFFF80];
	v8 =	vand.u32 $0x7C, v8;
	v10 =	vadd.f32 v10, v6;
	v24 =	vadd.s32 v0, v7  }
0x25b: {  	s21 =	simm.s32 $0x6;
	v25 =	vld [tilespmem:s18+$0xFFFFFFC0];
	v15 =	vadd.f32 v15, v6;
	v11 =	vadd.f32 v14, v6;
	v14 =	vmov s19  }
0x25c: {  	v27 =	vadd.s32 v0, v8;
	[tilespmem:v16+s25+$0x0] =	vst.idx.msk $0xffff, v10;
	v16 =	vmov s21;
	v10 =	vand.u32 $0x7D, v14;
	v14 =	vld [tilespmem:s18+$0x0]  }
0x25d: {  	[tilespmem:v17+s25+$0x0] =	vst.idx.msk $0xffff, v11;
	v17 =	vadd.s32 v0, v10;
	v11 =	vand.u32 $0x7E, v16;
	v16 =	vadd.f32 v18, v9;
	v18 =	vld [tilespmem:s8+$0xFFFFFFE0]  }
0x25e: {  	[tilespmem:v21+s25+$0x0] =	vst.idx.msk $0xffff, v15;
	v15 =	vadd.s32 v0, v11;
	v21 =	vld [tilespmem:s8+$0x20];
	v22 =	vadd.f32 v22, v5  }
0x25f: {  	v23 =	vadd.f32 v23, v9;
	[tilespmem:v24+s25+$0x0] =	vst.idx.msk $0xffff, v16;
	v16 =	vld [tilespmem:s8+$0xFFFFFFA0];
	v24 =	vadd.s32 v2, v19  }
0x260: {  	v29 =	vadd.s32 v2, v20;
	v25 =	vadd.f32 v25, v9;
	v28 =	vld [tilespmem:s18+$0x50];
	[tilespmem:v26+s25+$0x0] =	vst.idx.msk $0xffff, v22  }
0x261: {  	[tilespmem:v27+s25+$0x0] =	vst.idx.msk $0xffff, v23;
	v23 =	vadd.s32 v2, v12;
	v14 =	vadd.f32 v14, v9;
	v26 =	vld [tilespmem:s8+$0x70]  }
0x262: {  	v27 =	vld [tilespmem:s18+$0xFFFFFF90];
	[tilespmem:v17+s25+$0x0] =	vst.idx.msk $0xffff, v25;
	v25 =	vadd.s32 v1, v7;
	v18 =	vadd.f32 v18, v5  }
0x263: {  	v31 =	vadd.s32 v3, v13;
	v30 =	vld [tilespmem:s18+$0xFFFFFFD0];
	[tilespmem:v15+s25+$0x0] =	vst.idx.msk $0xffff, v14;
	v14 =	vadd.f32 v21, v5  }
0x264: {  	v22 =	vadd.s32 v1, v8;
	v17 =	vld [tilespmem:s18+$0x10];
	v13 =	vadd.f32 v16, v5;
	[tilespmem:v24+s25+$0x0] =	vst.idx.msk $0xffff, v18  }
0x265: {  	s6 =	simm.s32 $0x8;
	v21 =	vadd.s32 v1, v10;
	[tilespmem:v29+s25+$0x0] =	vst.idx.msk $0xffff, v14;
	v18 =	vadd.f32 v28, v6;
	v16 =	vld [tilespmem:s8+$0xFFFFFFF0]  }
0x266: {  	v24 =	vmov s6;
	v14 =	vadd.s32 v1, v11;
	v15 =	vld [tilespmem:s8+$0x30];
	[tilespmem:v23+s25+$0x0] =	vst.idx.msk $0xffff, v13;
	v63 =	vadd.f32 v26, v4  }
0x267: {  	s23 =	simm.s32 $0xB;
	s19 =	simm.s32 $0x9880;
	v19 =	vadd.s32 v3, v19;
	v13 =	vand.u32 $0x7C, v24;
	v24 =	vadd.f32 v27, v6;
	[tilespmem:v25+s25+$0x0] =	vst.idx.msk $0xffff, v18;
	v18 =	vld [tilespmem:s8+$0xFFFFFFB0]  }
0x268: {  	v20 =	vadd.s32 v3, v20;
	v26 =	vmov s23;
	v23 =	vld [tilespmem:s19+$0x40];
	s8 =	simm.s32 $0xC;
	v25 =	vadd.f32 v30, v6;
	[tilespmem:v31+s25+$0x0] =	vst.idx.msk $0xffff, v63  }
.LBB2_19:
0x269: {  	p0 =	slt.u32 s8, $0x7C;
	s12 =	sadd.s32 $0x1, s6;
	v26 =	vand.u32 $0x7F, v26;
	[tilespmem:v22+s25+$0x0] =	vst.idx.msk $0xffff, v24;
	v17 =	vadd.f32 v17, v6;
	v22 =	vld [tilespmem:s18+$0x60];
	v24 =	vadd.s32 v3, v12  }
0x26a: {  	v30 =	vmovc v11;
	v27 =	vld [tilespmem:s19+$0xFFFFFF80];
	v28 =	vmov s12;
	s12 =	sadd.s32 $0x2, s6;
	v29 =	vadd.s32 v0, v26;
	[tilespmem:v21+s25+$0x0] =	vst.idx.msk $0xffff, v25;
	v16 =	vadd.f32 v16, v4;
	s6 =	smov.u32 s8  }
0x26b: {  	v12 =	vmovc v8;
	v21 =	vld [tilespmem:s19+$0xFFFFFFC0];
	v11 =	vmov s12;
	[tilespmem:v14+s25+$0x0] =	vst.idx.msk $0xffff, v17;
	v14 =	vadd.s32 v2, v7;
	v15 =	vadd.f32 v15, v4  }
0x26c: {  	v17 =	vadd.s32 v0, v13;
	v28 =	vand.u32 $0x7D, v28;
	v25 =	vld [tilespmem:s19+$0x0];
	v31 =	vadd.f32 v18, v4;
	[tilespmem:v19+s25+$0x0] =	vst.idx.msk $0xffff, v16  }
0x26d: {  	v16 =	vadd.s32 v0, v28;
	v11 =	vand.u32 $0x7E, v11;
	v18 =	vadd.f32 v23, v9;
	v19 =	vld [tilespmem:s18+$0xFFFFFFE0];
	[tilespmem:v20+s25+$0x0] =	vst.idx.msk $0xffff, v15  }
0x26e: {  	v8 =	vmov v13;
	v15 =	vadd.s32 v0, v11;
	v20 =	vld [tilespmem:s18+$0x20];
	v22 =	vadd.f32 v22, v5;
	[tilespmem:v24+s25+$0x0] =	vst.idx.msk $0xffff, v31  }
0x26f: {  	v23 =	vadd.s32 v2, v10;
	v13 =	vadd.f32 v27, v9;
	[tilespmem:v29+s25+$0x0] =	vst.idx.msk $0xffff, v18;
	v18 =	vld [tilespmem:s18+$0xFFFFFFA0]  }
0x270: {  	v27 =	vadd.s32 v2, v30;
	v21 =	vadd.f32 v21, v9;
	v24 =	vld [tilespmem:s19+$0x50];
	[tilespmem:v14+s25+$0x0] =	vst.idx.msk $0xffff, v22  }
0x271: {  	[tilespmem:v17+s25+$0x0] =	vst.idx.msk $0xffff, v13;
	v13 =	vadd.f32 v25, v9;
	v25 =	vadd.s32 v2, v12;
	v29 =	vld [tilespmem:s18+$0x70]  }
0x272: {  	v32 =	vadd.s32 v1, v26;
	v31 =	vld [tilespmem:s19+$0xFFFFFF90];
	[tilespmem:v16+s25+$0x0] =	vst.idx.msk $0xffff, v21;
	v14 =	vadd.f32 v19, v5  }
0x273: {  	v34 =	vadd.s32 v3, v7;
	v7 =	vmov v26;
	v33 =	vld [tilespmem:s19+$0xFFFFFFD0];
	[tilespmem:v15+s25+$0x0] =	vst.idx.msk $0xffff, v13;
	v13 =	vadd.f32 v20, v5  }
.Ltmp8:
0x274: {  	v22 =	vadd.s32 v1, v8;
	v17 =	vld [tilespmem:s19+$0x10];
	v15 =	vadd.f32 v18, v5;
	[tilespmem:v23+s25+$0x0] =	vst.idx.msk $0xffff, v14;
	(pc) =	sbr.rel @p0 .LBB2_19-.Ltmp8, $4  }
0x275: {  	v21 =	vadd.s32 v1, v28;
	v18 =	vadd.f32 v24, v6;
	v16 =	vld [tilespmem:s18+$0xFFFFFFF0];
	[tilespmem:v27+s25+$0x0] =	vst.idx.msk $0xffff, v13  }
0x276: {  	v14 =	vadd.s32 v1, v11;
	v13 =	vmov s8;
	[tilespmem:v25+s25+$0x0] =	vst.idx.msk $0xffff, v15;
	v15 =	vld [tilespmem:s18+$0x30];
	v27 =	vadd.f32 v29, v4  }
0x277: {  	s12 =	sadd.s32 $0x3, s8;
	v19 =	vadd.s32 v3, v10;
	v13 =	vand.u32 $0x7C, v13;
	v24 =	vadd.f32 v31, v6;
	[tilespmem:v32+s25+$0x0] =	vst.idx.msk $0xffff, v18;
	v18 =	vld [tilespmem:s18+$0xFFFFFFB0];
	s18 =	smov.u32 s19;
	s19 =	sadd.s32 $0x100, s19  }
0x278: {  	v26 =	vmov s12;
	v10 =	vmovc v28;
	v20 =	vadd.s32 v3, v30;
	s8 =	sadd.s32 $0x4, s8;
	v23 =	vld [tilespmem:s19+$0x40];
	v25 =	vadd.f32 v33, v6;
	[tilespmem:v34+s25+$0x0] =	vst.idx.msk $0xffff, v27  }
0x279: {  	s8 =	sadd.s32 $0x1, s6  }
0x27a: {  	v26 =	vand.u32 $0x7F, v26;
	s17 =	sadd.s32 $0x2, s6;
	v28 =	vld [tilespmem:s19+$0xFFFFFFC0];
	v27 =	vmov s8  }
0x27b: {  	v31 =	vld [tilespmem:s19+$0x0];
	v29 =	vadd.s32 v0, v26;
	v30 =	vmov s17;
	v27 =	vand.u32 $0x7D, v27  }
0x27c: {  	v32 =	vld [tilespmem:s19+$0xFFFFFF80];
	v30 =	vand.u32 $0x7E, v30;
	v33 =	vadd.s32 v0, v27  }
0x27d: {  	v34 =	vadd.s32 v0, v30  }
0x27e: {  	[tilespmem:v22+s25+$0x0] =	vst.idx.msk $0xffff, v24;
	v44 =	vadd.s32 v0, v13;
	v23 =	vadd.f32 v23, v9  }
0x27f: {  	[tilespmem:v21+s25+$0x0] =	vst.idx.msk $0xffff, v25;
	v45 =	vadd.f32 v28, v9  }
0x280: {  	v46 =	vadd.f32 v31, v9;
	[tilespmem:v29+s25+$0x0] =	vst.idx.msk $0xffff, v23  }
0x281: {  	v47 =	vadd.f32 v32, v9;
	v48 =	vld [tilespmem:s19+$0x50];
	[tilespmem:v33+s25+$0x0] =	vst.idx.msk $0xffff, v45  }
0x282: {  	v17 =	vadd.f32 v17, v6;
	v12 =	vadd.s32 v3, v12;
	[tilespmem:v34+s25+$0x0] =	vst.idx.msk $0xffff, v46;
	v21 =	vld [tilespmem:s19+$0xFFFFFFD0]  }
0x283: {  	v16 =	vadd.f32 v16, v4;
	v49 =	vadd.s32 v1, v26;
	[tilespmem:v44+s25+$0x0] =	vst.idx.msk $0xffff, v47;
	v50 =	vld [tilespmem:s19+$0x10]  }
0x284: {  	[tilespmem:v14+s25+$0x0] =	vst.idx.msk $0xffff, v17;
	v51 =	vadd.f32 v15, v4;
	v53 =	vadd.s32 v1, v27;
	v52 =	vld [tilespmem:s19+$0xFFFFFF90]  }
0x285: {  	v54 =	vld [tilespmem:s18+$0x60];
	v18 =	vadd.f32 v18, v4;
	[tilespmem:v19+s25+$0x0] =	vst.idx.msk $0xffff, v16;
	v55 =	vadd.s32 v1, v30  }
0x286: {  	v57 =	vadd.s32 v1, v13;
	v60 =	vld [tilespmem:s18+$0x20];
	[tilespmem:v20+s25+$0x0] =	vst.idx.msk $0xffff, v51;
	v58 =	vadd.f32 v48, v6  }
0x287: {  	v59 =	vadd.s32 v2, v7;
	v56 =	vld [tilespmem:s18+$0xFFFFFFE0];
	[tilespmem:v12+s25+$0x0] =	vst.idx.msk $0xffff, v18;
	v61 =	vadd.f32 v21, v6  }
0x288: {  	v62 =	vld [tilespmem:s18+$0xFFFFFFA0];
	v29 =	vadd.s32 v2, v11;
	[tilespmem:v49+s25+$0x0] =	vst.idx.msk $0xffff, v58;
	v28 =	vadd.f32 v50, v6  }
0x289: {  	v63 =	vadd.s32 v2, v10;
	v31 =	vadd.f32 v52, v6;
	v32 =	vld [tilespmem:s19+$0x60];
	[tilespmem:v53+s25+$0x0] =	vst.idx.msk $0xffff, v61  }
0x28a: {  	v33 =	vadd.f32 v54, v5;
	v34 =	vadd.s32 v2, v8;
	[tilespmem:v55+s25+$0x0] =	vst.idx.msk $0xffff, v28;
	v35 =	vld [tilespmem:s19+$0xFFFFFFE0]  }
0x28b: {  	v37 =	vadd.s32 v2, v26;
	v39 =	vadd.f32 v60, v5;
	[tilespmem:v57+s25+$0x0] =	vst.idx.msk $0xffff, v31;
	v38 =	vld [tilespmem:s19+$0x20]  }
0x28c: {  	v41 =	vadd.s32 v2, v27;
	v36 =	vadd.f32 v56, v5;
	[tilespmem:v59+s25+$0x0] =	vst.idx.msk $0xffff, v33;
	v40 =	vld [tilespmem:s19+$0xFFFFFFA0]  }
0x28d: {  	v43 =	vadd.s32 v2, v30;
	v18 =	vadd.f32 v62, v5;
	v42 =	vld [tilespmem:s18+$0x70];
	[tilespmem:v29+s25+$0x0] =	vst.idx.msk $0xffff, v39  }
0x28e: {  	v45 =	vadd.s32 v2, v13;
	[tilespmem:v63+s25+$0x0] =	vst.idx.msk $0xffff, v36;
	v47 =	vld [tilespmem:s18+$0x30];
	v44 =	vadd.f32 v32, v5  }
0x28f: {  	v46 =	vadd.s32 v3, v7;
	[tilespmem:v34+s25+$0x0] =	vst.idx.msk $0xffff, v18;
	v21 =	vld [tilespmem:s18+$0xFFFFFFF0];
	v9 =	vadd.f32 v35, v5  }
0x290: {  	v18 =	vld [tilespmem:s18+$0xFFFFFFB0];
	v50 =	vadd.s32 v3, v11;
	[tilespmem:v37+s25+$0x0] =	vst.idx.msk $0xffff, v44;
	v49 =	vadd.f32 v38, v5  }
0x291: {  	v48 =	vadd.s32 v3, v10;
	v5 =	vadd.f32 v40, v5;
	v12 =	vld [tilespmem:s19+$0x70];
	[tilespmem:v41+s25+$0x0] =	vst.idx.msk $0xffff, v9  }
0x292: {  	v52 =	vadd.s32 v3, v8;
	v51 =	vadd.f32 v42, v4;
	[tilespmem:v43+s25+$0x0] =	vst.idx.msk $0xffff, v49;
	v53 =	vld [tilespmem:s19+$0xFFFFFFF0]  }
0x293: {  	v55 =	vadd.s32 v3, v26;
	v56 =	vadd.f32 v47, v4;
	[tilespmem:v45+s25+$0x0] =	vst.idx.msk $0xffff, v5;
	v5 =	vld [tilespmem:s19+$0x30]  }
0x294: {  	v58 =	vadd.s32 v3, v27;
	[tilespmem:v46+s25+$0x0] =	vst.idx.msk $0xffff, v51;
	v54 =	vadd.f32 v21, v4;
	v57 =	vld [tilespmem:s19+$0xFFFFFFB0]  }
0x295: {  	v60 =	vadd.s32 v3, v30;
	v59 =	vadd.f32 v18, v4;
	[tilespmem:v50+s25+$0x0] =	vst.idx.msk $0xffff, v56  }
0x296: {  	v62 =	vadd.s32 v3, v13;
	[tilespmem:v48+s25+$0x0] =	vst.idx.msk $0xffff, v54;
	v61 =	vadd.f32 v12, v4  }
0x297: {  	[tilespmem:v52+s25+$0x0] =	vst.idx.msk $0xffff, v59;
	v63 =	vadd.f32 v53, v4  }
0x298: {  	p0 =	seq.s32 s16, $0x31;
	[tilespmem:v55+s25+$0x0] =	vst.idx.msk $0xffff, v61;
	v5 =	vadd.f32 v5, v4  }
0x299: {  	s18 =	sshll.u32 @!p0 s16, $0x9;
	v4 =	vadd.f32 v57, v4;
	[tilespmem:v58+s25+$0x0] =	vst.idx.msk $0xffff, v63  }
0x29a: {  	s21 =	sshll.u32 s16, $0x14;
	s6 =	sadd.s32 @!p0 $0x200, s18;
	[tilespmem:v60+s25+$0x0] =	vst.idx.msk $0xffff, v5  }
0x29b: {  	s8 =	simm.s32 @!p0 $0x80;
	s12 =	simm.s32 @!p0 $0x9600;
	s6 =	sand.u32 @!p0 $0xFE00, s6;
	[tilespmem:v62+s25+$0x0] =	vst.idx.msk $0xffff, v4  }
0x29c: {  	[tilespmem:s12], [sflag:$0x1] =	stream.indirect.gather @!p0 [hbm4b:s5+s8], $0x40, s6, s8, $0xb8;
	[tilespmem:$0x19E00] =	vst v63  }
0x29d: {  	s6 =	sor.u32 s4, s21  }
0x29e: {  	s6 =	sshrl.u32 s6, $0x3  }
0x29f: {  	s23 =	simm.s32 $0x11600;
	s8 =	sadd.s32 s2, s6  }
0x2a0: {  	[hbm4b:s8+s3] =	stream.linear.scatter [tilespmem:s23], [sflag:$0x5], $0x80, $0x38;
	[tilespmem:$0x19E00] =	vst v63  }
0x2a1: {  	s12 =	simm.s32 $0x11688;
	s15 =	sadd.s32 $0x10, s8  }
0x2a2: {  	[hbm4b:s15+s3] =	stream.linear.scatter [tilespmem:s12], [sflag:$0x5], $0x80, $0x38;
	[tilespmem:$0x19E00] =	vst v63  }
0x2a3: {  	s17 =	simm.s32 $0x11710;
	s19 =	sadd.s32 $0x20, s8  }
0x2a4: {  	[hbm4b:s19+s3] =	stream.linear.scatter [tilespmem:s17], [sflag:$0x5], $0x80, $0x38;
	[tilespmem:$0x19E00] =	vst v63  }
0x2a5: {  	s21 =	simm.s32 $0x11798;
	s23 =	sadd.s32 $0x30, s8  }
0x2a6: {  	[hbm4b:s23+s3] =	stream.linear.scatter [tilespmem:s21], [sflag:$0x5], $0x80, $0x38;
	[tilespmem:$0x19E00] =	vst v63  }
0x2a7: {  	s6 =	simm.s32 $0x440;
	s12 =	simm.s32 $0x11820;
	s15 =	sadd.s32 $0x40, s8  }
0x2a8: {  	[hbm4b:s15+s3] =	stream.linear.scatter [tilespmem:s12], [sflag:$0x5], $0x80, $0x38;
	[tilespmem:$0x19E00] =	vst v63  }
0x2a9: {  	s17 =	simm.s32 $0x118A8;
	s19 =	sadd.s32 $0x50, s8;
	s21 =	simm.s32 $0x11930  }
0x2aa: {  	[hbm4b:s19+s3] =	stream.linear.scatter [tilespmem:s17], [sflag:$0x5], $0x80, $0x38;
	[tilespmem:$0x19E00] =	vst v63  }
0x2ab: {  	s23 =	sadd.s32 $0x60, s8;
	s12 =	simm.s32 $0x2200;
	s19 =	sshll.u32 s16, $0x2  }
0x2ac: {  	[hbm4b:s23+s3] =	stream.linear.scatter [tilespmem:s21], [sflag:$0x5], $0x80, $0x38;
	[tilespmem:$0x19E00] =	vst v63  }
0x2ad: {  	s21 =	simm.s32 $0x119B8;
	s23 =	sadd.s32 $0x70, s8;
	s8 =	sadd.s32 $0x1000, s8  }
.LBB2_21:
0x2ae: {  	[hbm4b:s23+s3] =	stream.linear.scatter [tilespmem:s21], [sflag:$0x5], $0x80, $0x38;
	[tilespmem:$0x19E00] =	vst v63  }
0x2af: {  	s21 =	smov.u32 s6;
	s6 =	smov.u32 s12  }
0x2b0: {  	s15 =	sadd.s32 $0x1100, s12;
	s6 =	sshra.s32 s6, $0x2;
	s23 =	sadd.s32 $0x11600, s21  }
0x2b1: {  	[hbm4b:s8+s3] =	stream.linear.scatter [tilespmem:s23], [sflag:$0x5], $0x80, $0x38;
	[tilespmem:$0x19E00] =	vst v63  }
0x2b2: {  	p1 =	sne.s32 s12, $0x7700;
	s12 =	sadd.s32 $0x11688, s21;
	s23 =	sadd.s32 $0x10, s8  }
0x2b3: {  	[hbm4b:s23+s3] =	stream.linear.scatter [tilespmem:s12], [sflag:$0x5], $0x80, $0x38;
	[tilespmem:$0x19E00] =	vst v63  }
0x2b4: {  	s12 =	sadd.s32 $0x11710, s21;
	s23 =	sadd.s32 $0x20, s8  }
0x2b5: {  	[hbm4b:s23+s3] =	stream.linear.scatter [tilespmem:s12], [sflag:$0x5], $0x80, $0x38;
	[tilespmem:$0x19E00] =	vst v63  }
0x2b6: {  	s12 =	sadd.s32 $0x11798, s21;
	s23 =	sadd.s32 $0x30, s8  }
0x2b7: {  	[hbm4b:s23+s3] =	stream.linear.scatter [tilespmem:s12], [sflag:$0x5], $0x80, $0x38;
	[tilespmem:$0x19E00] =	vst v63  }
0x2b8: {  	s12 =	sadd.s32 $0x11820, s21;
	s23 =	sadd.s32 $0x40, s8  }
0x2b9: {  	[hbm4b:s23+s3] =	stream.linear.scatter [tilespmem:s12], [sflag:$0x5], $0x80, $0x38;
	[tilespmem:$0x19E00] =	vst v63  }
.Ltmp9:
0x2ba: {  	s12 =	sadd.s32 $0x118A8, s21;
	s23 =	sadd.s32 $0x50, s8;
	(pc) =	sbr.rel @p1 .LBB2_21-.Ltmp9, $4  }
0x2bb: {  	[hbm4b:s23+s3] =	stream.linear.scatter [tilespmem:s12], [sflag:$0x5], $0x80, $0x38;
	[tilespmem:$0x19E00] =	vst v63  }
0x2bc: {  	s12 =	sadd.s32 $0x11930, s21;
	s23 =	sadd.s32 $0x60, s8;
	s21 =	sadd.s32 $0x119B8, s21  }
0x2bd: {  	[hbm4b:s23+s3] =	stream.linear.scatter [tilespmem:s12], [sflag:$0x5], $0x80, $0x38;
	[tilespmem:$0x19E00] =	vst v63  }
0x2be: {  	s23 =	sadd.s32 $0x70, s8;
	s8 =	sadd.s32 $0x1000, s8;
	s12 =	smov.u32 s15  }
0x2bf: {  	[hbm4b:s23+s3] =	stream.linear.scatter [tilespmem:s21], [sflag:$0x5], $0x80, $0x38;
	[tilespmem:$0x19E00] =	vst v63  }
0x2c0: {  	s12 =	sadd.s32 $0x11600, s6  }
0x2c1: {  	[hbm4b:s8+s3] =	stream.linear.scatter [tilespmem:s12], [sflag:$0x5], $0x80, $0x38;
	[tilespmem:$0x19E00] =	vst v63  }
0x2c2: {  	s17 =	sadd.s32 $0x11688, s6;
	s15 =	sadd.s32 $0x10, s8  }
0x2c3: {  	[hbm4b:s15+s3] =	stream.linear.scatter [tilespmem:s17], [sflag:$0x5], $0x80, $0x38;
	[tilespmem:$0x19E00] =	vst v63  }
0x2c4: {  	s21 =	sadd.s32 $0x11710, s6;
	s23 =	sadd.s32 $0x20, s8  }
0x2c5: {  	[hbm4b:s23+s3] =	stream.linear.scatter [tilespmem:s21], [sflag:$0x5], $0x80, $0x38;
	[tilespmem:$0x19E00] =	vst v63  }
0x2c6: {  	s15 =	sadd.s32 $0x11798, s6;
	s17 =	sadd.s32 $0x30, s8  }
0x2c7: {  	[hbm4b:s17+s3] =	stream.linear.scatter [tilespmem:s15], [sflag:$0x5], $0x80, $0x38;
	[tilespmem:$0x19E00] =	vst v63  }
0x2c8: {  	s21 =	sadd.s32 $0x11820, s6;
	s23 =	sadd.s32 $0x40, s8  }
0x2c9: {  	[hbm4b:s23+s3] =	stream.linear.scatter [tilespmem:s21], [sflag:$0x5], $0x80, $0x38;
	[tilespmem:$0x19E00] =	vst v63  }
0x2ca: {  	s15 =	sadd.s32 $0x118A8, s6;
	s17 =	sadd.s32 $0x50, s8  }
0x2cb: {  	[hbm4b:s17+s3] =	stream.linear.scatter [tilespmem:s15], [sflag:$0x5], $0x80, $0x38;
	[tilespmem:$0x19E00] =	vst v63  }
0x2cc: {  	s21 =	sadd.s32 $0x11930, s6;
	s23 =	sadd.s32 $0x60, s8  }
0x2cd: {  	[hbm4b:s23+s3] =	stream.linear.scatter [tilespmem:s21], [sflag:$0x5], $0x80, $0x38;
	[tilespmem:$0x19E00] =	vst v63  }
0x2ce: {  	s12 =	sadd.s32 $0x119B8, s6;
	s15 =	sadd.s32 $0x70, s8  }
0x2cf: {  	[hbm4b:s15+s3] =	stream.linear.scatter [tilespmem:s12], [sflag:$0x5], $0x80, $0x38;
	[tilespmem:$0x19E00] =	vst v63  }
0x2d0: {  	_ =	swait.ge [sflag:s28], $0x2000  }
0x2d1: {  	[sflag:s28] =	ssyncset.done $0x0  }
0x2d2: {  	[sflag:s28] =	ssyncadd.s32 $0xFFFFE000  }
0x2d3: {  	s21 =	sor.u32 $0x1, s19;
	_ =	swait.ge [sflag:s22], $0x2000  }
0x2d4: {  	s17 =	sshll.u32 s21, $0x6;
	[sflag:s22] =	ssyncset.done $0x0  }
0x2d5: {  	s6 =	sand.u32 $0x3FFFFFC0, s17;
	[sflag:s22] =	ssyncadd.s32 $0xFFFFE000  }
0x2d6: {  	s23 =	simm.s32 $0x3;
	s12 =	simm.s32 $0xB680;
	v9 =	vld [tilespmem:s6+$0x6400]  }
0x2d7: {  	v4 =	vmov s23;
	v7 =	vld [tilespmem:s12+$0x40]  }
0x2d8: {  	v13 =	vand.u32 $0x7F, v4  }
0x2d9: {  	s15 =	simm.s32 $0x0;
	v8 =	vadd.s32 v0, v13;
	v6 =	vld [tilespmem:s6+$0x6410]  }
0x2da: {  	s23 =	simm.s32 $0x2;
	s17 =	simm.s32 $0x1;
	v4 =	vmov s15;
	v10 =	vld [tilespmem:s12+$0xFFFFFF80]  }
0x2db: {  	v14 =	vmov s23;
	v12 =	vand.u32 $0x7C, v4;
	v4 =	vmov s17;
	v11 =	vld [tilespmem:s12+$0xFFFFFFC0]  }
0x2dc: {  	v15 =	vadd.s32 v0, v12;
	v19 =	vand.u32 $0x7D, v4;
	v16 =	vld [tilespmem:s12+$0x0];
	v7 =	vadd.f32 v7, v9  }
0x2dd: {  	v20 =	vand.u32 $0x7E, v14;
	v17 =	vadd.s32 v0, v19;
	v5 =	vld [tilespmem:s6+$0x6420]  }
0x2de: {  	v14 =	vadd.s32 v0, v20;
	v4 =	vld [tilespmem:s6+$0x6430];
	[tilespmem:v8+s29+$0x0] =	vst.idx.msk $0xffff, v7  }
0x2df: {  	v7 =	vadd.f32 v10, v9;
	v8 =	vld [tilespmem:s12+$0x50]  }
0x2e0: {  	v10 =	vadd.f32 v11, v9  }
0x2e1: {  	v11 =	vadd.s32 v1, v13;
	[tilespmem:v15+s29+$0x0] =	vst.idx.msk $0xffff, v7;
	v7 =	vadd.f32 v16, v9  }
0x2e2: {  	[tilespmem:v17+s29+$0x0] =	vst.idx.msk $0xffff, v10;
	v15 =	vld [tilespmem:s12+$0xFFFFFF90]  }
0x2e3: {  	v10 =	vld [tilespmem:s12+$0xFFFFFFD0];
	[tilespmem:v14+s29+$0x0] =	vst.idx.msk $0xffff, v7  }
0x2e4: {  	v14 =	vld [tilespmem:s12+$0x10];
	v7 =	vadd.f32 v8, v6  }
0x2e5: {  	s23 =	simm.s32 $0xB780;
	s17 =	simm.s32 $0x7;
	v16 =	vadd.s32 v1, v19  }
0x2e6: {  	s15 =	simm.s32 $0x4;
	v26 =	vadd.s32 v2, v13;
	v18 =	vld [tilespmem:s23+$0x40];
	v17 =	vadd.s32 v1, v20;
	[tilespmem:v11+s29+$0x0] =	vst.idx.msk $0xffff, v7;
	v7 =	vmov s17  }
0x2e7: {  	v21 =	vadd.s32 v1, v12;
	v8 =	vmov s15;
	v7 =	vand.u32 $0x7F, v7;
	v22 =	vld [tilespmem:s12+$0x60]  }
0x2e8: {  	s8 =	simm.s32 $0x5;
	v23 =	vld [tilespmem:s23+$0xFFFFFF80];
	v8 =	vand.u32 $0x7C, v8;
	v10 =	vadd.f32 v10, v6;
	v24 =	vadd.s32 v0, v7  }
0x2e9: {  	v25 =	vld [tilespmem:s23+$0xFFFFFFC0];
	s15 =	simm.s32 $0x6;
	v15 =	vadd.f32 v15, v6;
	v11 =	vadd.f32 v14, v6;
	v14 =	vmov s8  }
0x2ea: {  	v27 =	vadd.s32 v0, v8;
	[tilespmem:v16+s29+$0x0] =	vst.idx.msk $0xffff, v10;
	v16 =	vmov s15;
	v10 =	vand.u32 $0x7D, v14;
	v14 =	vld [tilespmem:s23+$0x0]  }
0x2eb: {  	[tilespmem:v17+s29+$0x0] =	vst.idx.msk $0xffff, v11;
	v17 =	vadd.s32 v0, v10;
	v11 =	vand.u32 $0x7E, v16;
	v16 =	vadd.f32 v18, v9;
	v18 =	vld [tilespmem:s12+$0xFFFFFFE0]  }
0x2ec: {  	[tilespmem:v21+s29+$0x0] =	vst.idx.msk $0xffff, v15;
	v15 =	vadd.s32 v0, v11;
	v21 =	vld [tilespmem:s12+$0x20];
	v22 =	vadd.f32 v22, v5  }
0x2ed: {  	v23 =	vadd.f32 v23, v9;
	[tilespmem:v24+s29+$0x0] =	vst.idx.msk $0xffff, v16;
	v16 =	vld [tilespmem:s12+$0xFFFFFFA0];
	v24 =	vadd.s32 v2, v19  }
0x2ee: {  	v29 =	vadd.s32 v2, v20;
	v25 =	vadd.f32 v25, v9;
	v28 =	vld [tilespmem:s23+$0x50];
	[tilespmem:v26+s29+$0x0] =	vst.idx.msk $0xffff, v22  }
0x2ef: {  	[tilespmem:v27+s29+$0x0] =	vst.idx.msk $0xffff, v23;
	v23 =	vadd.s32 v2, v12;
	v14 =	vadd.f32 v14, v9;
	v26 =	vld [tilespmem:s12+$0x70]  }
0x2f0: {  	v27 =	vld [tilespmem:s23+$0xFFFFFF90];
	[tilespmem:v17+s29+$0x0] =	vst.idx.msk $0xffff, v25;
	v25 =	vadd.s32 v1, v7;
	v18 =	vadd.f32 v18, v5  }
0x2f1: {  	v31 =	vadd.s32 v3, v13;
	v30 =	vld [tilespmem:s23+$0xFFFFFFD0];
	[tilespmem:v15+s29+$0x0] =	vst.idx.msk $0xffff, v14;
	v14 =	vadd.f32 v21, v5  }
0x2f2: {  	v22 =	vadd.s32 v1, v8;
	v17 =	vld [tilespmem:s23+$0x10];
	v13 =	vadd.f32 v16, v5;
	[tilespmem:v24+s29+$0x0] =	vst.idx.msk $0xffff, v18  }
0x2f3: {  	s8 =	simm.s32 $0x8;
	v21 =	vadd.s32 v1, v10;
	[tilespmem:v29+s29+$0x0] =	vst.idx.msk $0xffff, v14;
	v18 =	vadd.f32 v28, v6;
	v16 =	vld [tilespmem:s12+$0xFFFFFFF0]  }
0x2f4: {  	v24 =	vmov s8;
	v14 =	vadd.s32 v1, v11;
	v15 =	vld [tilespmem:s12+$0x30];
	[tilespmem:v23+s29+$0x0] =	vst.idx.msk $0xffff, v13;
	v63 =	vadd.f32 v26, v4  }
0x2f5: {  	s6 =	simm.s32 $0xB880;
	s17 =	simm.s32 $0xB;
	v19 =	vadd.s32 v3, v19;
	v13 =	vand.u32 $0x7C, v24;
	v24 =	vadd.f32 v27, v6;
	[tilespmem:v25+s29+$0x0] =	vst.idx.msk $0xffff, v18;
	v18 =	vld [tilespmem:s12+$0xFFFFFFB0]  }
0x2f6: {  	v20 =	vadd.s32 v3, v20;
	v26 =	vmov s17;
	v23 =	vld [tilespmem:s6+$0x40];
	s12 =	simm.s32 $0xC;
	v25 =	vadd.f32 v30, v6;
	[tilespmem:v31+s29+$0x0] =	vst.idx.msk $0xffff, v63  }
.LBB2_23:
0x2f7: {  	p1 =	slt.u32 s12, $0x7C;
	s15 =	sadd.s32 $0x1, s8;
	v26 =	vand.u32 $0x7F, v26;
	[tilespmem:v22+s29+$0x0] =	vst.idx.msk $0xffff, v24;
	v17 =	vadd.f32 v17, v6;
	v22 =	vld [tilespmem:s23+$0x60];
	v24 =	vadd.s32 v3, v12  }
0x2f8: {  	v30 =	vmovc v11;
	v27 =	vld [tilespmem:s6+$0xFFFFFF80];
	v28 =	vmov s15;
	s15 =	sadd.s32 $0x2, s8;
	v29 =	vadd.s32 v0, v26;
	[tilespmem:v21+s29+$0x0] =	vst.idx.msk $0xffff, v25;
	v16 =	vadd.f32 v16, v4;
	s8 =	smov.u32 s12  }
0x2f9: {  	v12 =	vmovc v8;
	v21 =	vld [tilespmem:s6+$0xFFFFFFC0];
	v11 =	vmov s15;
	[tilespmem:v14+s29+$0x0] =	vst.idx.msk $0xffff, v17;
	v14 =	vadd.s32 v2, v7;
	v15 =	vadd.f32 v15, v4  }
0x2fa: {  	v17 =	vadd.s32 v0, v13;
	v28 =	vand.u32 $0x7D, v28;
	v25 =	vld [tilespmem:s6+$0x0];
	v31 =	vadd.f32 v18, v4;
	[tilespmem:v19+s29+$0x0] =	vst.idx.msk $0xffff, v16  }
0x2fb: {  	v16 =	vadd.s32 v0, v28;
	v11 =	vand.u32 $0x7E, v11;
	v18 =	vadd.f32 v23, v9;
	v19 =	vld [tilespmem:s23+$0xFFFFFFE0];
	[tilespmem:v20+s29+$0x0] =	vst.idx.msk $0xffff, v15  }
0x2fc: {  	v8 =	vmov v13;
	v15 =	vadd.s32 v0, v11;
	v20 =	vld [tilespmem:s23+$0x20];
	v22 =	vadd.f32 v22, v5;
	[tilespmem:v24+s29+$0x0] =	vst.idx.msk $0xffff, v31  }
0x2fd: {  	v23 =	vadd.s32 v2, v10;
	v13 =	vadd.f32 v27, v9;
	[tilespmem:v29+s29+$0x0] =	vst.idx.msk $0xffff, v18;
	v18 =	vld [tilespmem:s23+$0xFFFFFFA0]  }
0x2fe: {  	v27 =	vadd.s32 v2, v30;
	v21 =	vadd.f32 v21, v9;
	v24 =	vld [tilespmem:s6+$0x50];
	[tilespmem:v14+s29+$0x0] =	vst.idx.msk $0xffff, v22  }
0x2ff: {  	[tilespmem:v17+s29+$0x0] =	vst.idx.msk $0xffff, v13;
	v13 =	vadd.f32 v25, v9;
	v25 =	vadd.s32 v2, v12;
	v29 =	vld [tilespmem:s23+$0x70]  }
0x300: {  	v32 =	vadd.s32 v1, v26;
	v31 =	vld [tilespmem:s6+$0xFFFFFF90];
	[tilespmem:v16+s29+$0x0] =	vst.idx.msk $0xffff, v21;
	v14 =	vadd.f32 v19, v5  }
0x301: {  	v34 =	vadd.s32 v3, v7;
	v7 =	vmov v26;
	v33 =	vld [tilespmem:s6+$0xFFFFFFD0];
	[tilespmem:v15+s29+$0x0] =	vst.idx.msk $0xffff, v13;
	v13 =	vadd.f32 v20, v5  }
.Ltmp10:
0x302: {  	v22 =	vadd.s32 v1, v8;
	v17 =	vld [tilespmem:s6+$0x10];
	v15 =	vadd.f32 v18, v5;
	[tilespmem:v23+s29+$0x0] =	vst.idx.msk $0xffff, v14;
	(pc) =	sbr.rel @p1 .LBB2_23-.Ltmp10, $4  }
0x303: {  	v21 =	vadd.s32 v1, v28;
	v18 =	vadd.f32 v24, v6;
	v16 =	vld [tilespmem:s23+$0xFFFFFFF0];
	[tilespmem:v27+s29+$0x0] =	vst.idx.msk $0xffff, v13  }
0x304: {  	v14 =	vadd.s32 v1, v11;
	v13 =	vmov s12;
	[tilespmem:v25+s29+$0x0] =	vst.idx.msk $0xffff, v15;
	v15 =	vld [tilespmem:s23+$0x30];
	v27 =	vadd.f32 v29, v4  }
0x305: {  	s15 =	sadd.s32 $0x3, s12;
	v19 =	vadd.s32 v3, v10;
	v13 =	vand.u32 $0x7C, v13;
	v24 =	vadd.f32 v31, v6;
	[tilespmem:v32+s29+$0x0] =	vst.idx.msk $0xffff, v18;
	v18 =	vld [tilespmem:s23+$0xFFFFFFB0];
	s23 =	smov.u32 s6;
	s6 =	sadd.s32 $0x100, s6  }
0x306: {  	v26 =	vmov s15;
	v10 =	vmovc v28;
	v20 =	vadd.s32 v3, v30;
	s12 =	sadd.s32 $0x4, s12;
	v23 =	vld [tilespmem:s6+$0x40];
	v25 =	vadd.f32 v33, v6;
	[tilespmem:v34+s29+$0x0] =	vst.idx.msk $0xffff, v27  }
0x307: {  	s12 =	sadd.s32 $0x1, s8  }
0x308: {  	v26 =	vand.u32 $0x7F, v26;
	s17 =	sadd.s32 $0x2, s8;
	v28 =	vld [tilespmem:s6+$0xFFFFFFC0];
	v27 =	vmov s12  }
0x309: {  	v31 =	vld [tilespmem:s6+$0x0];
	v29 =	vadd.s32 v0, v26;
	v30 =	vmov s17;
	v27 =	vand.u32 $0x7D, v27  }
0x30a: {  	v32 =	vld [tilespmem:s6+$0xFFFFFF80];
	v30 =	vand.u32 $0x7E, v30;
	v33 =	vadd.s32 v0, v27  }
0x30b: {  	v34 =	vadd.s32 v0, v30  }
0x30c: {  	[tilespmem:v22+s29+$0x0] =	vst.idx.msk $0xffff, v24;
	v44 =	vadd.s32 v0, v13;
	v23 =	vadd.f32 v23, v9  }
0x30d: {  	[tilespmem:v21+s29+$0x0] =	vst.idx.msk $0xffff, v25;
	v45 =	vadd.f32 v28, v9  }
0x30e: {  	v46 =	vadd.f32 v31, v9;
	[tilespmem:v29+s29+$0x0] =	vst.idx.msk $0xffff, v23  }
0x30f: {  	v47 =	vadd.f32 v32, v9;
	v48 =	vld [tilespmem:s6+$0x50];
	[tilespmem:v33+s29+$0x0] =	vst.idx.msk $0xffff, v45  }
0x310: {  	v17 =	vadd.f32 v17, v6;
	v12 =	vadd.s32 v3, v12;
	[tilespmem:v34+s29+$0x0] =	vst.idx.msk $0xffff, v46;
	v21 =	vld [tilespmem:s6+$0xFFFFFFD0]  }
0x311: {  	v16 =	vadd.f32 v16, v4;
	v49 =	vadd.s32 v1, v26;
	[tilespmem:v44+s29+$0x0] =	vst.idx.msk $0xffff, v47;
	v50 =	vld [tilespmem:s6+$0x10]  }
0x312: {  	[tilespmem:v14+s29+$0x0] =	vst.idx.msk $0xffff, v17;
	v51 =	vadd.f32 v15, v4;
	v53 =	vadd.s32 v1, v27;
	v52 =	vld [tilespmem:s6+$0xFFFFFF90]  }
0x313: {  	v54 =	vld [tilespmem:s23+$0x60];
	v18 =	vadd.f32 v18, v4;
	[tilespmem:v19+s29+$0x0] =	vst.idx.msk $0xffff, v16;
	v55 =	vadd.s32 v1, v30  }
0x314: {  	v57 =	vadd.s32 v1, v13;
	v60 =	vld [tilespmem:s23+$0x20];
	[tilespmem:v20+s29+$0x0] =	vst.idx.msk $0xffff, v51;
	v58 =	vadd.f32 v48, v6  }
0x315: {  	v59 =	vadd.s32 v2, v7;
	v56 =	vld [tilespmem:s23+$0xFFFFFFE0];
	[tilespmem:v12+s29+$0x0] =	vst.idx.msk $0xffff, v18;
	v61 =	vadd.f32 v21, v6  }
0x316: {  	v62 =	vld [tilespmem:s23+$0xFFFFFFA0];
	v29 =	vadd.s32 v2, v11;
	[tilespmem:v49+s29+$0x0] =	vst.idx.msk $0xffff, v58;
	v28 =	vadd.f32 v50, v6  }
0x317: {  	v63 =	vadd.s32 v2, v10;
	v31 =	vadd.f32 v52, v6;
	v32 =	vld [tilespmem:s6+$0x60];
	[tilespmem:v53+s29+$0x0] =	vst.idx.msk $0xffff, v61  }
0x318: {  	v33 =	vadd.f32 v54, v5;
	v34 =	vadd.s32 v2, v8;
	[tilespmem:v55+s29+$0x0] =	vst.idx.msk $0xffff, v28;
	v35 =	vld [tilespmem:s6+$0xFFFFFFE0]  }
0x319: {  	v37 =	vadd.s32 v2, v26;
	v39 =	vadd.f32 v60, v5;
	[tilespmem:v57+s29+$0x0] =	vst.idx.msk $0xffff, v31;
	v38 =	vld [tilespmem:s6+$0x20]  }
0x31a: {  	v41 =	vadd.s32 v2, v27;
	v36 =	vadd.f32 v56, v5;
	[tilespmem:v59+s29+$0x0] =	vst.idx.msk $0xffff, v33;
	v40 =	vld [tilespmem:s6+$0xFFFFFFA0]  }
0x31b: {  	v43 =	vadd.s32 v2, v30;
	v18 =	vadd.f32 v62, v5;
	v42 =	vld [tilespmem:s23+$0x70];
	[tilespmem:v29+s29+$0x0] =	vst.idx.msk $0xffff, v39  }
0x31c: {  	v45 =	vadd.s32 v2, v13;
	[tilespmem:v63+s29+$0x0] =	vst.idx.msk $0xffff, v36;
	v47 =	vld [tilespmem:s23+$0x30];
	v44 =	vadd.f32 v32, v5  }
0x31d: {  	v46 =	vadd.s32 v3, v7;
	[tilespmem:v34+s29+$0x0] =	vst.idx.msk $0xffff, v18;
	v21 =	vld [tilespmem:s23+$0xFFFFFFF0];
	v9 =	vadd.f32 v35, v5  }
0x31e: {  	v18 =	vld [tilespmem:s23+$0xFFFFFFB0];
	v50 =	vadd.s32 v3, v11;
	[tilespmem:v37+s29+$0x0] =	vst.idx.msk $0xffff, v44;
	v49 =	vadd.f32 v38, v5  }
0x31f: {  	v48 =	vadd.s32 v3, v10;
	v5 =	vadd.f32 v40, v5;
	v12 =	vld [tilespmem:s6+$0x70];
	[tilespmem:v41+s29+$0x0] =	vst.idx.msk $0xffff, v9  }
0x320: {  	v52 =	vadd.s32 v3, v8;
	v51 =	vadd.f32 v42, v4;
	[tilespmem:v43+s29+$0x0] =	vst.idx.msk $0xffff, v49;
	v53 =	vld [tilespmem:s6+$0xFFFFFFF0]  }
0x321: {  	v55 =	vadd.s32 v3, v26;
	v56 =	vadd.f32 v47, v4;
	[tilespmem:v45+s29+$0x0] =	vst.idx.msk $0xffff, v5;
	v5 =	vld [tilespmem:s6+$0x30]  }
0x322: {  	v58 =	vadd.s32 v3, v27;
	[tilespmem:v46+s29+$0x0] =	vst.idx.msk $0xffff, v51;
	v54 =	vadd.f32 v21, v4;
	v57 =	vld [tilespmem:s6+$0xFFFFFFB0]  }
0x323: {  	v60 =	vadd.s32 v3, v30;
	v59 =	vadd.f32 v18, v4;
	[tilespmem:v50+s29+$0x0] =	vst.idx.msk $0xffff, v56  }
0x324: {  	v62 =	vadd.s32 v3, v13;
	[tilespmem:v48+s29+$0x0] =	vst.idx.msk $0xffff, v54;
	v61 =	vadd.f32 v12, v4  }
0x325: {  	[tilespmem:v52+s29+$0x0] =	vst.idx.msk $0xffff, v59;
	v63 =	vadd.f32 v53, v4  }
0x326: {  	[tilespmem:v55+s29+$0x0] =	vst.idx.msk $0xffff, v61;
	v5 =	vadd.f32 v5, v4  }
0x327: {  	v4 =	vadd.f32 v57, v4;
	[tilespmem:v58+s29+$0x0] =	vst.idx.msk $0xffff, v63  }
0x328: {  	s6 =	sadd.s32 @!p0 $0x280, s18;
	[tilespmem:v60+s29+$0x0] =	vst.idx.msk $0xffff, v5  }
0x329: {  	s8 =	simm.s32 @!p0 $0x80;
	s12 =	simm.s32 @!p0 $0xB600;
	s6 =	sand.u32 @!p0 $0xFE80, s6;
	[tilespmem:v62+s29+$0x0] =	vst.idx.msk $0xffff, v4  }
0x32a: {  	[tilespmem:s12], [sflag:$0x2] =	stream.indirect.gather @!p0 [hbm4b:s5+s8], $0x40, s6, s8, $0xb8;
	[tilespmem:$0x19E00] =	vst v63  }
0x32b: {  	s8 =	sshll.u32 s21, $0x12  }
0x32c: {  	s6 =	sor.u32 s4, s8  }
0x32d: {  	s6 =	sshrl.u32 s6, $0x3  }
0x32e: {  	s12 =	simm.s32 $0x13800;
	s8 =	sadd.s32 s2, s6  }
0x32f: {  	[hbm4b:s8+s3] =	stream.linear.scatter [tilespmem:s12], [sflag:$0x6], $0x80, $0x38;
	[tilespmem:$0x19E00] =	vst v63  }
0x330: {  	s15 =	simm.s32 $0x13888;
	s17 =	sadd.s32 $0x10, s8  }
0x331: {  	[hbm4b:s17+s3] =	stream.linear.scatter [tilespmem:s15], [sflag:$0x6], $0x80, $0x38;
	[tilespmem:$0x19E00] =	vst v63  }
0x332: {  	s21 =	simm.s32 $0x13910;
	s23 =	sadd.s32 $0x20, s8  }
0x333: {  	[hbm4b:s23+s3] =	stream.linear.scatter [tilespmem:s21], [sflag:$0x6], $0x80, $0x38;
	[tilespmem:$0x19E00] =	vst v63  }
0x334: {  	s15 =	simm.s32 $0x13998;
	s17 =	sadd.s32 $0x30, s8  }
0x335: {  	[hbm4b:s17+s3] =	stream.linear.scatter [tilespmem:s15], [sflag:$0x6], $0x80, $0x38;
	[tilespmem:$0x19E00] =	vst v63  }
0x336: {  	s21 =	simm.s32 $0x13A20;
	s23 =	sadd.s32 $0x40, s8  }
0x337: {  	[hbm4b:s23+s3] =	stream.linear.scatter [tilespmem:s21], [sflag:$0x6], $0x80, $0x38;
	[tilespmem:$0x19E00] =	vst v63  }
0x338: {  	s6 =	simm.s32 $0x440;
	s15 =	simm.s32 $0x13AA8;
	s17 =	sadd.s32 $0x50, s8  }
0x339: {  	[hbm4b:s17+s3] =	stream.linear.scatter [tilespmem:s15], [sflag:$0x6], $0x80, $0x38;
	[tilespmem:$0x19E00] =	vst v63  }
0x33a: {  	s12 =	simm.s32 $0x2200;
	s21 =	simm.s32 $0x13B30;
	s23 =	sadd.s32 $0x60, s8  }
0x33b: {  	[hbm4b:s23+s3] =	stream.linear.scatter [tilespmem:s21], [sflag:$0x6], $0x80, $0x38;
	[tilespmem:$0x19E00] =	vst v63  }
0x33c: {  	s21 =	simm.s32 $0x13BB8;
	s23 =	sadd.s32 $0x70, s8;
	s8 =	sadd.s32 $0x1000, s8  }
.LBB2_25:
0x33d: {  	[hbm4b:s23+s3] =	stream.linear.scatter [tilespmem:s21], [sflag:$0x6], $0x80, $0x38;
	[tilespmem:$0x19E00] =	vst v63  }
0x33e: {  	s15 =	smov.u32 s6;
	s6 =	smov.u32 s12  }
0x33f: {  	s17 =	sadd.s32 $0x1100, s12;
	s6 =	sshra.s32 s6, $0x2;
	s21 =	sadd.s32 $0x13800, s15  }
0x340: {  	[hbm4b:s8+s3] =	stream.linear.scatter [tilespmem:s21], [sflag:$0x6], $0x80, $0x38;
	[tilespmem:$0x19E00] =	vst v63  }
0x341: {  	p1 =	sne.s32 s12, $0x7700;
	s12 =	sadd.s32 $0x13888, s15;
	s21 =	sadd.s32 $0x10, s8  }
0x342: {  	[hbm4b:s21+s3] =	stream.linear.scatter [tilespmem:s12], [sflag:$0x6], $0x80, $0x38;
	[tilespmem:$0x19E00] =	vst v63  }
0x343: {  	s12 =	sadd.s32 $0x13910, s15;
	s21 =	sadd.s32 $0x20, s8  }
0x344: {  	[hbm4b:s21+s3] =	stream.linear.scatter [tilespmem:s12], [sflag:$0x6], $0x80, $0x38;
	[tilespmem:$0x19E00] =	vst v63  }
0x345: {  	s12 =	sadd.s32 $0x13998, s15;
	s21 =	sadd.s32 $0x30, s8  }
0x346: {  	[hbm4b:s21+s3] =	stream.linear.scatter [tilespmem:s12], [sflag:$0x6], $0x80, $0x38;
	[tilespmem:$0x19E00] =	vst v63  }
0x347: {  	s12 =	sadd.s32 $0x13A20, s15;
	s21 =	sadd.s32 $0x40, s8  }
0x348: {  	[hbm4b:s21+s3] =	stream.linear.scatter [tilespmem:s12], [sflag:$0x6], $0x80, $0x38;
	[tilespmem:$0x19E00] =	vst v63  }
.Ltmp11:
0x349: {  	s12 =	sadd.s32 $0x13AA8, s15;
	s21 =	sadd.s32 $0x50, s8;
	(pc) =	sbr.rel @p1 .LBB2_25-.Ltmp11, $4  }
0x34a: {  	[hbm4b:s21+s3] =	stream.linear.scatter [tilespmem:s12], [sflag:$0x6], $0x80, $0x38;
	[tilespmem:$0x19E00] =	vst v63  }
0x34b: {  	s23 =	sadd.s32 $0x70, s8;
	s12 =	sadd.s32 $0x13B30, s15;
	s21 =	sadd.s32 $0x60, s8  }
0x34c: {  	[hbm4b:s21+s3] =	stream.linear.scatter [tilespmem:s12], [sflag:$0x6], $0x80, $0x38;
	[tilespmem:$0x19E00] =	vst v63  }
0x34d: {  	s8 =	sadd.s32 $0x1000, s8;
	s21 =	sadd.s32 $0x13BB8, s15;
	s12 =	smov.u32 s17  }
0x34e: {  	[hbm4b:s23+s3] =	stream.linear.scatter [tilespmem:s21], [sflag:$0x6], $0x80, $0x38;
	[tilespmem:$0x19E00] =	vst v63  }
0x34f: {  	s12 =	sadd.s32 $0x13800, s6  }
0x350: {  	[hbm4b:s8+s3] =	stream.linear.scatter [tilespmem:s12], [sflag:$0x6], $0x80, $0x38;
	[tilespmem:$0x19E00] =	vst v63  }
0x351: {  	s17 =	sadd.s32 $0x13888, s6;
	s15 =	sadd.s32 $0x10, s8  }
0x352: {  	[hbm4b:s15+s3] =	stream.linear.scatter [tilespmem:s17], [sflag:$0x6], $0x80, $0x38;
	[tilespmem:$0x19E00] =	vst v63  }
0x353: {  	s21 =	sadd.s32 $0x13910, s6;
	s23 =	sadd.s32 $0x20, s8  }
0x354: {  	[hbm4b:s23+s3] =	stream.linear.scatter [tilespmem:s21], [sflag:$0x6], $0x80, $0x38;
	[tilespmem:$0x19E00] =	vst v63  }
0x355: {  	s15 =	sadd.s32 $0x13998, s6;
	s17 =	sadd.s32 $0x30, s8  }
0x356: {  	[hbm4b:s17+s3] =	stream.linear.scatter [tilespmem:s15], [sflag:$0x6], $0x80, $0x38;
	[tilespmem:$0x19E00] =	vst v63  }
0x357: {  	s21 =	sadd.s32 $0x13A20, s6;
	s23 =	sadd.s32 $0x40, s8  }
0x358: {  	[hbm4b:s23+s3] =	stream.linear.scatter [tilespmem:s21], [sflag:$0x6], $0x80, $0x38;
	[tilespmem:$0x19E00] =	vst v63  }
0x359: {  	s15 =	sadd.s32 $0x13AA8, s6;
	s17 =	sadd.s32 $0x50, s8  }
0x35a: {  	[hbm4b:s17+s3] =	stream.linear.scatter [tilespmem:s15], [sflag:$0x6], $0x80, $0x38;
	[tilespmem:$0x19E00] =	vst v63  }
0x35b: {  	s21 =	sadd.s32 $0x13B30, s6;
	s23 =	sadd.s32 $0x60, s8  }
0x35c: {  	[hbm4b:s23+s3] =	stream.linear.scatter [tilespmem:s21], [sflag:$0x6], $0x80, $0x38;
	[tilespmem:$0x19E00] =	vst v63  }
0x35d: {  	s12 =	sadd.s32 $0x13BB8, s6;
	s15 =	sadd.s32 $0x70, s8  }
0x35e: {  	[hbm4b:s15+s3] =	stream.linear.scatter [tilespmem:s12], [sflag:$0x6], $0x80, $0x38;
	[tilespmem:$0x19E00] =	vst v63  }
0x35f: {  	_ =	swait.ge [sflag:s31], $0x2000  }
0x360: {  	[sflag:s31] =	ssyncset.done $0x0  }
0x361: {  	[sflag:s31] =	ssyncadd.s32 $0xFFFFE000  }
0x362: {  	s21 =	sor.u32 $0x2, s19;
	_ =	swait.ge [sflag:s26], $0x2000  }
0x363: {  	s17 =	sshll.u32 s21, $0x6;
	[sflag:s26] =	ssyncset.done $0x0  }
0x364: {  	s6 =	sand.u32 $0x3FFFFFC0, s17;
	[sflag:s26] =	ssyncadd.s32 $0xFFFFE000  }
0x365: {  	s23 =	simm.s32 $0x3;
	s12 =	simm.s32 $0xD680;
	v9 =	vld [tilespmem:s6+$0x6400]  }
0x366: {  	v4 =	vmov s23;
	v7 =	vld [tilespmem:s12+$0x40]  }
0x367: {  	v13 =	vand.u32 $0x7F, v4  }
0x368: {  	s15 =	simm.s32 $0x0;
	v8 =	vadd.s32 v0, v13;
	v6 =	vld [tilespmem:s6+$0x6410]  }
0x369: {  	s23 =	simm.s32 $0x2;
	s17 =	simm.s32 $0x1;
	v4 =	vmov s15;
	v10 =	vld [tilespmem:s12+$0xFFFFFF80]  }
0x36a: {  	v14 =	vmov s23;
	v12 =	vand.u32 $0x7C, v4;
	v4 =	vmov s17;
	v11 =	vld [tilespmem:s12+$0xFFFFFFC0]  }
0x36b: {  	v15 =	vadd.s32 v0, v12;
	v19 =	vand.u32 $0x7D, v4;
	v16 =	vld [tilespmem:s12+$0x0];
	v7 =	vadd.f32 v7, v9  }
0x36c: {  	v20 =	vand.u32 $0x7E, v14;
	v17 =	vadd.s32 v0, v19;
	v5 =	vld [tilespmem:s6+$0x6420]  }
0x36d: {  	v14 =	vadd.s32 v0, v20;
	v4 =	vld [tilespmem:s6+$0x6430];
	[tilespmem:v8+s0+$0x0] =	vst.idx.msk $0xffff, v7  }
0x36e: {  	v7 =	vadd.f32 v10, v9;
	v8 =	vld [tilespmem:s12+$0x50]  }
0x36f: {  	v10 =	vadd.f32 v11, v9  }
0x370: {  	v11 =	vadd.s32 v1, v13;
	[tilespmem:v15+s0+$0x0] =	vst.idx.msk $0xffff, v7;
	v7 =	vadd.f32 v16, v9  }
0x371: {  	[tilespmem:v17+s0+$0x0] =	vst.idx.msk $0xffff, v10;
	v15 =	vld [tilespmem:s12+$0xFFFFFF90]  }
0x372: {  	v10 =	vld [tilespmem:s12+$0xFFFFFFD0];
	[tilespmem:v14+s0+$0x0] =	vst.idx.msk $0xffff, v7  }
0x373: {  	v14 =	vld [tilespmem:s12+$0x10];
	v7 =	vadd.f32 v8, v6  }
0x374: {  	s23 =	simm.s32 $0xD780;
	s17 =	simm.s32 $0x7;
	v16 =	vadd.s32 v1, v19  }
0x375: {  	s15 =	simm.s32 $0x4;
	v26 =	vadd.s32 v2, v13;
	v18 =	vld [tilespmem:s23+$0x40];
	v17 =	vadd.s32 v1, v20;
	[tilespmem:v11+s0+$0x0] =	vst.idx.msk $0xffff, v7;
	v7 =	vmov s17  }
0x376: {  	v21 =	vadd.s32 v1, v12;
	v8 =	vmov s15;
	v7 =	vand.u32 $0x7F, v7;
	v22 =	vld [tilespmem:s12+$0x60]  }
0x377: {  	s8 =	simm.s32 $0x5;
	v23 =	vld [tilespmem:s23+$0xFFFFFF80];
	v8 =	vand.u32 $0x7C, v8;
	v10 =	vadd.f32 v10, v6;
	v24 =	vadd.s32 v0, v7  }
0x378: {  	v25 =	vld [tilespmem:s23+$0xFFFFFFC0];
	s15 =	simm.s32 $0x6;
	v15 =	vadd.f32 v15, v6;
	v11 =	vadd.f32 v14, v6;
	v14 =	vmov s8  }
0x379: {  	v27 =	vadd.s32 v0, v8;
	[tilespmem:v16+s0+$0x0] =	vst.idx.msk $0xffff, v10;
	v16 =	vmov s15;
	v10 =	vand.u32 $0x7D, v14;
	v14 =	vld [tilespmem:s23+$0x0]  }
0x37a: {  	[tilespmem:v17+s0+$0x0] =	vst.idx.msk $0xffff, v11;
	v17 =	vadd.s32 v0, v10;
	v11 =	vand.u32 $0x7E, v16;
	v16 =	vadd.f32 v18, v9;
	v18 =	vld [tilespmem:s12+$0xFFFFFFE0]  }
0x37b: {  	[tilespmem:v21+s0+$0x0] =	vst.idx.msk $0xffff, v15;
	v15 =	vadd.s32 v0, v11;
	v21 =	vld [tilespmem:s12+$0x20];
	v22 =	vadd.f32 v22, v5  }
0x37c: {  	v23 =	vadd.f32 v23, v9;
	[tilespmem:v24+s0+$0x0] =	vst.idx.msk $0xffff, v16;
	v16 =	vld [tilespmem:s12+$0xFFFFFFA0];
	v24 =	vadd.s32 v2, v19  }
0x37d: {  	v29 =	vadd.s32 v2, v20;
	v25 =	vadd.f32 v25, v9;
	v28 =	vld [tilespmem:s23+$0x50];
	[tilespmem:v26+s0+$0x0] =	vst.idx.msk $0xffff, v22  }
0x37e: {  	[tilespmem:v27+s0+$0x0] =	vst.idx.msk $0xffff, v23;
	v23 =	vadd.s32 v2, v12;
	v14 =	vadd.f32 v14, v9;
	v26 =	vld [tilespmem:s12+$0x70]  }
0x37f: {  	v27 =	vld [tilespmem:s23+$0xFFFFFF90];
	[tilespmem:v17+s0+$0x0] =	vst.idx.msk $0xffff, v25;
	v25 =	vadd.s32 v1, v7;
	v18 =	vadd.f32 v18, v5  }
0x380: {  	v31 =	vadd.s32 v3, v13;
	v30 =	vld [tilespmem:s23+$0xFFFFFFD0];
	[tilespmem:v15+s0+$0x0] =	vst.idx.msk $0xffff, v14;
	v14 =	vadd.f32 v21, v5  }
0x381: {  	v22 =	vadd.s32 v1, v8;
	v17 =	vld [tilespmem:s23+$0x10];
	v13 =	vadd.f32 v16, v5;
	[tilespmem:v24+s0+$0x0] =	vst.idx.msk $0xffff, v18  }
0x382: {  	s8 =	simm.s32 $0x8;
	v21 =	vadd.s32 v1, v10;
	[tilespmem:v29+s0+$0x0] =	vst.idx.msk $0xffff, v14;
	v18 =	vadd.f32 v28, v6;
	v16 =	vld [tilespmem:s12+$0xFFFFFFF0]  }
0x383: {  	v24 =	vmov s8;
	v14 =	vadd.s32 v1, v11;
	v15 =	vld [tilespmem:s12+$0x30];
	[tilespmem:v23+s0+$0x0] =	vst.idx.msk $0xffff, v13;
	v63 =	vadd.f32 v26, v4  }
0x384: {  	s6 =	simm.s32 $0xD880;
	s17 =	simm.s32 $0xB;
	v19 =	vadd.s32 v3, v19;
	v13 =	vand.u32 $0x7C, v24;
	v24 =	vadd.f32 v27, v6;
	[tilespmem:v25+s0+$0x0] =	vst.idx.msk $0xffff, v18;
	v18 =	vld [tilespmem:s12+$0xFFFFFFB0]  }
0x385: {  	v20 =	vadd.s32 v3, v20;
	v26 =	vmov s17;
	v23 =	vld [tilespmem:s6+$0x40];
	s12 =	simm.s32 $0xC;
	v25 =	vadd.f32 v30, v6;
	[tilespmem:v31+s0+$0x0] =	vst.idx.msk $0xffff, v63  }
.LBB2_27:
0x386: {  	p1 =	slt.u32 s12, $0x7C;
	s15 =	sadd.s32 $0x1, s8;
	v26 =	vand.u32 $0x7F, v26;
	[tilespmem:v22+s0+$0x0] =	vst.idx.msk $0xffff, v24;
	v17 =	vadd.f32 v17, v6;
	v22 =	vld [tilespmem:s23+$0x60];
	v24 =	vadd.s32 v3, v12  }
0x387: {  	v30 =	vmovc v11;
	v27 =	vld [tilespmem:s6+$0xFFFFFF80];
	v28 =	vmov s15;
	s15 =	sadd.s32 $0x2, s8;
	v29 =	vadd.s32 v0, v26;
	[tilespmem:v21+s0+$0x0] =	vst.idx.msk $0xffff, v25;
	v16 =	vadd.f32 v16, v4;
	s8 =	smov.u32 s12  }
0x388: {  	v12 =	vmovc v8;
	v21 =	vld [tilespmem:s6+$0xFFFFFFC0];
	v11 =	vmov s15;
	[tilespmem:v14+s0+$0x0] =	vst.idx.msk $0xffff, v17;
	v14 =	vadd.s32 v2, v7;
	v15 =	vadd.f32 v15, v4  }
0x389: {  	v17 =	vadd.s32 v0, v13;
	v28 =	vand.u32 $0x7D, v28;
	v25 =	vld [tilespmem:s6+$0x0];
	v31 =	vadd.f32 v18, v4;
	[tilespmem:v19+s0+$0x0] =	vst.idx.msk $0xffff, v16  }
0x38a: {  	v16 =	vadd.s32 v0, v28;
	v11 =	vand.u32 $0x7E, v11;
	v18 =	vadd.f32 v23, v9;
	v19 =	vld [tilespmem:s23+$0xFFFFFFE0];
	[tilespmem:v20+s0+$0x0] =	vst.idx.msk $0xffff, v15  }
0x38b: {  	v8 =	vmov v13;
	v15 =	vadd.s32 v0, v11;
	v20 =	vld [tilespmem:s23+$0x20];
	v22 =	vadd.f32 v22, v5;
	[tilespmem:v24+s0+$0x0] =	vst.idx.msk $0xffff, v31  }
0x38c: {  	v23 =	vadd.s32 v2, v10;
	v13 =	vadd.f32 v27, v9;
	[tilespmem:v29+s0+$0x0] =	vst.idx.msk $0xffff, v18;
	v18 =	vld [tilespmem:s23+$0xFFFFFFA0]  }
0x38d: {  	v27 =	vadd.s32 v2, v30;
	v21 =	vadd.f32 v21, v9;
	v24 =	vld [tilespmem:s6+$0x50];
	[tilespmem:v14+s0+$0x0] =	vst.idx.msk $0xffff, v22  }
0x38e: {  	[tilespmem:v17+s0+$0x0] =	vst.idx.msk $0xffff, v13;
	v13 =	vadd.f32 v25, v9;
	v25 =	vadd.s32 v2, v12;
	v29 =	vld [tilespmem:s23+$0x70]  }
0x38f: {  	v32 =	vadd.s32 v1, v26;
	v31 =	vld [tilespmem:s6+$0xFFFFFF90];
	[tilespmem:v16+s0+$0x0] =	vst.idx.msk $0xffff, v21;
	v14 =	vadd.f32 v19, v5  }
0x390: {  	v34 =	vadd.s32 v3, v7;
	v7 =	vmov v26;
	v33 =	vld [tilespmem:s6+$0xFFFFFFD0];
	[tilespmem:v15+s0+$0x0] =	vst.idx.msk $0xffff, v13;
	v13 =	vadd.f32 v20, v5  }
.Ltmp12:
0x391: {  	v22 =	vadd.s32 v1, v8;
	v17 =	vld [tilespmem:s6+$0x10];
	v15 =	vadd.f32 v18, v5;
	[tilespmem:v23+s0+$0x0] =	vst.idx.msk $0xffff, v14;
	(pc) =	sbr.rel @p1 .LBB2_27-.Ltmp12, $4  }
0x392: {  	v21 =	vadd.s32 v1, v28;
	v18 =	vadd.f32 v24, v6;
	v16 =	vld [tilespmem:s23+$0xFFFFFFF0];
	[tilespmem:v27+s0+$0x0] =	vst.idx.msk $0xffff, v13  }
0x393: {  	v14 =	vadd.s32 v1, v11;
	v13 =	vmov s12;
	[tilespmem:v25+s0+$0x0] =	vst.idx.msk $0xffff, v15;
	v15 =	vld [tilespmem:s23+$0x30];
	v27 =	vadd.f32 v29, v4  }
0x394: {  	s15 =	sadd.s32 $0x3, s12;
	v19 =	vadd.s32 v3, v10;
	v13 =	vand.u32 $0x7C, v13;
	v24 =	vadd.f32 v31, v6;
	[tilespmem:v32+s0+$0x0] =	vst.idx.msk $0xffff, v18;
	v18 =	vld [tilespmem:s23+$0xFFFFFFB0];
	s23 =	smov.u32 s6;
	s6 =	sadd.s32 $0x100, s6  }
0x395: {  	v26 =	vmov s15;
	v10 =	vmovc v28;
	v20 =	vadd.s32 v3, v30;
	s12 =	sadd.s32 $0x4, s12;
	v23 =	vld [tilespmem:s6+$0x40];
	v25 =	vadd.f32 v33, v6;
	[tilespmem:v34+s0+$0x0] =	vst.idx.msk $0xffff, v27  }
0x396: {  	s12 =	sadd.s32 $0x1, s8  }
0x397: {  	v26 =	vand.u32 $0x7F, v26;
	s17 =	sadd.s32 $0x2, s8;
	v28 =	vld [tilespmem:s6+$0xFFFFFFC0];
	v27 =	vmov s12  }
0x398: {  	v31 =	vld [tilespmem:s6+$0x0];
	v29 =	vadd.s32 v0, v26;
	v30 =	vmov s17;
	v27 =	vand.u32 $0x7D, v27  }
0x399: {  	v32 =	vld [tilespmem:s6+$0xFFFFFF80];
	v30 =	vand.u32 $0x7E, v30;
	v33 =	vadd.s32 v0, v27  }
0x39a: {  	v34 =	vadd.s32 v0, v30  }
0x39b: {  	[tilespmem:v22+s0+$0x0] =	vst.idx.msk $0xffff, v24;
	v44 =	vadd.s32 v0, v13;
	v23 =	vadd.f32 v23, v9  }
0x39c: {  	[tilespmem:v21+s0+$0x0] =	vst.idx.msk $0xffff, v25;
	v45 =	vadd.f32 v28, v9  }
0x39d: {  	v46 =	vadd.f32 v31, v9;
	[tilespmem:v29+s0+$0x0] =	vst.idx.msk $0xffff, v23  }
0x39e: {  	v47 =	vadd.f32 v32, v9;
	v48 =	vld [tilespmem:s6+$0x50];
	[tilespmem:v33+s0+$0x0] =	vst.idx.msk $0xffff, v45  }
0x39f: {  	v17 =	vadd.f32 v17, v6;
	v12 =	vadd.s32 v3, v12;
	[tilespmem:v34+s0+$0x0] =	vst.idx.msk $0xffff, v46;
	v21 =	vld [tilespmem:s6+$0xFFFFFFD0]  }
0x3a0: {  	v16 =	vadd.f32 v16, v4;
	v49 =	vadd.s32 v1, v26;
	[tilespmem:v44+s0+$0x0] =	vst.idx.msk $0xffff, v47;
	v50 =	vld [tilespmem:s6+$0x10]  }
0x3a1: {  	[tilespmem:v14+s0+$0x0] =	vst.idx.msk $0xffff, v17;
	v51 =	vadd.f32 v15, v4;
	v53 =	vadd.s32 v1, v27;
	v52 =	vld [tilespmem:s6+$0xFFFFFF90]  }
0x3a2: {  	v54 =	vld [tilespmem:s23+$0x60];
	v18 =	vadd.f32 v18, v4;
	[tilespmem:v19+s0+$0x0] =	vst.idx.msk $0xffff, v16;
	v55 =	vadd.s32 v1, v30  }
0x3a3: {  	v57 =	vadd.s32 v1, v13;
	v60 =	vld [tilespmem:s23+$0x20];
	[tilespmem:v20+s0+$0x0] =	vst.idx.msk $0xffff, v51;
	v58 =	vadd.f32 v48, v6  }
0x3a4: {  	v59 =	vadd.s32 v2, v7;
	v56 =	vld [tilespmem:s23+$0xFFFFFFE0];
	[tilespmem:v12+s0+$0x0] =	vst.idx.msk $0xffff, v18;
	v61 =	vadd.f32 v21, v6  }
0x3a5: {  	v62 =	vld [tilespmem:s23+$0xFFFFFFA0];
	v29 =	vadd.s32 v2, v11;
	[tilespmem:v49+s0+$0x0] =	vst.idx.msk $0xffff, v58;
	v28 =	vadd.f32 v50, v6  }
0x3a6: {  	v63 =	vadd.s32 v2, v10;
	v31 =	vadd.f32 v52, v6;
	v32 =	vld [tilespmem:s6+$0x60];
	[tilespmem:v53+s0+$0x0] =	vst.idx.msk $0xffff, v61  }
0x3a7: {  	v33 =	vadd.f32 v54, v5;
	v34 =	vadd.s32 v2, v8;
	[tilespmem:v55+s0+$0x0] =	vst.idx.msk $0xffff, v28;
	v35 =	vld [tilespmem:s6+$0xFFFFFFE0]  }
0x3a8: {  	v37 =	vadd.s32 v2, v26;
	v39 =	vadd.f32 v60, v5;
	[tilespmem:v57+s0+$0x0] =	vst.idx.msk $0xffff, v31;
	v38 =	vld [tilespmem:s6+$0x20]  }
0x3a9: {  	v41 =	vadd.s32 v2, v27;
	v36 =	vadd.f32 v56, v5;
	[tilespmem:v59+s0+$0x0] =	vst.idx.msk $0xffff, v33;
	v40 =	vld [tilespmem:s6+$0xFFFFFFA0]  }
0x3aa: {  	v43 =	vadd.s32 v2, v30;
	v18 =	vadd.f32 v62, v5;
	v42 =	vld [tilespmem:s23+$0x70];
	[tilespmem:v29+s0+$0x0] =	vst.idx.msk $0xffff, v39  }
0x3ab: {  	v45 =	vadd.s32 v2, v13;
	[tilespmem:v63+s0+$0x0] =	vst.idx.msk $0xffff, v36;
	v47 =	vld [tilespmem:s23+$0x30];
	v44 =	vadd.f32 v32, v5  }
0x3ac: {  	v46 =	vadd.s32 v3, v7;
	[tilespmem:v34+s0+$0x0] =	vst.idx.msk $0xffff, v18;
	v21 =	vld [tilespmem:s23+$0xFFFFFFF0];
	v9 =	vadd.f32 v35, v5  }
0x3ad: {  	v18 =	vld [tilespmem:s23+$0xFFFFFFB0];
	v50 =	vadd.s32 v3, v11;
	[tilespmem:v37+s0+$0x0] =	vst.idx.msk $0xffff, v44;
	v49 =	vadd.f32 v38, v5  }
0x3ae: {  	v48 =	vadd.s32 v3, v10;
	v5 =	vadd.f32 v40, v5;
	v12 =	vld [tilespmem:s6+$0x70];
	[tilespmem:v41+s0+$0x0] =	vst.idx.msk $0xffff, v9  }
0x3af: {  	v52 =	vadd.s32 v3, v8;
	v51 =	vadd.f32 v42, v4;
	[tilespmem:v43+s0+$0x0] =	vst.idx.msk $0xffff, v49;
	v53 =	vld [tilespmem:s6+$0xFFFFFFF0]  }
0x3b0: {  	v55 =	vadd.s32 v3, v26;
	v56 =	vadd.f32 v47, v4;
	[tilespmem:v45+s0+$0x0] =	vst.idx.msk $0xffff, v5;
	v5 =	vld [tilespmem:s6+$0x30]  }
0x3b1: {  	v58 =	vadd.s32 v3, v27;
	[tilespmem:v46+s0+$0x0] =	vst.idx.msk $0xffff, v51;
	v54 =	vadd.f32 v21, v4;
	v57 =	vld [tilespmem:s6+$0xFFFFFFB0]  }
0x3b2: {  	v60 =	vadd.s32 v3, v30;
	v59 =	vadd.f32 v18, v4;
	[tilespmem:v50+s0+$0x0] =	vst.idx.msk $0xffff, v56  }
0x3b3: {  	v62 =	vadd.s32 v3, v13;
	[tilespmem:v48+s0+$0x0] =	vst.idx.msk $0xffff, v54;
	v61 =	vadd.f32 v12, v4  }
0x3b4: {  	[tilespmem:v52+s0+$0x0] =	vst.idx.msk $0xffff, v59;
	v63 =	vadd.f32 v53, v4  }
0x3b5: {  	[tilespmem:v55+s0+$0x0] =	vst.idx.msk $0xffff, v61;
	v5 =	vadd.f32 v5, v4  }
0x3b6: {  	v4 =	vadd.f32 v57, v4;
	[tilespmem:v58+s0+$0x0] =	vst.idx.msk $0xffff, v63  }
0x3b7: {  	s6 =	sadd.s32 @!p0 $0x300, s18;
	[tilespmem:v60+s0+$0x0] =	vst.idx.msk $0xffff, v5  }
0x3b8: {  	s8 =	simm.s32 @!p0 $0x80;
	s12 =	simm.s32 @!p0 $0xD600;
	s6 =	sand.u32 @!p0 $0xFF00, s6;
	[tilespmem:v62+s0+$0x0] =	vst.idx.msk $0xffff, v4  }
0x3b9: {  	[tilespmem:s12], [sflag:$0x3] =	stream.indirect.gather @!p0 [hbm4b:s5+s8], $0x40, s6, s8, $0xb8;
	[tilespmem:$0x19E00] =	vst v63  }
0x3ba: {  	s8 =	sshll.u32 s21, $0x12  }
0x3bb: {  	s6 =	sor.u32 s4, s8  }
0x3bc: {  	s6 =	sshrl.u32 s6, $0x3  }
0x3bd: {  	s12 =	simm.s32 $0x15A00;
	s8 =	sadd.s32 s2, s6  }
0x3be: {  	[hbm4b:s8+s3] =	stream.linear.scatter [tilespmem:s12], [sflag:$0x7], $0x80, $0x38;
	[tilespmem:$0x19E00] =	vst v63  }
0x3bf: {  	s15 =	simm.s32 $0x15A88;
	s17 =	sadd.s32 $0x10, s8  }
0x3c0: {  	[hbm4b:s17+s3] =	stream.linear.scatter [tilespmem:s15], [sflag:$0x7], $0x80, $0x38;
	[tilespmem:$0x19E00] =	vst v63  }
0x3c1: {  	s21 =	simm.s32 $0x15B10;
	s23 =	sadd.s32 $0x20, s8  }
0x3c2: {  	[hbm4b:s23+s3] =	stream.linear.scatter [tilespmem:s21], [sflag:$0x7], $0x80, $0x38;
	[tilespmem:$0x19E00] =	vst v63  }
0x3c3: {  	s15 =	simm.s32 $0x15B98;
	s17 =	sadd.s32 $0x30, s8  }
0x3c4: {  	[hbm4b:s17+s3] =	stream.linear.scatter [tilespmem:s15], [sflag:$0x7], $0x80, $0x38;
	[tilespmem:$0x19E00] =	vst v63  }
0x3c5: {  	s21 =	simm.s32 $0x15C20;
	s23 =	sadd.s32 $0x40, s8  }
0x3c6: {  	[hbm4b:s23+s3] =	stream.linear.scatter [tilespmem:s21], [sflag:$0x7], $0x80, $0x38;
	[tilespmem:$0x19E00] =	vst v63  }
0x3c7: {  	s6 =	simm.s32 $0x440;
	s15 =	simm.s32 $0x15CA8;
	s17 =	sadd.s32 $0x50, s8  }
0x3c8: {  	[hbm4b:s17+s3] =	stream.linear.scatter [tilespmem:s15], [sflag:$0x7], $0x80, $0x38;
	[tilespmem:$0x19E00] =	vst v63  }
0x3c9: {  	s12 =	simm.s32 $0x2200;
	s21 =	simm.s32 $0x15D30;
	s23 =	sadd.s32 $0x60, s8  }
0x3ca: {  	[hbm4b:s23+s3] =	stream.linear.scatter [tilespmem:s21], [sflag:$0x7], $0x80, $0x38;
	[tilespmem:$0x19E00] =	vst v63  }
0x3cb: {  	s21 =	simm.s32 $0x15DB8;
	s23 =	sadd.s32 $0x70, s8;
	s8 =	sadd.s32 $0x1000, s8  }
.LBB2_29:
0x3cc: {  	[hbm4b:s23+s3] =	stream.linear.scatter [tilespmem:s21], [sflag:$0x7], $0x80, $0x38;
	[tilespmem:$0x19E00] =	vst v63  }
0x3cd: {  	s15 =	smov.u32 s6;
	s6 =	smov.u32 s12  }
0x3ce: {  	s17 =	sadd.s32 $0x1100, s12;
	s6 =	sshra.s32 s6, $0x2;
	s21 =	sadd.s32 $0x15A00, s15  }
0x3cf: {  	[hbm4b:s8+s3] =	stream.linear.scatter [tilespmem:s21], [sflag:$0x7], $0x80, $0x38;
	[tilespmem:$0x19E00] =	vst v63  }
0x3d0: {  	p1 =	sne.s32 s12, $0x7700;
	s12 =	sadd.s32 $0x15A88, s15;
	s21 =	sadd.s32 $0x10, s8  }
0x3d1: {  	[hbm4b:s21+s3] =	stream.linear.scatter [tilespmem:s12], [sflag:$0x7], $0x80, $0x38;
	[tilespmem:$0x19E00] =	vst v63  }
0x3d2: {  	s12 =	sadd.s32 $0x15B10, s15;
	s21 =	sadd.s32 $0x20, s8  }
0x3d3: {  	[hbm4b:s21+s3] =	stream.linear.scatter [tilespmem:s12], [sflag:$0x7], $0x80, $0x38;
	[tilespmem:$0x19E00] =	vst v63  }
0x3d4: {  	s12 =	sadd.s32 $0x15B98, s15;
	s21 =	sadd.s32 $0x30, s8  }
0x3d5: {  	[hbm4b:s21+s3] =	stream.linear.scatter [tilespmem:s12], [sflag:$0x7], $0x80, $0x38;
	[tilespmem:$0x19E00] =	vst v63  }
0x3d6: {  	s12 =	sadd.s32 $0x15C20, s15;
	s21 =	sadd.s32 $0x40, s8  }
0x3d7: {  	[hbm4b:s21+s3] =	stream.linear.scatter [tilespmem:s12], [sflag:$0x7], $0x80, $0x38;
	[tilespmem:$0x19E00] =	vst v63  }
.Ltmp13:
0x3d8: {  	s12 =	sadd.s32 $0x15CA8, s15;
	s21 =	sadd.s32 $0x50, s8;
	(pc) =	sbr.rel @p1 .LBB2_29-.Ltmp13, $4  }
0x3d9: {  	[hbm4b:s21+s3] =	stream.linear.scatter [tilespmem:s12], [sflag:$0x7], $0x80, $0x38;
	[tilespmem:$0x19E00] =	vst v63  }
0x3da: {  	s23 =	sadd.s32 $0x70, s8;
	s12 =	sadd.s32 $0x15D30, s15;
	s21 =	sadd.s32 $0x60, s8  }
0x3db: {  	[hbm4b:s21+s3] =	stream.linear.scatter [tilespmem:s12], [sflag:$0x7], $0x80, $0x38;
	[tilespmem:$0x19E00] =	vst v63  }
0x3dc: {  	s8 =	sadd.s32 $0x1000, s8;
	s21 =	sadd.s32 $0x15DB8, s15;
	s12 =	smov.u32 s17  }
0x3dd: {  	[hbm4b:s23+s3] =	stream.linear.scatter [tilespmem:s21], [sflag:$0x7], $0x80, $0x38;
	[tilespmem:$0x19E00] =	vst v63  }
0x3de: {  	s12 =	sadd.s32 $0x15A00, s6  }
0x3df: {  	[hbm4b:s8+s3] =	stream.linear.scatter [tilespmem:s12], [sflag:$0x7], $0x80, $0x38;
	[tilespmem:$0x19E00] =	vst v63  }
0x3e0: {  	s23 =	sadd.s32 $0x15A88, s6;
	s15 =	sadd.s32 $0x10, s8  }
0x3e1: {  	[hbm4b:s15+s3] =	stream.linear.scatter [tilespmem:s23], [sflag:$0x7], $0x80, $0x38;
	[tilespmem:$0x19E00] =	vst v63  }
0x3e2: {  	s17 =	sadd.s32 $0x20, s8;
	s15 =	sadd.s32 $0x15B10, s6  }
0x3e3: {  	[hbm4b:s17+s3] =	stream.linear.scatter [tilespmem:s15], [sflag:$0x7], $0x80, $0x38;
	[tilespmem:$0x19E00] =	vst v63  }
0x3e4: {  	s21 =	sadd.s32 $0x15B98, s6;
	s23 =	sadd.s32 $0x30, s8  }
0x3e5: {  	[hbm4b:s23+s3] =	stream.linear.scatter [tilespmem:s21], [sflag:$0x7], $0x80, $0x38;
	[tilespmem:$0x19E00] =	vst v63  }
0x3e6: {  	s15 =	sadd.s32 $0x15C20, s6;
	s17 =	sadd.s32 $0x40, s8  }
0x3e7: {  	[hbm4b:s17+s3] =	stream.linear.scatter [tilespmem:s15], [sflag:$0x7], $0x80, $0x38;
	[tilespmem:$0x19E00] =	vst v63  }
0x3e8: {  	s21 =	sadd.s32 $0x15CA8, s6;
	s23 =	sadd.s32 $0x50, s8  }
0x3e9: {  	[hbm4b:s23+s3] =	stream.linear.scatter [tilespmem:s21], [sflag:$0x7], $0x80, $0x38;
	[tilespmem:$0x19E00] =	vst v63  }
0x3ea: {  	s15 =	sadd.s32 $0x15D30, s6;
	s17 =	sadd.s32 $0x60, s8  }
0x3eb: {  	[hbm4b:s17+s3] =	stream.linear.scatter [tilespmem:s15], [sflag:$0x7], $0x80, $0x38;
	[tilespmem:$0x19E00] =	vst v63  }
0x3ec: {  	s21 =	sadd.s32 $0x15DB8, s6;
	s23 =	sadd.s32 $0x70, s8  }
0x3ed: {  	[hbm4b:s23+s3] =	stream.linear.scatter [tilespmem:s21], [sflag:$0x7], $0x80, $0x38;
	[tilespmem:$0x19E00] =	vst v63  }
0x3ee: {  	_ =	swait.ge [sflag:s13], $0x2000  }
0x3ef: {  	[sflag:s13] =	ssyncset.done $0x0  }
0x3f0: {  	[sflag:s13] =	ssyncadd.s32 $0xFFFFE000  }
0x3f1: {  	s19 =	sor.u32 $0x3, s19;
	_ =	swait.ge [sflag:s30], $0x2000  }
0x3f2: {  	s12 =	sshll.u32 s19, $0x6;
	[sflag:s30] =	ssyncset.done $0x0  }
0x3f3: {  	s6 =	sand.u32 $0x3FFFFFC0, s12;
	[sflag:s30] =	ssyncadd.s32 $0xFFFFE000  }
0x3f4: {  	s12 =	simm.s32 $0xF680;
	s15 =	simm.s32 $0x3;
	v9 =	vld [tilespmem:s6+$0x6400]  }
0x3f5: {  	v4 =	vmov s15;
	v7 =	vld [tilespmem:s12+$0x40]  }
0x3f6: {  	v13 =	vand.u32 $0x7F, v4  }
0x3f7: {  	s17 =	simm.s32 $0x0;
	v8 =	vadd.s32 v0, v13;
	v6 =	vld [tilespmem:s6+$0x6410]  }
0x3f8: {  	v4 =	vmov s17;
	s21 =	simm.s32 $0x1;
	s23 =	simm.s32 $0x2;
	v10 =	vld [tilespmem:s12+$0xFFFFFF80]  }
0x3f9: {  	v12 =	vand.u32 $0x7C, v4;
	v4 =	vmov s21;
	v14 =	vmov s23;
	v11 =	vld [tilespmem:s12+$0xFFFFFFC0]  }
0x3fa: {  	v15 =	vadd.s32 v0, v12;
	v19 =	vand.u32 $0x7D, v4;
	v16 =	vld [tilespmem:s12+$0x0];
	v7 =	vadd.f32 v7, v9  }
0x3fb: {  	v20 =	vand.u32 $0x7E, v14;
	v17 =	vadd.s32 v0, v19;
	v5 =	vld [tilespmem:s6+$0x6420]  }
0x3fc: {  	v14 =	vadd.s32 v0, v20;
	v4 =	vld [tilespmem:s6+$0x6430];
	[tilespmem:v8+s14+$0x0] =	vst.idx.msk $0xffff, v7  }
0x3fd: {  	v7 =	vadd.f32 v10, v9;
	v8 =	vld [tilespmem:s12+$0x50]  }
0x3fe: {  	v10 =	vadd.f32 v11, v9  }
0x3ff: {  	v11 =	vadd.s32 v1, v13;
	[tilespmem:v15+s14+$0x0] =	vst.idx.msk $0xffff, v7;
	v7 =	vadd.f32 v16, v9  }
0x400: {  	[tilespmem:v17+s14+$0x0] =	vst.idx.msk $0xffff, v10;
	v15 =	vld [tilespmem:s12+$0xFFFFFF90]  }
0x401: {  	v10 =	vld [tilespmem:s12+$0xFFFFFFD0];
	[tilespmem:v14+s14+$0x0] =	vst.idx.msk $0xffff, v7  }
0x402: {  	v14 =	vld [tilespmem:s12+$0x10];
	v7 =	vadd.f32 v8, v6  }
0x403: {  	s23 =	simm.s32 $0x7;
	s21 =	simm.s32 $0xF780;
	v16 =	vadd.s32 v1, v19  }
0x404: {  	s17 =	simm.s32 $0x4;
	v26 =	vadd.s32 v2, v13;
	v18 =	vld [tilespmem:s21+$0x40];
	v17 =	vadd.s32 v1, v20;
	[tilespmem:v11+s14+$0x0] =	vst.idx.msk $0xffff, v7;
	v7 =	vmov s23  }
0x405: {  	v21 =	vadd.s32 v1, v12;
	v8 =	vmov s17;
	v7 =	vand.u32 $0x7F, v7;
	v22 =	vld [tilespmem:s12+$0x60]  }
0x406: {  	s15 =	simm.s32 $0x5;
	v23 =	vld [tilespmem:s21+$0xFFFFFF80];
	v8 =	vand.u32 $0x7C, v8;
	v10 =	vadd.f32 v10, v6;
	v24 =	vadd.s32 v0, v7  }
0x407: {  	v25 =	vld [tilespmem:s21+$0xFFFFFFC0];
	s17 =	simm.s32 $0x6;
	v15 =	vadd.f32 v15, v6;
	v11 =	vadd.f32 v14, v6;
	v14 =	vmov s15  }
0x408: {  	v27 =	vadd.s32 v0, v8;
	[tilespmem:v16+s14+$0x0] =	vst.idx.msk $0xffff, v10;
	v16 =	vmov s17;
	v10 =	vand.u32 $0x7D, v14;
	v14 =	vld [tilespmem:s21+$0x0]  }
0x409: {  	[tilespmem:v17+s14+$0x0] =	vst.idx.msk $0xffff, v11;
	v17 =	vadd.s32 v0, v10;
	v11 =	vand.u32 $0x7E, v16;
	v16 =	vadd.f32 v18, v9;
	v18 =	vld [tilespmem:s12+$0xFFFFFFE0]  }
0x40a: {  	[tilespmem:v21+s14+$0x0] =	vst.idx.msk $0xffff, v15;
	v15 =	vadd.s32 v0, v11;
	v21 =	vld [tilespmem:s12+$0x20];
	v22 =	vadd.f32 v22, v5  }
0x40b: {  	v23 =	vadd.f32 v23, v9;
	[tilespmem:v24+s14+$0x0] =	vst.idx.msk $0xffff, v16;
	v16 =	vld [tilespmem:s12+$0xFFFFFFA0];
	v24 =	vadd.s32 v2, v19  }
0x40c: {  	v29 =	vadd.s32 v2, v20;
	v25 =	vadd.f32 v25, v9;
	v28 =	vld [tilespmem:s21+$0x50];
	[tilespmem:v26+s14+$0x0] =	vst.idx.msk $0xffff, v22  }
0x40d: {  	[tilespmem:v27+s14+$0x0] =	vst.idx.msk $0xffff, v23;
	v23 =	vadd.s32 v2, v12;
	v14 =	vadd.f32 v14, v9;
	v26 =	vld [tilespmem:s12+$0x70]  }
0x40e: {  	v27 =	vld [tilespmem:s21+$0xFFFFFF90];
	[tilespmem:v17+s14+$0x0] =	vst.idx.msk $0xffff, v25;
	v25 =	vadd.s32 v1, v7;
	v18 =	vadd.f32 v18, v5  }
0x40f: {  	v31 =	vadd.s32 v3, v13;
	v30 =	vld [tilespmem:s21+$0xFFFFFFD0];
	[tilespmem:v15+s14+$0x0] =	vst.idx.msk $0xffff, v14;
	v14 =	vadd.f32 v21, v5  }
0x410: {  	v22 =	vadd.s32 v1, v8;
	v17 =	vld [tilespmem:s21+$0x10];
	v13 =	vadd.f32 v16, v5;
	[tilespmem:v24+s14+$0x0] =	vst.idx.msk $0xffff, v18  }
0x411: {  	s8 =	simm.s32 $0x8;
	v21 =	vadd.s32 v1, v10;
	[tilespmem:v29+s14+$0x0] =	vst.idx.msk $0xffff, v14;
	v18 =	vadd.f32 v28, v6;
	v16 =	vld [tilespmem:s12+$0xFFFFFFF0]  }
0x412: {  	v24 =	vmov s8;
	v14 =	vadd.s32 v1, v11;
	v15 =	vld [tilespmem:s12+$0x30];
	[tilespmem:v23+s14+$0x0] =	vst.idx.msk $0xffff, v13;
	v63 =	vadd.f32 v26, v4  }
0x413: {  	s6 =	simm.s32 $0xF880;
	s23 =	simm.s32 $0xB;
	v19 =	vadd.s32 v3, v19;
	v13 =	vand.u32 $0x7C, v24;
	v24 =	vadd.f32 v27, v6;
	[tilespmem:v25+s14+$0x0] =	vst.idx.msk $0xffff, v18;
	v18 =	vld [tilespmem:s12+$0xFFFFFFB0]  }
0x414: {  	v20 =	vadd.s32 v3, v20;
	v26 =	vmov s23;
	v23 =	vld [tilespmem:s6+$0x40];
	s12 =	simm.s32 $0xC;
	v25 =	vadd.f32 v30, v6;
	[tilespmem:v31+s14+$0x0] =	vst.idx.msk $0xffff, v63  }
.LBB2_31:
0x415: {  	p1 =	slt.u32 s12, $0x7C;
	s15 =	sadd.s32 $0x1, s8;
	v26 =	vand.u32 $0x7F, v26;
	[tilespmem:v22+s14+$0x0] =	vst.idx.msk $0xffff, v24;
	v17 =	vadd.f32 v17, v6;
	v22 =	vld [tilespmem:s21+$0x60];
	v24 =	vadd.s32 v3, v12  }
0x416: {  	v30 =	vmovc v11;
	v27 =	vld [tilespmem:s6+$0xFFFFFF80];
	v28 =	vmov s15;
	s15 =	sadd.s32 $0x2, s8;
	v29 =	vadd.s32 v0, v26;
	[tilespmem:v21+s14+$0x0] =	vst.idx.msk $0xffff, v25;
	v16 =	vadd.f32 v16, v4;
	s8 =	smov.u32 s12  }
0x417: {  	v12 =	vmovc v8;
	v21 =	vld [tilespmem:s6+$0xFFFFFFC0];
	v11 =	vmov s15;
	[tilespmem:v14+s14+$0x0] =	vst.idx.msk $0xffff, v17;
	v14 =	vadd.s32 v2, v7;
	v15 =	vadd.f32 v15, v4  }
0x418: {  	v17 =	vadd.s32 v0, v13;
	v28 =	vand.u32 $0x7D, v28;
	v25 =	vld [tilespmem:s6+$0x0];
	v31 =	vadd.f32 v18, v4;
	[tilespmem:v19+s14+$0x0] =	vst.idx.msk $0xffff, v16  }
0x419: {  	v16 =	vadd.s32 v0, v28;
	v11 =	vand.u32 $0x7E, v11;
	v18 =	vadd.f32 v23, v9;
	v19 =	vld [tilespmem:s21+$0xFFFFFFE0];
	[tilespmem:v20+s14+$0x0] =	vst.idx.msk $0xffff, v15  }
0x41a: {  	v8 =	vmov v13;
	v15 =	vadd.s32 v0, v11;
	v20 =	vld [tilespmem:s21+$0x20];
	v22 =	vadd.f32 v22, v5;
	[tilespmem:v24+s14+$0x0] =	vst.idx.msk $0xffff, v31  }
0x41b: {  	v23 =	vadd.s32 v2, v10;
	v13 =	vadd.f32 v27, v9;
	[tilespmem:v29+s14+$0x0] =	vst.idx.msk $0xffff, v18;
	v18 =	vld [tilespmem:s21+$0xFFFFFFA0]  }
0x41c: {  	v27 =	vadd.s32 v2, v30;
	v21 =	vadd.f32 v21, v9;
	v24 =	vld [tilespmem:s6+$0x50];
	[tilespmem:v14+s14+$0x0] =	vst.idx.msk $0xffff, v22  }
0x41d: {  	[tilespmem:v17+s14+$0x0] =	vst.idx.msk $0xffff, v13;
	v13 =	vadd.f32 v25, v9;
	v25 =	vadd.s32 v2, v12;
	v29 =	vld [tilespmem:s21+$0x70]  }
0x41e: {  	v32 =	vadd.s32 v1, v26;
	v31 =	vld [tilespmem:s6+$0xFFFFFF90];
	[tilespmem:v16+s14+$0x0] =	vst.idx.msk $0xffff, v21;
	v14 =	vadd.f32 v19, v5  }
0x41f: {  	v34 =	vadd.s32 v3, v7;
	v7 =	vmov v26;
	v33 =	vld [tilespmem:s6+$0xFFFFFFD0];
	[tilespmem:v15+s14+$0x0] =	vst.idx.msk $0xffff, v13;
	v13 =	vadd.f32 v20, v5  }
.Ltmp14:
0x420: {  	v22 =	vadd.s32 v1, v8;
	v17 =	vld [tilespmem:s6+$0x10];
	v15 =	vadd.f32 v18, v5;
	[tilespmem:v23+s14+$0x0] =	vst.idx.msk $0xffff, v14;
	(pc) =	sbr.rel @p1 .LBB2_31-.Ltmp14, $4  }
0x421: {  	v21 =	vadd.s32 v1, v28;
	v18 =	vadd.f32 v24, v6;
	v16 =	vld [tilespmem:s21+$0xFFFFFFF0];
	[tilespmem:v27+s14+$0x0] =	vst.idx.msk $0xffff, v13  }
0x422: {  	v14 =	vadd.s32 v1, v11;
	v13 =	vmov s12;
	[tilespmem:v25+s14+$0x0] =	vst.idx.msk $0xffff, v15;
	v15 =	vld [tilespmem:s21+$0x30];
	v27 =	vadd.f32 v29, v4  }
0x423: {  	s15 =	sadd.s32 $0x3, s12;
	v19 =	vadd.s32 v3, v10;
	v13 =	vand.u32 $0x7C, v13;
	v24 =	vadd.f32 v31, v6;
	[tilespmem:v32+s14+$0x0] =	vst.idx.msk $0xffff, v18;
	v18 =	vld [tilespmem:s21+$0xFFFFFFB0];
	s21 =	smov.u32 s6;
	s6 =	sadd.s32 $0x100, s6  }
0x424: {  	v26 =	vmov s15;
	v10 =	vmovc v28;
	v20 =	vadd.s32 v3, v30;
	s12 =	sadd.s32 $0x4, s12;
	v23 =	vld [tilespmem:s6+$0x40];
	v25 =	vadd.f32 v33, v6;
	[tilespmem:v34+s14+$0x0] =	vst.idx.msk $0xffff, v27  }
0x425: {  	s12 =	sadd.s32 $0x1, s8  }
0x426: {  	v26 =	vand.u32 $0x7F, v26;
	s23 =	sadd.s32 $0x2, s8;
	v28 =	vld [tilespmem:s6+$0xFFFFFFC0];
	v27 =	vmov s12  }
0x427: {  	v31 =	vld [tilespmem:s6+$0x0];
	v29 =	vadd.s32 v0, v26;
	v30 =	vmov s23;
	v27 =	vand.u32 $0x7D, v27  }
0x428: {  	v32 =	vld [tilespmem:s6+$0xFFFFFF80];
	v30 =	vand.u32 $0x7E, v30;
	v33 =	vadd.s32 v0, v27  }
0x429: {  	v34 =	vadd.s32 v0, v30  }
0x42a: {  	[tilespmem:v22+s14+$0x0] =	vst.idx.msk $0xffff, v24;
	v44 =	vadd.s32 v0, v13;
	v23 =	vadd.f32 v23, v9  }
0x42b: {  	[tilespmem:v21+s14+$0x0] =	vst.idx.msk $0xffff, v25;
	v45 =	vadd.f32 v28, v9  }
0x42c: {  	v46 =	vadd.f32 v31, v9;
	[tilespmem:v29+s14+$0x0] =	vst.idx.msk $0xffff, v23  }
0x42d: {  	v47 =	vadd.f32 v32, v9;
	v48 =	vld [tilespmem:s6+$0x50];
	[tilespmem:v33+s14+$0x0] =	vst.idx.msk $0xffff, v45  }
0x42e: {  	v17 =	vadd.f32 v17, v6;
	v12 =	vadd.s32 v3, v12;
	[tilespmem:v34+s14+$0x0] =	vst.idx.msk $0xffff, v46;
	v21 =	vld [tilespmem:s6+$0xFFFFFFD0]  }
0x42f: {  	v16 =	vadd.f32 v16, v4;
	v49 =	vadd.s32 v1, v26;
	[tilespmem:v44+s14+$0x0] =	vst.idx.msk $0xffff, v47;
	v50 =	vld [tilespmem:s6+$0x10]  }
0x430: {  	[tilespmem:v14+s14+$0x0] =	vst.idx.msk $0xffff, v17;
	v51 =	vadd.f32 v15, v4;
	v53 =	vadd.s32 v1, v27;
	v52 =	vld [tilespmem:s6+$0xFFFFFF90]  }
0x431: {  	v54 =	vld [tilespmem:s21+$0x60];
	v18 =	vadd.f32 v18, v4;
	[tilespmem:v19+s14+$0x0] =	vst.idx.msk $0xffff, v16;
	v55 =	vadd.s32 v1, v30  }
0x432: {  	v57 =	vadd.s32 v1, v13;
	v60 =	vld [tilespmem:s21+$0x20];
	[tilespmem:v20+s14+$0x0] =	vst.idx.msk $0xffff, v51;
	v58 =	vadd.f32 v48, v6  }
0x433: {  	v59 =	vadd.s32 v2, v7;
	v56 =	vld [tilespmem:s21+$0xFFFFFFE0];
	[tilespmem:v12+s14+$0x0] =	vst.idx.msk $0xffff, v18;
	v61 =	vadd.f32 v21, v6  }
0x434: {  	v62 =	vld [tilespmem:s21+$0xFFFFFFA0];
	v29 =	vadd.s32 v2, v11;
	[tilespmem:v49+s14+$0x0] =	vst.idx.msk $0xffff, v58;
	v28 =	vadd.f32 v50, v6  }
0x435: {  	v63 =	vadd.s32 v2, v10;
	v31 =	vadd.f32 v52, v6;
	v32 =	vld [tilespmem:s6+$0x60];
	[tilespmem:v53+s14+$0x0] =	vst.idx.msk $0xffff, v61  }
0x436: {  	v33 =	vadd.f32 v54, v5;
	v34 =	vadd.s32 v2, v8;
	[tilespmem:v55+s14+$0x0] =	vst.idx.msk $0xffff, v28;
	v35 =	vld [tilespmem:s6+$0xFFFFFFE0]  }
0x437: {  	v37 =	vadd.s32 v2, v26;
	v39 =	vadd.f32 v60, v5;
	[tilespmem:v57+s14+$0x0] =	vst.idx.msk $0xffff, v31;
	v38 =	vld [tilespmem:s6+$0x20]  }
0x438: {  	v41 =	vadd.s32 v2, v27;
	v36 =	vadd.f32 v56, v5;
	[tilespmem:v59+s14+$0x0] =	vst.idx.msk $0xffff, v33;
	v40 =	vld [tilespmem:s6+$0xFFFFFFA0]  }
0x439: {  	v43 =	vadd.s32 v2, v30;
	v18 =	vadd.f32 v62, v5;
	v42 =	vld [tilespmem:s21+$0x70];
	[tilespmem:v29+s14+$0x0] =	vst.idx.msk $0xffff, v39  }
0x43a: {  	v45 =	vadd.s32 v2, v13;
	[tilespmem:v63+s14+$0x0] =	vst.idx.msk $0xffff, v36;
	v47 =	vld [tilespmem:s21+$0x30];
	v44 =	vadd.f32 v32, v5  }
0x43b: {  	v46 =	vadd.s32 v3, v7;
	[tilespmem:v34+s14+$0x0] =	vst.idx.msk $0xffff, v18;
	v21 =	vld [tilespmem:s21+$0xFFFFFFF0];
	v9 =	vadd.f32 v35, v5  }
0x43c: {  	v18 =	vld [tilespmem:s21+$0xFFFFFFB0];
	v50 =	vadd.s32 v3, v11;
	[tilespmem:v37+s14+$0x0] =	vst.idx.msk $0xffff, v44;
	v49 =	vadd.f32 v38, v5  }
0x43d: {  	v48 =	vadd.s32 v3, v10;
	v5 =	vadd.f32 v40, v5;
	v12 =	vld [tilespmem:s6+$0x70];
	[tilespmem:v41+s14+$0x0] =	vst.idx.msk $0xffff, v9  }
0x43e: {  	v52 =	vadd.s32 v3, v8;
	v51 =	vadd.f32 v42, v4;
	[tilespmem:v43+s14+$0x0] =	vst.idx.msk $0xffff, v49;
	v53 =	vld [tilespmem:s6+$0xFFFFFFF0]  }
0x43f: {  	v55 =	vadd.s32 v3, v26;
	v56 =	vadd.f32 v47, v4;
	[tilespmem:v45+s14+$0x0] =	vst.idx.msk $0xffff, v5;
	v5 =	vld [tilespmem:s6+$0x30]  }
0x440: {  	v58 =	vadd.s32 v3, v27;
	[tilespmem:v46+s14+$0x0] =	vst.idx.msk $0xffff, v51;
	v54 =	vadd.f32 v21, v4;
	v57 =	vld [tilespmem:s6+$0xFFFFFFB0]  }
0x441: {  	v60 =	vadd.s32 v3, v30;
	v59 =	vadd.f32 v18, v4;
	[tilespmem:v50+s14+$0x0] =	vst.idx.msk $0xffff, v56  }
0x442: {  	v62 =	vadd.s32 v3, v13;
	[tilespmem:v48+s14+$0x0] =	vst.idx.msk $0xffff, v54;
	v61 =	vadd.f32 v12, v4  }
0x443: {  	[tilespmem:v52+s14+$0x0] =	vst.idx.msk $0xffff, v59;
	v63 =	vadd.f32 v53, v4  }
0x444: {  	[tilespmem:v55+s14+$0x0] =	vst.idx.msk $0xffff, v61;
	v5 =	vadd.f32 v5, v4  }
0x445: {  	v4 =	vadd.f32 v57, v4;
	[tilespmem:v58+s14+$0x0] =	vst.idx.msk $0xffff, v63  }
0x446: {  	s6 =	sadd.s32 @!p0 $0x380, s18;
	[tilespmem:v60+s14+$0x0] =	vst.idx.msk $0xffff, v5  }
0x447: {  	s8 =	simm.s32 @!p0 $0x80;
	s12 =	simm.s32 @!p0 $0xF600;
	s6 =	sand.u32 @!p0 $0xFF80, s6;
	[tilespmem:v62+s14+$0x0] =	vst.idx.msk $0xffff, v4  }
0x448: {  	[tilespmem:s12], [sflag:$0x4] =	stream.indirect.gather @!p0 [hbm4b:s5+s8], $0x40, s6, s8, $0xb8;
	[tilespmem:$0x19E00] =	vst v63  }
0x449: {  	s8 =	sshll.u32 s19, $0x12  }
0x44a: {  	s6 =	sor.u32 s4, s8  }
0x44b: {  	s6 =	sshrl.u32 s6, $0x3  }
0x44c: {  	s12 =	simm.s32 $0x17C00;
	s8 =	sadd.s32 s2, s6  }
0x44d: {  	[hbm4b:s8+s3] =	stream.linear.scatter [tilespmem:s12], [sflag:$0x8], $0x80, $0x38;
	[tilespmem:$0x19E00] =	vst v63  }
0x44e: {  	s15 =	simm.s32 $0x17C88;
	s17 =	sadd.s32 $0x10, s8  }
0x44f: {  	[hbm4b:s17+s3] =	stream.linear.scatter [tilespmem:s15], [sflag:$0x8], $0x80, $0x38;
	[tilespmem:$0x19E00] =	vst v63  }
0x450: {  	s21 =	simm.s32 $0x17D98;
	s18 =	simm.s32 $0x17D10;
	s19 =	sadd.s32 $0x20, s8  }
0x451: {  	[hbm4b:s19+s3] =	stream.linear.scatter [tilespmem:s18], [sflag:$0x8], $0x80, $0x38;
	[tilespmem:$0x19E00] =	vst v63  }
0x452: {  	s6 =	simm.s32 $0x440;
	s23 =	sadd.s32 $0x30, s8;
	s12 =	simm.s32 $0x2200  }
0x453: {  	[hbm4b:s23+s3] =	stream.linear.scatter [tilespmem:s21], [sflag:$0x8], $0x80, $0x38;
	[tilespmem:$0x19E00] =	vst v63  }
0x454: {  	s15 =	simm.s32 $0x17E20;
	s17 =	sadd.s32 $0x40, s8;
	s18 =	simm.s32 $0x17EA8  }
0x455: {  	[hbm4b:s17+s3] =	stream.linear.scatter [tilespmem:s15], [sflag:$0x8], $0x80, $0x38;
	[tilespmem:$0x19E00] =	vst v63  }
0x456: {  	s19 =	sadd.s32 $0x50, s8;
	s21 =	simm.s32 $0x17F30;
	s23 =	sadd.s32 $0x60, s8  }
0x457: {  	[hbm4b:s19+s3] =	stream.linear.scatter [tilespmem:s18], [sflag:$0x8], $0x80, $0x38;
	[tilespmem:$0x19E00] =	vst v63  }
0x458: {  	s18 =	simm.s32 $0x17FB8;
	s19 =	sadd.s32 $0x70, s8;
	s8 =	sadd.s32 $0x1000, s8  }
0x459: {  	[hbm4b:s23+s3] =	stream.linear.scatter [tilespmem:s21], [sflag:$0x8], $0x80, $0x38;
	[tilespmem:$0x19E00] =	vst v63  }
.LBB2_33:
0x45a: {  	[hbm4b:s19+s3] =	stream.linear.scatter [tilespmem:s18], [sflag:$0x8], $0x80, $0x38;
	[tilespmem:$0x19E00] =	vst v63  }
0x45b: {  	s15 =	smov.u32 s6;
	s6 =	smov.u32 s12  }
0x45c: {  	s17 =	sadd.s32 $0x1100, s12;
	s6 =	sshra.s32 s6, $0x2;
	s18 =	sadd.s32 $0x17C00, s15  }
0x45d: {  	[hbm4b:s8+s3] =	stream.linear.scatter [tilespmem:s18], [sflag:$0x8], $0x80, $0x38;
	[tilespmem:$0x19E00] =	vst v63  }
0x45e: {  	p0 =	sne.s32 s12, $0x7700;
	s12 =	sadd.s32 $0x17C88, s15;
	s18 =	sadd.s32 $0x10, s8  }
0x45f: {  	[hbm4b:s18+s3] =	stream.linear.scatter [tilespmem:s12], [sflag:$0x8], $0x80, $0x38;
	[tilespmem:$0x19E00] =	vst v63  }
0x460: {  	s12 =	sadd.s32 $0x17D10, s15;
	s18 =	sadd.s32 $0x20, s8  }
0x461: {  	[hbm4b:s18+s3] =	stream.linear.scatter [tilespmem:s12], [sflag:$0x8], $0x80, $0x38;
	[tilespmem:$0x19E00] =	vst v63  }
0x462: {  	s12 =	sadd.s32 $0x17D98, s15;
	s18 =	sadd.s32 $0x30, s8  }
0x463: {  	[hbm4b:s18+s3] =	stream.linear.scatter [tilespmem:s12], [sflag:$0x8], $0x80, $0x38;
	[tilespmem:$0x19E00] =	vst v63  }
0x464: {  	s12 =	sadd.s32 $0x17E20, s15;
	s18 =	sadd.s32 $0x40, s8  }
0x465: {  	[hbm4b:s18+s3] =	stream.linear.scatter [tilespmem:s12], [sflag:$0x8], $0x80, $0x38;
	[tilespmem:$0x19E00] =	vst v63  }
.Ltmp15:
0x466: {  	s12 =	sadd.s32 $0x17EA8, s15;
	s18 =	sadd.s32 $0x50, s8;
	(pc) =	sbr.rel @p0 .LBB2_33-.Ltmp15, $4  }
0x467: {  	[hbm4b:s18+s3] =	stream.linear.scatter [tilespmem:s12], [sflag:$0x8], $0x80, $0x38;
	[tilespmem:$0x19E00] =	vst v63  }
0x468: {  	s19 =	sadd.s32 $0x70, s8;
	s12 =	sadd.s32 $0x17F30, s15;
	s18 =	sadd.s32 $0x60, s8  }
0x469: {  	[hbm4b:s18+s3] =	stream.linear.scatter [tilespmem:s12], [sflag:$0x8], $0x80, $0x38;
	[tilespmem:$0x19E00] =	vst v63  }
0x46a: {  	s8 =	sadd.s32 $0x1000, s8;
	s18 =	sadd.s32 $0x17FB8, s15;
	s12 =	smov.u32 s17  }
0x46b: {  	[hbm4b:s19+s3] =	stream.linear.scatter [tilespmem:s18], [sflag:$0x8], $0x80, $0x38;
	[tilespmem:$0x19E00] =	vst v63  }
0x46c: {  	s12 =	sadd.s32 $0x17C00, s6  }
0x46d: {  	[hbm4b:s8+s3] =	stream.linear.scatter [tilespmem:s12], [sflag:$0x8], $0x80, $0x38;
	[tilespmem:$0x19E00] =	vst v63  }
0x46e: {  	s23 =	sadd.s32 $0x17C88, s6;
	s15 =	sadd.s32 $0x10, s8  }
0x46f: {  	[hbm4b:s15+s3] =	stream.linear.scatter [tilespmem:s23], [sflag:$0x8], $0x80, $0x38;
	[tilespmem:$0x19E00] =	vst v63  }
0x470: {  	s17 =	sadd.s32 $0x20, s8;
	s15 =	sadd.s32 $0x17D10, s6  }
0x471: {  	[hbm4b:s17+s3] =	stream.linear.scatter [tilespmem:s15], [sflag:$0x8], $0x80, $0x38;
	[tilespmem:$0x19E00] =	vst v63  }
0x472: {  	s18 =	sadd.s32 $0x17D98, s6;
	s19 =	sadd.s32 $0x30, s8  }
0x473: {  	[hbm4b:s19+s3] =	stream.linear.scatter [tilespmem:s18], [sflag:$0x8], $0x80, $0x38;
	[tilespmem:$0x19E00] =	vst v63  }
0x474: {  	s21 =	sadd.s32 $0x17E20, s6;
	s16 =	sadd.s32 $0x1, s16;
	s23 =	sadd.s32 $0x40, s8  }
0x475: {  	[hbm4b:s23+s3] =	stream.linear.scatter [tilespmem:s21], [sflag:$0x8], $0x80, $0x38;
	[tilespmem:$0x19E00] =	vst v63  }
0x476: {  	p0 =	sne.s32 s16, $0x32;
	s15 =	sadd.s32 $0x17EA8, s6;
	s17 =	sadd.s32 $0x50, s8  }
0x477: {  	[hbm4b:s17+s3] =	stream.linear.scatter [tilespmem:s15], [sflag:$0x8], $0x80, $0x38;
	[tilespmem:$0x19E00] =	vst v63  }
.Ltmp16:
0x478: {  	_ = 	snop;
	(pc) =	sbr.rel @p0 .LBB2_18-.Ltmp16, $4  }
0x479: {  	s18 =	sadd.s32 $0x17F30, s6;
	s19 =	sadd.s32 $0x60, s8  }
0x47a: {  	[hbm4b:s19+s3] =	stream.linear.scatter [tilespmem:s18], [sflag:$0x8], $0x80, $0x38;
	[tilespmem:$0x19E00] =	vst v63  }
0x47b: {  	s21 =	sadd.s32 $0x17FB8, s6;
	s23 =	sadd.s32 $0x70, s8  }
0x47c: {  	[hbm4b:s23+s3] =	stream.linear.scatter [tilespmem:s21], [sflag:$0x8], $0x80, $0x38;
	[tilespmem:$0x19E00] =	vst v63  }
0x47d: {  	_ =	swait.ge [sflag:s20], $0x2000  }
0x47e: {  	[sflag:s20] =	ssyncset.done $0x0  }
0x47f: {  	[sflag:s20] =	ssyncadd.s32 $0xFFFFE000  }
0x480: {  	_ =	swait.ge [sflag:s22], $0x2000  }
0x481: {  	[sflag:s22] =	ssyncset.done $0x0  }
0x482: {  	[sflag:s22] =	ssyncadd.s32 $0xFFFFE000  }
0x483: {  	_ =	swait.ge [sflag:s26], $0x2000  }
0x484: {  	[sflag:s26] =	ssyncset.done $0x0  }
0x485: {  	[sflag:s26] =	ssyncadd.s32 $0xFFFFE000  }
0x486: {  	_ =	swait.ge [sflag:s30], $0x2000  }
0x487: {  	s1 =	sadd.s32 $0x1, s1;
	s6 =	rddreg [dreg:$0x6]  }
0x488: {  	p0 =	sne.s32 s1, s6  }
.Ltmp17:
0x489: {  	_ = 	snop;
	(pc) =	sbr.rel @p0 .LBB2_1-.Ltmp17, $3  }
0x48a: {  	_ =	sdelay $0x1  }
0x48b: {  	[sflag:s30] =	ssyncset.done $0x0  }
0x48c: {  	s15 =	simm.s32 $0x80;
	s17 =	simm.s32 $0x9600;
	[sflag:s30] =	ssyncadd.s32 $0xFFFFE000  }
0x48d: {  	_ =	sfence.sel $0x180000  }
0x48e: {  	[bflag:$0x0] =	sbarrier.arrive $0xFFFF  }
0x48f: {  	_ =	strace $0x90000047  }
0x490: {  	s0 =	stileid.u32;
	[bflag:$0x2] =	sbarrier.arrive $0xFFFF  }
0x491: {  	p0 =	sne.s32 s0, $0x0;
	s0 =	rddreg [dreg:$0x3]  }
0x492: {  	s0 =	sadd.s32 @!p0 $0x100000, s0  }
0x493: {  	[sflag:s0] =	ssyncadd.tile.s32 @!p0 $0x1;
	_ =	shalt  }
.Lfunc_end2:
_tile_overlayer_lowered:
.L_overlay_start_2:
0x494: {  	(tag) =	ssettag $0x2  }
0x495: {  	s0 =	rddreg [dreg:$0x0];
	s2 =	stileid.u32  }
0x496: {  	s1 =	rddreg [dreg:$0x1];
	p0 =	sne.s32 s2, $0x0  }
0x497: {  	s3 =	rddreg [dreg:$0x2];
	[bflag:$0x3] =	sbarrier.arrive $0xFFFF;
	s2 =	simm.s32 @!p0 $0x1C09  }
0x498: {  	[timem:s3], [sflag:s2] =	dma.local @!p0 [hbm:s0], s1  }
0x499: {  	s0 =	simm.s32 @!p0 $0x9  }
0x49a: {  	_ =	swait.ge @!p0 [sflag:s0], s1  }
0x49b: {  	s1 =	ssub.s32 @!p0 $0x0, s1;
	[sflag:s0] =	ssyncset.done @!p0 $0x0  }
0x49c: {  	[sflag:s0] =	ssyncadd.s32 @!p0 s1  }
0x49d: {  	[bflag:$0x3] =	sbarrier.arrive $0xFFFF  }
0x49e: {  	_ =	shalt  }

</sc_bundles>
